<compile_context>
chip_gen: v7x
topology: tpu7x:2x2x1
jax: 0.10.2.dev20260603
libtpu: 0.0.44.dev20260713+nightly
codegen_flags: <defaults>
</compile_context>

<pallas_src>
import functools

import jax
import jax.numpy as jnp
from jax import lax
from jax.experimental import pallas as pl
from jax.experimental.pallas import tpu as pltpu
from jax.experimental.pallas import tpu_sc as plsc

_VOCAB = 100000
_EMBED = 64
_B = 4096
_S = 50
_NC = 2
_NS = 16
_L = 16
_G = 8
_CB = 2048
_NFULL = _VOCAB // _CB
_TAILA = 1664
_TAILB = 32

_LOG1P_C = (
    9.999450501e-01, -4.970314631e-01, 3.065628442e-01, -1.578400499e-01,
    4.155156826e-02,
)


def _softplus16(x):
    t = jnp.exp(jnp.minimum(x, -x))
    q = jnp.full((_L,), _LOG1P_C[-1], jnp.float32)
    for c in _LOG1P_C[-2::-1]:
        q = q * t + c
    return jnp.maximum(x, 0.0) + t * q


def _pack16(a, b):
    return plsc.bitcast(
        plsc.pack(a, b, format=plsc.PackFormat.INTERLEAVED), jnp.float32)


def _unpack16(w):
    a, b = plsc.unpack(
        plsc.bitcast(w, jnp.bfloat16), format=plsc.PackFormat.INTERLEAVED)
    return a.astype(jnp.float32), b.astype(jnp.float32)


def _make_tgather():
    mesh = plsc.VectorSubcoreMesh(
        core_axis_name="c", subcore_axis_name="s",
        num_cores=_NC, num_subcores=_NS)

    @functools.partial(
        pl.kernel,
        out_type=jax.ShapeDtypeStruct((_S, _EMBED, _B), jnp.float32),
        mesh=mesh,
        compiler_params=pltpu.CompilerParams(needs_layout_passes=False),
        scratch_types=[
            pltpu.VMEM((_VOCAB,), jnp.float32),
            [pltpu.VMEM((_B,), jnp.int32) for _ in range(2)],
            [pltpu.VMEM((1, 2, _B), jnp.float32) for _ in range(2)],
            [pltpu.VMEM((1, _CB), jnp.float32) for _ in range(2)],
            pltpu.VMEM((1, _TAILA), jnp.float32),
            pltpu.VMEM((_TAILB,), jnp.float32),
            [pltpu.SemaphoreType.DMA for _ in range(2)],
            [pltpu.SemaphoreType.DMA for _ in range(2)],
            [pltpu.SemaphoreType.DMA for _ in range(2)],
        ],
    )
    def tgather(rawT_hbm, idxT_hbm, rawtail_hbm, out_hbm, tbl_v, idx_bufs,
                out_bufs, bbufs, tailbuf, tail2, sem_idx, sem_out, sem_b):
        wid = lax.axis_index("s") * _NC + lax.axis_index("c")
        e0 = wid * 2

        pltpu.async_copy(idxT_hbm.at[0], idx_bufs[0], sem_idx[0])
        pltpu.async_copy(idxT_hbm.at[1], idx_bufs[1], sem_idx[1])
        with jax.named_scope("tbl_load"):
            pltpu.sync_copy(rawT_hbm.at[e0], tbl_v)
        pltpu.async_copy(rawT_hbm.at[pl.ds(e0 + 1, 1), pl.ds(0, _CB)], bbufs[0], sem_b[0])
        pltpu.async_copy(rawT_hbm.at[pl.ds(e0 + 1, 1), pl.ds(_CB, _CB)], bbufs[1], sem_b[1])

        def _pack_chunk(cw, bbuf, nwords):
            @pl.loop(0, nwords // (_L * _G))
            def _pk(g):
                base = g * (_L * _G)
                offs = [base + j * _L for j in range(_G)]
                avs = [tbl_v[pl.ds(cw + o, _L)] for o in offs]
                bvs = [bbuf[0, pl.ds(o, _L)] for o in offs]
                pas = [_softplus16(a) for a in avs]
                pbs = [_softplus16(b) for b in bvs]
                pks = [_pack16(pa, pb) for pa, pb in zip(pas, pbs)]
                for j in range(_G):
                    tbl_v[pl.ds(cw + offs[j], _L)] = pks[j]

        with jax.named_scope("softplus_pack"):
            @pl.loop(0, _NFULL // 2)
            def _pair(p):
                for par in range(2):
                    c = 2 * p + par
                    bbuf, sem = bbufs[par], sem_b[par]
                    pltpu.make_async_copy(
                        rawT_hbm.at[pl.ds(e0 + 1, 1), pl.ds(0, _CB)], bbuf,
                        sem).wait()
                    _pack_chunk(c * _CB, bbuf, _CB)

                    @pl.when(c + 2 < _NFULL)
                    def _(c=c, bbuf=bbuf, sem=sem):
                        pltpu.async_copy(
                            rawT_hbm.at[pl.ds(e0 + 1, 1),
                                        pl.ds((c + 2) * _CB, _CB)],
                            bbuf, sem)

            pltpu.sync_copy(
                rawT_hbm.at[pl.ds(e0 + 1, 1), pl.ds(_NFULL * _CB, _TAILA)],
                tailbuf)
            _pack_chunk(_NFULL * _CB, tailbuf, _TAILA)
            pltpu.sync_copy(rawtail_hbm.at[e0 + 1], tail2)
            t2base = _NFULL * _CB + _TAILA
            for j in range(_TAILB // _L):
                a = tbl_v[pl.ds(t2base + j * _L, _L)]
                b = tail2[pl.ds(j * _L, _L)]
                tbl_v[pl.ds(t2base + j * _L, _L)] = _pack16(
                    _softplus16(a), _softplus16(b))

        def _gather_slab(s, bi):
            idx_v, out2, sem_o = idx_bufs[bi], out_bufs[bi], sem_out[bi]
            pltpu.make_async_copy(idxT_hbm.at[s], idx_v, sem_idx[bi]).wait()

            @pl.when(s >= 2)
            def _():
                pltpu.make_async_copy(
                    out2, out_hbm.at[pl.ds(s, 1), pl.ds(e0, 2)], sem_o).wait()

            @pl.loop(0, _B // (_L * _G))
            def _g(g):
                base = g * (_L * _G)
                ivs = [idx_v[pl.ds(base + j * _L, _L)] for j in range(_G)]
                ws = [plsc.load_gather(tbl_v, [iv]) for iv in ivs]
                abs_ = [_unpack16(w) for w in ws]
                for j in range(_G):
                    out2[0, 0, pl.ds(base + j * _L, _L)] = abs_[j][0]
                    out2[0, 1, pl.ds(base + j * _L, _L)] = abs_[j][1]

            pltpu.async_copy(out2, out_hbm.at[pl.ds(s, 1), pl.ds(e0, 2)], sem_o)

            @pl.when(s + 2 < _S)
            def _():
                pltpu.async_copy(idxT_hbm.at[s + 2], idx_v, sem_idx[bi])

        @pl.loop(0, _S // 2)
        def _slab2(i):
            _gather_slab(2 * i, 0)
            _gather_slab(2 * i + 1, 1)

        pltpu.make_async_copy(
            out_bufs[0], out_hbm.at[pl.ds(_S - 2, 1), pl.ds(e0, 2)], sem_out[0]).wait()
        pltpu.make_async_copy(
            out_bufs[1], out_hbm.at[pl.ds(_S - 1, 1), pl.ds(e0, 2)], sem_out[1]).wait()

    return tgather


def kernel(idx, raw):
    rawT = jnp.transpose(raw)
    idxT = jnp.transpose(idx.astype(jnp.int32))
    raw_tail = jnp.transpose(raw[_NFULL * _CB + _TAILA:, :])
    outT = _make_tgather()(rawT, idxT, raw_tail)
    return jnp.transpose(outT, (2, 0, 1))

# --- scband reference (transcript-rebuilt; emitter-appended) ---
"""Pipeline reference for scband-positive-embedding-hk-44220983279909 (READ-ONLY COPY).

The authoritative reference and input builder live on the scoring server;
editing this copy changes nothing except your own understanding.
"""

import jax, jax.numpy as jnp
import numpy as np
import math

VOCAB = 100000
EMBED = 64

def setup_inputs(seed: int = 0) -> dict:
    key = jax.random.key(seed)
    k_idx, k_raw = jax.random.split(key)
    idx = jax.random.randint(k_idx, (4096, 50), 0, VOCAB, dtype=jnp.int64 if jax.config.read('jax_enable_x64') else jnp.int32)
    mean = math.log(math.sqrt(2.0 / VOCAB))
    raw = mean + 0.2 * jax.random.normal(k_raw, (VOCAB, EMBED), dtype=jnp.float32)
    return {"idx": idx, "raw": raw}

def reference(idx, raw):
    # weight = softplus(raw); then gather rows by idx -> (B, S, D)
    weight = jax.nn.softplus(raw)
    return jnp.take(weight, idx, axis=0)

if __name__ == "__main__":
    import jax
    _d = setup_inputs()
    print(jax.jit(kernel)(*tuple(_d.values())))

</pallas_src>

<mosaic_0001>
#map = affine_map<(d0, d1) -> (0, 0)>
#map1 = affine_map<(d0, d1) -> (0, 0, 0)>
module attributes {stable_mosaic.version = 14 : i64} {
  func.func @tgather(%arg0: i32, %arg1: i32, %arg2: memref<64x100000xf32, #tpu.memory_space<hbm>>, %arg3: memref<50x4096xi32, #tpu.memory_space<hbm>>, %arg4: memref<64x32xf32, #tpu.memory_space<hbm>>, %arg5: memref<50x64x4096xf32, #tpu.memory_space<hbm>>, %arg6: memref<100000xf32, #tpu.memory_space<vmem>>, %arg7: memref<4096xi32, #tpu.memory_space<vmem>>, %arg8: memref<4096xi32, #tpu.memory_space<vmem>>, %arg9: memref<1x2x4096xf32, #tpu.memory_space<vmem>>, %arg10: memref<1x2x4096xf32, #tpu.memory_space<vmem>>, %arg11: memref<1x2048xf32, #tpu.memory_space<vmem>>, %arg12: memref<1x2048xf32, #tpu.memory_space<vmem>>, %arg13: memref<1x1664xf32, #tpu.memory_space<vmem>>, %arg14: memref<32xf32, #tpu.memory_space<vmem>>, %arg15: memref<!tpu.dma_semaphore, #tpu.memory_space<semaphore_mem>>, %arg16: memref<!tpu.dma_semaphore, #tpu.memory_space<semaphore_mem>>, %arg17: memref<!tpu.dma_semaphore, #tpu.memory_space<semaphore_mem>>, %arg18: memref<!tpu.dma_semaphore, #tpu.memory_space<semaphore_mem>>, %arg19: memref<!tpu.dma_semaphore, #tpu.memory_space<semaphore_mem>>, %arg20: memref<!tpu.dma_semaphore, #tpu.memory_space<semaphore_mem>>) attributes {dimension_semantics = [#tpu.dimension_semantics<core_parallel>, #tpu.dimension_semantics<subcore_parallel>], iteration_bounds = array<i64: 2, 16>, scalar_prefetch = 0 : i64, scratch_operands = 15 : i64, tpu.core_type = #tpu.core_type<sc_vector_subcore>, window_params = [{transform_indices = #map}, {transform_indices = #map}, {transform_indices = #map}, {transform_indices = #map1}]} {
    %mul3A = arith.constant 2 : i32
    %mul3A_0 = arith.muli %arg1, %mul3A : i32
    %add3A = arith.addi %mul3A_0, %arg0 : i32
    %mul3A_1 = arith.constant 2 : i32
    %mul3A_2 = arith.muli %add3A, %mul3A_1 : i32
    %dma_start3A = arith.constant 0 : i32
    %dma_start3A_3 = arith.constant 0 : i32
    %dma_start3A_4 = tpu.memref_slice %arg3[%dma_start3A, %dma_start3A_3] : memref<50x4096xi32, #tpu.memory_space<hbm>> -> memref<1x4096xi32, #tpu.memory_space<hbm>>
    %dma_start3A_5 = tpu.memref_squeeze %dma_start3A_4 : memref<1x4096xi32, #tpu.memory_space<hbm>> -> memref<4096xi32, #tpu.memory_space<hbm>>
    %dma_start3A_6 = arith.constant 0 : i32
    %dma_start3A_7 = tpu.memref_slice %arg3[%dma_start3A, %dma_start3A_6] : memref<50x4096xi32, #tpu.memory_space<hbm>> -> memref<1x4096xi32, #tpu.memory_space<hbm>>
    %dma_start3A_8 = tpu.memref_squeeze %dma_start3A_7 : memref<1x4096xi32, #tpu.memory_space<hbm>> -> memref<4096xi32, #tpu.memory_space<hbm>>
    tpu.enqueue_dma source(%dma_start3A_8 : memref<4096xi32, #tpu.memory_space<hbm>>) target(%arg7 : memref<4096xi32, #tpu.memory_space<vmem>>) target_semaphore(%arg15 : memref<!tpu.dma_semaphore, #tpu.memory_space<semaphore_mem>>)
    %dma_start3A_9 = arith.constant 1 : i32
    %dma_start3A_10 = arith.constant 0 : i32
    %dma_start3A_11 = tpu.memref_slice %arg3[%dma_start3A_9, %dma_start3A_10] : memref<50x4096xi32, #tpu.memory_space<hbm>> -> memref<1x4096xi32, #tpu.memory_space<hbm>>
    %dma_start3A_12 = tpu.memref_squeeze %dma_start3A_11 : memref<1x4096xi32, #tpu.memory_space<hbm>> -> memref<4096xi32, #tpu.memory_space<hbm>>
    %dma_start3A_13 = arith.constant 0 : i32
    %dma_start3A_14 = tpu.memref_slice %arg3[%dma_start3A_9, %dma_start3A_13] : memref<50x4096xi32, #tpu.memory_space<hbm>> -> memref<1x4096xi32, #tpu.memory_space<hbm>>
    %dma_start3A_15 = tpu.memref_squeeze %dma_start3A_14 : memref<1x4096xi32, #tpu.memory_space<hbm>> -> memref<4096xi32, #tpu.memory_space<hbm>>
    tpu.enqueue_dma source(%dma_start3A_15 : memref<4096xi32, #tpu.memory_space<hbm>>) target(%arg8 : memref<4096xi32, #tpu.memory_space<vmem>>) target_semaphore(%arg16 : memref<!tpu.dma_semaphore, #tpu.memory_space<semaphore_mem>>)
    "tpu.trace_start"() <{level = 10 : i32, message = "tbl_load"}> : () -> ()
    "tpu.region"() ({
      %run_scoped3A = tpu.sem_alloc : memref<!tpu.dma_semaphore, #tpu.memory_space<semaphore_mem>>
      %dma_start3A_176 = arith.constant 0 : i32
      %dma_start3A_177 = tpu.memref_slice %arg2[%mul3A_2, %dma_start3A_176] : memref<64x100000xf32, #tpu.memory_space<hbm>> -> memref<1x100000xf32, #tpu.memory_space<hbm>>
      %dma_start3A_178 = tpu.memref_squeeze %dma_start3A_177 : memref<1x100000xf32, #tpu.memory_space<hbm>> -> memref<100000xf32, #tpu.memory_space<hbm>>
      %dma_start3A_179 = arith.constant 0 : i32
      %dma_start3A_180 = tpu.memref_slice %arg2[%mul3A_2, %dma_start3A_179] : memref<64x100000xf32, #tpu.memory_space<hbm>> -> memref<1x100000xf32, #tpu.memory_space<hbm>>
      %dma_start3A_181 = tpu.memref_squeeze %dma_start3A_180 : memref<1x100000xf32, #tpu.memory_space<hbm>> -> memref<100000xf32, #tpu.memory_space<hbm>>
      tpu.enqueue_dma source(%dma_start3A_181 : memref<100000xf32, #tpu.memory_space<hbm>>) target(%arg6 : memref<100000xf32, #tpu.memory_space<vmem>>) target_semaphore(%run_scoped3A : memref<!tpu.dma_semaphore, #tpu.memory_space<semaphore_mem>>)
      %dma_wait3A_182 = arith.constant 0 : i32
      %dma_wait3A_183 = tpu.memref_slice %arg2[%mul3A_2, %dma_wait3A_182] : memref<64x100000xf32, #tpu.memory_space<hbm>> -> memref<1x100000xf32, #tpu.memory_space<hbm>>
      %dma_wait3A_184 = tpu.memref_squeeze %dma_wait3A_183 : memref<1x100000xf32, #tpu.memory_space<hbm>> -> memref<100000xf32, #tpu.memory_space<hbm>>
      %dma_wait3A_185 = arith.constant 0 : i32
      %dma_wait3A_186 = tpu.memref_slice %arg2[%mul3A_2, %dma_wait3A_185] : memref<64x100000xf32, #tpu.memory_space<hbm>> -> memref<1x100000xf32, #tpu.memory_space<hbm>>
      %dma_wait3A_187 = tpu.memref_squeeze %dma_wait3A_186 : memref<1x100000xf32, #tpu.memory_space<hbm>> -> memref<100000xf32, #tpu.memory_space<hbm>>
      tpu.wait_dma2 semaphore(%run_scoped3A : memref<!tpu.dma_semaphore, #tpu.memory_space<semaphore_mem>>) src(%dma_wait3A_187 : memref<100000xf32, #tpu.memory_space<hbm>>) dst(%arg6 : memref<100000xf32, #tpu.memory_space<vmem>>)
      tpu.yield
    }) : () -> ()
    "tpu.trace_stop"() : () -> ()
    %add3A_16 = arith.constant 1 : i32
    %add3A_17 = arith.addi %mul3A_2, %add3A_16 : i32
    %dma_start3A_18 = arith.constant 0 : i32
    %dma_start3A_19 = tpu.memref_slice %arg2[%add3A_17, %dma_start3A_18] : memref<64x100000xf32, #tpu.memory_space<hbm>> -> memref<1x2048xf32, #tpu.memory_space<hbm>>
    %dma_start3A_20 = arith.constant 0 : i32
    %dma_start3A_21 = tpu.memref_slice %arg2[%add3A_17, %dma_start3A_20] : memref<64x100000xf32, #tpu.memory_space<hbm>> -> memref<1x2048xf32, #tpu.memory_space<hbm>>
    tpu.enqueue_dma source(%dma_start3A_21 : memref<1x2048xf32, #tpu.memory_space<hbm>>) target(%arg11 : memref<1x2048xf32, #tpu.memory_space<vmem>>) target_semaphore(%arg19 : memref<!tpu.dma_semaphore, #tpu.memory_space<semaphore_mem>>)
    %add3A_22 = arith.constant 1 : i32
    %add3A_23 = arith.addi %mul3A_2, %add3A_22 : i32
    %dma_start3A_24 = arith.constant 2048 : i32
    %dma_start3A_25 = tpu.memref_slice %arg2[%add3A_23, %dma_start3A_24] : memref<64x100000xf32, #tpu.memory_space<hbm>> -> memref<1x2048xf32, #tpu.memory_space<hbm>>
    %dma_start3A_26 = arith.constant 2048 : i32
    %dma_start3A_27 = tpu.memref_slice %arg2[%add3A_23, %dma_start3A_26] : memref<64x100000xf32, #tpu.memory_space<hbm>> -> memref<1x2048xf32, #tpu.memory_space<hbm>>
    tpu.enqueue_dma source(%dma_start3A_27 : memref<1x2048xf32, #tpu.memory_space<hbm>>) target(%arg12 : memref<1x2048xf32, #tpu.memory_space<vmem>>) target_semaphore(%arg20 : memref<!tpu.dma_semaphore, #tpu.memory_space<semaphore_mem>>)
    "tpu.trace_start"() <{level = 10 : i32, message = "softplus_pack"}> : () -> ()
    %scan3A = arith.constant 0 : i32
    %scan3A_28 = arith.constant 24 : i32
    %scan3A_29 = arith.addi %scan3A, %scan3A_28 : i32
    %scan3A_30 = arith.constant 1 : i32
    scf.for %scan3A_176 = %scan3A to %scan3A_29 step %scan3A_30  : i32 {
      %mul3A_177 = arith.constant 1 : i32
      %mul3A_178 = arith.muli %scan3A_176, %mul3A_177 : i32
      %add3A_179 = arith.constant 0 : i32
      %add3A_180 = arith.addi %add3A_179, %mul3A_178 : i32
      %mul3A_181 = arith.constant 2 : i32
      %mul3A_182 = arith.muli %mul3A_181, %add3A_180 : i32
      %add3A_183 = arith.constant 0 : i32
      %add3A_184 = arith.addi %mul3A_182, %add3A_183 : i32
      %add3A_185 = arith.constant 1 : i32
      %add3A_186 = arith.addi %mul3A_2, %add3A_185 : i32
      %dma_wait3A_187 = arith.constant 0 : i32
      %dma_wait3A_188 = tpu.memref_slice %arg2[%add3A_186, %dma_wait3A_187] : memref<64x100000xf32, #tpu.memory_space<hbm>> -> memref<1x2048xf32, #tpu.memory_space<hbm>>
      %dma_wait3A_189 = arith.constant 0 : i32
      %dma_wait3A_190 = tpu.memref_slice %arg2[%add3A_186, %dma_wait3A_189] : memref<64x100000xf32, #tpu.memory_space<hbm>> -> memref<1x2048xf32, #tpu.memory_space<hbm>>
      tpu.wait_dma2 semaphore(%arg19 : memref<!tpu.dma_semaphore, #tpu.memory_space<semaphore_mem>>) src(%dma_wait3A_190 : memref<1x2048xf32, #tpu.memory_space<hbm>>) dst(%arg11 : memref<1x2048xf32, #tpu.memory_space<vmem>>)
      %mul3A_191 = arith.constant 2048 : i32
      %mul3A_192 = arith.muli %add3A_184, %mul3A_191 : i32
      %scan3A_193 = arith.constant 0 : i32
      %scan3A_194 = arith.constant 16 : i32
      %scan3A_195 = arith.addi %scan3A_193, %scan3A_194 : i32
      %scan3A_196 = arith.constant 1 : i32
      scf.for %scan3A_226 = %scan3A_193 to %scan3A_195 step %scan3A_196  : i32 {
        %mul3A_227 = arith.constant 1 : i32
        %mul3A_228 = arith.muli %scan3A_226, %mul3A_227 : i32
        %add3A_229 = arith.constant 0 : i32
        %add3A_230 = arith.addi %add3A_229, %mul3A_228 : i32
        %mul3A_231 = arith.constant 128 : i32
        %mul3A_232 = arith.muli %add3A_230, %mul3A_231 : i32
        %add3A_233 = arith.constant 0 : i32
        %add3A_234 = arith.addi %mul3A_232, %add3A_233 : i32
        %add3A_235 = arith.constant 16 : i32
        %add3A_236 = arith.addi %mul3A_232, %add3A_235 : i32
        %add3A_237 = arith.constant 32 : i32
        %add3A_238 = arith.addi %mul3A_232, %add3A_237 : i32
        %add3A_239 = arith.constant 48 : i32
        %add3A_240 = arith.addi %mul3A_232, %add3A_239 : i32
        %add3A_241 = arith.constant 64 : i32
        %add3A_242 = arith.addi %mul3A_232, %add3A_241 : i32
        %add3A_243 = arith.constant 80 : i32
        %add3A_244 = arith.addi %mul3A_232, %add3A_243 : i32
        %add3A_245 = arith.constant 96 : i32
        %add3A_246 = arith.addi %mul3A_232, %add3A_245 : i32
        %add3A_247 = arith.constant 112 : i32
        %add3A_248 = arith.addi %mul3A_232, %add3A_247 : i32
        %add3A_249 = arith.addi %mul3A_192, %add3A_234 : i32
        %get3A_250 = arith.index_cast %add3A_249 : i32 to index
        %get3A_251 = tpu.vector_load %arg6[%get3A_250] {strides = array<i32>} : memref<100000xf32, #tpu.memory_space<vmem>>, vector<16xf32>,
        %add3A_252 = arith.addi %mul3A_192, %add3A_236 : i32
        %get3A_253 = arith.index_cast %add3A_252 : i32 to index
        %get3A_254 = tpu.vector_load %arg6[%get3A_253] {strides = array<i32>} : memref<100000xf32, #tpu.memory_space<vmem>>, vector<16xf32>,
        %add3A_255 = arith.addi %mul3A_192, %add3A_238 : i32
        %get3A_256 = arith.index_cast %add3A_255 : i32 to index
        %get3A_257 = tpu.vector_load %arg6[%get3A_256] {strides = array<i32>} : memref<100000xf32, #tpu.memory_space<vmem>>, vector<16xf32>,
        %add3A_258 = arith.addi %mul3A_192, %add3A_240 : i32
        %get3A_259 = arith.index_cast %add3A_258 : i32 to index
        %get3A_260 = tpu.vector_load %arg6[%get3A_259] {strides = array<i32>} : memref<100000xf32, #tpu.memory_space<vmem>>, vector<16xf32>,
        %add3A_261 = arith.addi %mul3A_192, %add3A_242 : i32
        %get3A_262 = arith.index_cast %add3A_261 : i32 to index
        %get3A_263 = tpu.vector_load %arg6[%get3A_262] {strides = array<i32>} : memref<100000xf32, #tpu.memory_space<vmem>>, vector<16xf32>,
        %add3A_264 = arith.addi %mul3A_192, %add3A_244 : i32
        %get3A_265 = arith.index_cast %add3A_264 : i32 to index
        %get3A_266 = tpu.vector_load %arg6[%get3A_265] {strides = array<i32>} : memref<100000xf32, #tpu.memory_space<vmem>>, vector<16xf32>,
        %add3A_267 = arith.addi %mul3A_192, %add3A_246 : i32
        %get3A_268 = arith.index_cast %add3A_267 : i32 to index
        %get3A_269 = tpu.vector_load %arg6[%get3A_268] {strides = array<i32>} : memref<100000xf32, #tpu.memory_space<vmem>>, vector<16xf32>,
        %add3A_270 = arith.addi %mul3A_192, %add3A_248 : i32
        %get3A_271 = arith.index_cast %add3A_270 : i32 to index
        %get3A_272 = tpu.vector_load %arg6[%get3A_271] {strides = array<i32>} : memref<100000xf32, #tpu.memory_space<vmem>>, vector<16xf32>,
        %get3A_273 = arith.constant 0 : i32
        %get3A_274 = arith.index_cast %get3A_273 : i32 to index
        %get3A_275 = arith.index_cast %add3A_234 : i32 to index
        %get3A_276 = tpu.vector_load %arg11[%get3A_274, %get3A_275] {strides = array<i32>} : memref<1x2048xf32, #tpu.memory_space<vmem>>, vector<16xf32>,
        %get3A_277 = arith.constant 0 : i32
        %get3A_278 = arith.index_cast %get3A_277 : i32 to index
        %get3A_279 = arith.index_cast %add3A_236 : i32 to index
        %get3A_280 = tpu.vector_load %arg11[%get3A_278, %get3A_279] {strides = array<i32>} : memref<1x2048xf32, #tpu.memory_space<vmem>>, vector<16xf32>,
        %get3A_281 = arith.constant 0 : i32
        %get3A_282 = arith.index_cast %get3A_281 : i32 to index
        %get3A_283 = arith.index_cast %add3A_238 : i32 to index
        %get3A_284 = tpu.vector_load %arg11[%get3A_282, %get3A_283] {strides = array<i32>} : memref<1x2048xf32, #tpu.memory_space<vmem>>, vector<16xf32>,
        %get3A_285 = arith.constant 0 : i32
        %get3A_286 = arith.index_cast %get3A_285 : i32 to index
        %get3A_287 = arith.index_cast %add3A_240 : i32 to index
        %get3A_288 = tpu.vector_load %arg11[%get3A_286, %get3A_287] {strides = array<i32>} : memref<1x2048xf32, #tpu.memory_space<vmem>>, vector<16xf32>,
        %get3A_289 = arith.constant 0 : i32
        %get3A_290 = arith.index_cast %get3A_289 : i32 to index
        %get3A_291 = arith.index_cast %add3A_242 : i32 to index
        %get3A_292 = tpu.vector_load %arg11[%get3A_290, %get3A_291] {strides = array<i32>} : memref<1x2048xf32, #tpu.memory_space<vmem>>, vector<16xf32>,
        %get3A_293 = arith.constant 0 : i32
        %get3A_294 = arith.index_cast %get3A_293 : i32 to index
        %get3A_295 = arith.index_cast %add3A_244 : i32 to index
        %get3A_296 = tpu.vector_load %arg11[%get3A_294, %get3A_295] {strides = array<i32>} : memref<1x2048xf32, #tpu.memory_space<vmem>>, vector<16xf32>,
        %get3A_297 = arith.constant 0 : i32
        %get3A_298 = arith.index_cast %get3A_297 : i32 to index
        %get3A_299 = arith.index_cast %add3A_246 : i32 to index
        %get3A_300 = tpu.vector_load %arg11[%get3A_298, %get3A_299] {strides = array<i32>} : memref<1x2048xf32, #tpu.memory_space<vmem>>, vector<16xf32>,
        %get3A_301 = arith.constant 0 : i32
        %get3A_302 = arith.index_cast %get3A_301 : i32 to index
        %get3A_303 = arith.index_cast %add3A_248 : i32 to index
        %get3A_304 = tpu.vector_load %arg11[%get3A_302, %get3A_303] {strides = array<i32>} : memref<1x2048xf32, #tpu.memory_space<vmem>>, vector<16xf32>,
        %neg3A_305 = arith.constant 0.000000e+00 : f32
        %neg3A_306 = vector.broadcast %neg3A_305 : f32 to vector<16xf32>
        %neg3A_307 = arith.subf %neg3A_306, %get3A_251 : vector<16xf32>
        %min3A_308 = arith.minimumf %get3A_251, %neg3A_307 : vector<16xf32>
        %exp3A_309 = math.exp %min3A_308 : vector<16xf32>
        %broadcast_in_dim3A_310 = arith.constant 0.0415515676 : f32
        %broadcast_in_dim3A_311 = vector.broadcast %broadcast_in_dim3A_310 : f32 to vector<16xf32>
        %mul3A_312 = arith.mulf %broadcast_in_dim3A_311, %exp3A_309 : vector<16xf32>
        %add3A_313 = arith.constant -0.157840043 : f32
        %add3A_314 = vector.broadcast %add3A_313 : f32 to vector<16xf32>
        %add3A_315 = arith.addf %mul3A_312, %add3A_314 : vector<16xf32>
        %mul3A_316 = arith.mulf %add3A_315, %exp3A_309 : vector<16xf32>
        %add3A_317 = arith.constant 0.306562841 : f32
        %add3A_318 = vector.broadcast %add3A_317 : f32 to vector<16xf32>
        %add3A_319 = arith.addf %mul3A_316, %add3A_318 : vector<16xf32>
        %mul3A_320 = arith.mulf %add3A_319, %exp3A_309 : vector<16xf32>
        %add3A_321 = arith.constant -0.49703145 : f32
        %add3A_322 = vector.broadcast %add3A_321 : f32 to vector<16xf32>
        %add3A_323 = arith.addf %mul3A_320, %add3A_322 : vector<16xf32>
        %mul3A_324 = arith.mulf %add3A_323, %exp3A_309 : vector<16xf32>
        %add3A_325 = arith.constant 0.999945044 : f32
        %add3A_326 = vector.broadcast %add3A_325 : f32 to vector<16xf32>
        %add3A_327 = arith.addf %mul3A_324, %add3A_326 : vector<16xf32>
        %max3A_328 = arith.constant 0.000000e+00 : f32
        %max3A_329 = vector.broadcast %max3A_328 : f32 to vector<16xf32>
        %max3A_330 = arith.maximumf %get3A_251, %max3A_329 : vector<16xf32>
        %mul3A_331 = arith.mulf %exp3A_309, %add3A_327 : vector<16xf32>
        %add3A_332 = arith.addf %max3A_330, %mul3A_331 : vector<16xf32>
        %neg3A_333 = arith.constant 0.000000e+00 : f32
        %neg3A_334 = vector.broadcast %neg3A_333 : f32 to vector<16xf32>
        %neg3A_335 = arith.subf %neg3A_334, %get3A_254 : vector<16xf32>
        %min3A_336 = arith.minimumf %get3A_254, %neg3A_335 : vector<16xf32>
        %exp3A_337 = math.exp %min3A_336 : vector<16xf32>
        %broadcast_in_dim3A_338 = arith.constant 0.0415515676 : f32
        %broadcast_in_dim3A_339 = vector.broadcast %broadcast_in_dim3A_338 : f32 to vector<16xf32>
        %mul3A_340 = arith.mulf %broadcast_in_dim3A_339, %exp3A_337 : vector<16xf32>
        %add3A_341 = arith.constant -0.157840043 : f32
        %add3A_342 = vector.broadcast %add3A_341 : f32 to vector<16xf32>
        %add3A_343 = arith.addf %mul3A_340, %add3A_342 : vector<16xf32>
        %mul3A_344 = arith.mulf %add3A_343, %exp3A_337 : vector<16xf32>
        %add3A_345 = arith.constant 0.306562841 : f32
        %add3A_346 = vector.broadcast %add3A_345 : f32 to vector<16xf32>
        %add3A_347 = arith.addf %mul3A_344, %add3A_346 : vector<16xf32>
        %mul3A_348 = arith.mulf %add3A_347, %exp3A_337 : vector<16xf32>
        %add3A_349 = arith.constant -0.49703145 : f32
        %add3A_350 = vector.broadcast %add3A_349 : f32 to vector<16xf32>
        %add3A_351 = arith.addf %mul3A_348, %add3A_350 : vector<16xf32>
        %mul3A_352 = arith.mulf %add3A_351, %exp3A_337 : vector<16xf32>
        %add3A_353 = arith.constant 0.999945044 : f32
        %add3A_354 = vector.broadcast %add3A_353 : f32 to vector<16xf32>
        %add3A_355 = arith.addf %mul3A_352, %add3A_354 : vector<16xf32>
        %max3A_356 = arith.constant 0.000000e+00 : f32
        %max3A_357 = vector.broadcast %max3A_356 : f32 to vector<16xf32>
        %max3A_358 = arith.maximumf %get3A_254, %max3A_357 : vector<16xf32>
        %mul3A_359 = arith.mulf %exp3A_337, %add3A_355 : vector<16xf32>
        %add3A_360 = arith.addf %max3A_358, %mul3A_359 : vector<16xf32>
        %neg3A_361 = arith.constant 0.000000e+00 : f32
        %neg3A_362 = vector.broadcast %neg3A_361 : f32 to vector<16xf32>
        %neg3A_363 = arith.subf %neg3A_362, %get3A_257 : vector<16xf32>
        %min3A_364 = arith.minimumf %get3A_257, %neg3A_363 : vector<16xf32>
        %exp3A_365 = math.exp %min3A_364 : vector<16xf32>
        %broadcast_in_dim3A_366 = arith.constant 0.0415515676 : f32
        %broadcast_in_dim3A_367 = vector.broadcast %broadcast_in_dim3A_366 : f32 to vector<16xf32>
        %mul3A_368 = arith.mulf %broadcast_in_dim3A_367, %exp3A_365 : vector<16xf32>
        %add3A_369 = arith.constant -0.157840043 : f32
        %add3A_370 = vector.broadcast %add3A_369 : f32 to vector<16xf32>
        %add3A_371 = arith.addf %mul3A_368, %add3A_370 : vector<16xf32>
        %mul3A_372 = arith.mulf %add3A_371, %exp3A_365 : vector<16xf32>
        %add3A_373 = arith.constant 0.306562841 : f32
        %add3A_374 = vector.broadcast %add3A_373 : f32 to vector<16xf32>
        %add3A_375 = arith.addf %mul3A_372, %add3A_374 : vector<16xf32>
        %mul3A_376 = arith.mulf %add3A_375, %exp3A_365 : vector<16xf32>
        %add3A_377 = arith.constant -0.49703145 : f32
        %add3A_378 = vector.broadcast %add3A_377 : f32 to vector<16xf32>
        %add3A_379 = arith.addf %mul3A_376, %add3A_378 : vector<16xf32>
        %mul3A_380 = arith.mulf %add3A_379, %exp3A_365 : vector<16xf32>
        %add3A_381 = arith.constant 0.999945044 : f32
        %add3A_382 = vector.broadcast %add3A_381 : f32 to vector<16xf32>
        %add3A_383 = arith.addf %mul3A_380, %add3A_382 : vector<16xf32>
        %max3A_384 = arith.constant 0.000000e+00 : f32
        %max3A_385 = vector.broadcast %max3A_384 : f32 to vector<16xf32>
        %max3A_386 = arith.maximumf %get3A_257, %max3A_385 : vector<16xf32>
        %mul3A_387 = arith.mulf %exp3A_365, %add3A_383 : vector<16xf32>
        %add3A_388 = arith.addf %max3A_386, %mul3A_387 : vector<16xf32>
        %neg3A_389 = arith.constant 0.000000e+00 : f32
        %neg3A_390 = vector.broadcast %neg3A_389 : f32 to vector<16xf32>
        %neg3A_391 = arith.subf %neg3A_390, %get3A_260 : vector<16xf32>
        %min3A_392 = arith.minimumf %get3A_260, %neg3A_391 : vector<16xf32>
        %exp3A_393 = math.exp %min3A_392 : vector<16xf32>
        %broadcast_in_dim3A_394 = arith.constant 0.0415515676 : f32
        %broadcast_in_dim3A_395 = vector.broadcast %broadcast_in_dim3A_394 : f32 to vector<16xf32>
        %mul3A_396 = arith.mulf %broadcast_in_dim3A_395, %exp3A_393 : vector<16xf32>
        %add3A_397 = arith.constant -0.157840043 : f32
        %add3A_398 = vector.broadcast %add3A_397 : f32 to vector<16xf32>
        %add3A_399 = arith.addf %mul3A_396, %add3A_398 : vector<16xf32>
        %mul3A_400 = arith.mulf %add3A_399, %exp3A_393 : vector<16xf32>
        %add3A_401 = arith.constant 0.306562841 : f32
        %add3A_402 = vector.broadcast %add3A_401 : f32 to vector<16xf32>
        %add3A_403 = arith.addf %mul3A_400, %add3A_402 : vector<16xf32>
        %mul3A_404 = arith.mulf %add3A_403, %exp3A_393 : vector<16xf32>
        %add3A_405 = arith.constant -0.49703145 : f32
        %add3A_406 = vector.broadcast %add3A_405 : f32 to vector<16xf32>
        %add3A_407 = arith.addf %mul3A_404, %add3A_406 : vector<16xf32>
        %mul3A_408 = arith.mulf %add3A_407, %exp3A_393 : vector<16xf32>
        %add3A_409 = arith.constant 0.999945044 : f32
        %add3A_410 = vector.broadcast %add3A_409 : f32 to vector<16xf32>
        %add3A_411 = arith.addf %mul3A_408, %add3A_410 : vector<16xf32>
        %max3A_412 = arith.constant 0.000000e+00 : f32
        %max3A_413 = vector.broadcast %max3A_412 : f32 to vector<16xf32>
        %max3A_414 = arith.maximumf %get3A_260, %max3A_413 : vector<16xf32>
        %mul3A_415 = arith.mulf %exp3A_393, %add3A_411 : vector<16xf32>
        %add3A_416 = arith.addf %max3A_414, %mul3A_415 : vector<16xf32>
        %neg3A_417 = arith.constant 0.000000e+00 : f32
        %neg3A_418 = vector.broadcast %neg3A_417 : f32 to vector<16xf32>
        %neg3A_419 = arith.subf %neg3A_418, %get3A_263 : vector<16xf32>
        %min3A_420 = arith.minimumf %get3A_263, %neg3A_419 : vector<16xf32>
        %exp3A_421 = math.exp %min3A_420 : vector<16xf32>
        %broadcast_in_dim3A_422 = arith.constant 0.0415515676 : f32
        %broadcast_in_dim3A_423 = vector.broadcast %broadcast_in_dim3A_422 : f32 to vector<16xf32>
        %mul3A_424 = arith.mulf %broadcast_in_dim3A_423, %exp3A_421 : vector<16xf32>
        %add3A_425 = arith.constant -0.157840043 : f32
        %add3A_426 = vector.broadcast %add3A_425 : f32 to vector<16xf32>
        %add3A_427 = arith.addf %mul3A_424, %add3A_426 : vector<16xf32>
        %mul3A_428 = arith.mulf %add3A_427, %exp3A_421 : vector<16xf32>
        %add3A_429 = arith.constant 0.306562841 : f32
        %add3A_430 = vector.broadcast %add3A_429 : f32 to vector<16xf32>
        %add3A_431 = arith.addf %mul3A_428, %add3A_430 : vector<16xf32>
        %mul3A_432 = arith.mulf %add3A_431, %exp3A_421 : vector<16xf32>
        %add3A_433 = arith.constant -0.49703145 : f32
        %add3A_434 = vector.broadcast %add3A_433 : f32 to vector<16xf32>
        %add3A_435 = arith.addf %mul3A_432, %add3A_434 : vector<16xf32>
        %mul3A_436 = arith.mulf %add3A_435, %exp3A_421 : vector<16xf32>
        %add3A_437 = arith.constant 0.999945044 : f32
        %add3A_438 = vector.broadcast %add3A_437 : f32 to vector<16xf32>
        %add3A_439 = arith.addf %mul3A_436, %add3A_438 : vector<16xf32>
        %max3A_440 = arith.constant 0.000000e+00 : f32
        %max3A_441 = vector.broadcast %max3A_440 : f32 to vector<16xf32>
        %max3A_442 = arith.maximumf %get3A_263, %max3A_441 : vector<16xf32>
        %mul3A_443 = arith.mulf %exp3A_421, %add3A_439 : vector<16xf32>
        %add3A_444 = arith.addf %max3A_442, %mul3A_443 : vector<16xf32>
        %neg3A_445 = arith.constant 0.000000e+00 : f32
        %neg3A_446 = vector.broadcast %neg3A_445 : f32 to vector<16xf32>
        %neg3A_447 = arith.subf %neg3A_446, %get3A_266 : vector<16xf32>
        %min3A_448 = arith.minimumf %get3A_266, %neg3A_447 : vector<16xf32>
        %exp3A_449 = math.exp %min3A_448 : vector<16xf32>
        %broadcast_in_dim3A_450 = arith.constant 0.0415515676 : f32
        %broadcast_in_dim3A_451 = vector.broadcast %broadcast_in_dim3A_450 : f32 to vector<16xf32>
        %mul3A_452 = arith.mulf %broadcast_in_dim3A_451, %exp3A_449 : vector<16xf32>
        %add3A_453 = arith.constant -0.157840043 : f32
        %add3A_454 = vector.broadcast %add3A_453 : f32 to vector<16xf32>
        %add3A_455 = arith.addf %mul3A_452, %add3A_454 : vector<16xf32>
        %mul3A_456 = arith.mulf %add3A_455, %exp3A_449 : vector<16xf32>
        %add3A_457 = arith.constant 0.306562841 : f32
        %add3A_458 = vector.broadcast %add3A_457 : f32 to vector<16xf32>
        %add3A_459 = arith.addf %mul3A_456, %add3A_458 : vector<16xf32>
        %mul3A_460 = arith.mulf %add3A_459, %exp3A_449 : vector<16xf32>
        %add3A_461 = arith.constant -0.49703145 : f32
        %add3A_462 = vector.broadcast %add3A_461 : f32 to vector<16xf32>
        %add3A_463 = arith.addf %mul3A_460, %add3A_462 : vector<16xf32>
        %mul3A_464 = arith.mulf %add3A_463, %exp3A_449 : vector<16xf32>
        %add3A_465 = arith.constant 0.999945044 : f32
        %add3A_466 = vector.broadcast %add3A_465 : f32 to vector<16xf32>
        %add3A_467 = arith.addf %mul3A_464, %add3A_466 : vector<16xf32>
        %max3A_468 = arith.constant 0.000000e+00 : f32
        %max3A_469 = vector.broadcast %max3A_468 : f32 to vector<16xf32>
        %max3A_470 = arith.maximumf %get3A_266, %max3A_469 : vector<16xf32>
        %mul3A_471 = arith.mulf %exp3A_449, %add3A_467 : vector<16xf32>
        %add3A_472 = arith.addf %max3A_470, %mul3A_471 : vector<16xf32>
        %neg3A_473 = arith.constant 0.000000e+00 : f32
        %neg3A_474 = vector.broadcast %neg3A_473 : f32 to vector<16xf32>
        %neg3A_475 = arith.subf %neg3A_474, %get3A_269 : vector<16xf32>
        %min3A_476 = arith.minimumf %get3A_269, %neg3A_475 : vector<16xf32>
        %exp3A_477 = math.exp %min3A_476 : vector<16xf32>
        %broadcast_in_dim3A_478 = arith.constant 0.0415515676 : f32
        %broadcast_in_dim3A_479 = vector.broadcast %broadcast_in_dim3A_478 : f32 to vector<16xf32>
        %mul3A_480 = arith.mulf %broadcast_in_dim3A_479, %exp3A_477 : vector<16xf32>
        %add3A_481 = arith.constant -0.157840043 : f32
        %add3A_482 = vector.broadcast %add3A_481 : f32 to vector<16xf32>
        %add3A_483 = arith.addf %mul3A_480, %add3A_482 : vector<16xf32>
        %mul3A_484 = arith.mulf %add3A_483, %exp3A_477 : vector<16xf32>
        %add3A_485 = arith.constant 0.306562841 : f32
        %add3A_486 = vector.broadcast %add3A_485 : f32 to vector<16xf32>
        %add3A_487 = arith.addf %mul3A_484, %add3A_486 : vector<16xf32>
        %mul3A_488 = arith.mulf %add3A_487, %exp3A_477 : vector<16xf32>
        %add3A_489 = arith.constant -0.49703145 : f32
        %add3A_490 = vector.broadcast %add3A_489 : f32 to vector<16xf32>
        %add3A_491 = arith.addf %mul3A_488, %add3A_490 : vector<16xf32>
        %mul3A_492 = arith.mulf %add3A_491, %exp3A_477 : vector<16xf32>
        %add3A_493 = arith.constant 0.999945044 : f32
        %add3A_494 = vector.broadcast %add3A_493 : f32 to vector<16xf32>
        %add3A_495 = arith.addf %mul3A_492, %add3A_494 : vector<16xf32>
        %max3A_496 = arith.constant 0.000000e+00 : f32
        %max3A_497 = vector.broadcast %max3A_496 : f32 to vector<16xf32>
        %max3A_498 = arith.maximumf %get3A_269, %max3A_497 : vector<16xf32>
        %mul3A_499 = arith.mulf %exp3A_477, %add3A_495 : vector<16xf32>
        %add3A_500 = arith.addf %max3A_498, %mul3A_499 : vector<16xf32>
        %neg3A_501 = arith.constant 0.000000e+00 : f32
        %neg3A_502 = vector.broadcast %neg3A_501 : f32 to vector<16xf32>
        %neg3A_503 = arith.subf %neg3A_502, %get3A_272 : vector<16xf32>
        %min3A_504 = arith.minimumf %get3A_272, %neg3A_503 : vector<16xf32>
        %exp3A_505 = math.exp %min3A_504 : vector<16xf32>
        %broadcast_in_dim3A_506 = arith.constant 0.0415515676 : f32
        %broadcast_in_dim3A_507 = vector.broadcast %broadcast_in_dim3A_506 : f32 to vector<16xf32>
        %mul3A_508 = arith.mulf %broadcast_in_dim3A_507, %exp3A_505 : vector<16xf32>
        %add3A_509 = arith.constant -0.157840043 : f32
        %add3A_510 = vector.broadcast %add3A_509 : f32 to vector<16xf32>
        %add3A_511 = arith.addf %mul3A_508, %add3A_510 : vector<16xf32>
        %mul3A_512 = arith.mulf %add3A_511, %exp3A_505 : vector<16xf32>
        %add3A_513 = arith.constant 0.306562841 : f32
        %add3A_514 = vector.broadcast %add3A_513 : f32 to vector<16xf32>
        %add3A_515 = arith.addf %mul3A_512, %add3A_514 : vector<16xf32>
        %mul3A_516 = arith.mulf %add3A_515, %exp3A_505 : vector<16xf32>
        %add3A_517 = arith.constant -0.49703145 : f32
        %add3A_518 = vector.broadcast %add3A_517 : f32 to vector<16xf32>
        %add3A_519 = arith.addf %mul3A_516, %add3A_518 : vector<16xf32>
        %mul3A_520 = arith.mulf %add3A_519, %exp3A_505 : vector<16xf32>
        %add3A_521 = arith.constant 0.999945044 : f32
        %add3A_522 = vector.broadcast %add3A_521 : f32 to vector<16xf32>
        %add3A_523 = arith.addf %mul3A_520, %add3A_522 : vector<16xf32>
        %max3A_524 = arith.constant 0.000000e+00 : f32
        %max3A_525 = vector.broadcast %max3A_524 : f32 to vector<16xf32>
        %max3A_526 = arith.maximumf %get3A_272, %max3A_525 : vector<16xf32>
        %mul3A_527 = arith.mulf %exp3A_505, %add3A_523 : vector<16xf32>
        %add3A_528 = arith.addf %max3A_526, %mul3A_527 : vector<16xf32>
        %neg3A_529 = arith.constant 0.000000e+00 : f32
        %neg3A_530 = vector.broadcast %neg3A_529 : f32 to vector<16xf32>
        %neg3A_531 = arith.subf %neg3A_530, %get3A_276 : vector<16xf32>
        %min3A_532 = arith.minimumf %get3A_276, %neg3A_531 : vector<16xf32>
        %exp3A_533 = math.exp %min3A_532 : vector<16xf32>
        %broadcast_in_dim3A_534 = arith.constant 0.0415515676 : f32
        %broadcast_in_dim3A_535 = vector.broadcast %broadcast_in_dim3A_534 : f32 to vector<16xf32>
        %mul3A_536 = arith.mulf %broadcast_in_dim3A_535, %exp3A_533 : vector<16xf32>
        %add3A_537 = arith.constant -0.157840043 : f32
        %add3A_538 = vector.broadcast %add3A_537 : f32 to vector<16xf32>
        %add3A_539 = arith.addf %mul3A_536, %add3A_538 : vector<16xf32>
        %mul3A_540 = arith.mulf %add3A_539, %exp3A_533 : vector<16xf32>
        %add3A_541 = arith.constant 0.306562841 : f32
        %add3A_542 = vector.broadcast %add3A_541 : f32 to vector<16xf32>
        %add3A_543 = arith.addf %mul3A_540, %add3A_542 : vector<16xf32>
        %mul3A_544 = arith.mulf %add3A_543, %exp3A_533 : vector<16xf32>
        %add3A_545 = arith.constant -0.49703145 : f32
        %add3A_546 = vector.broadcast %add3A_545 : f32 to vector<16xf32>
        %add3A_547 = arith.addf %mul3A_544, %add3A_546 : vector<16xf32>
        %mul3A_548 = arith.mulf %add3A_547, %exp3A_533 : vector<16xf32>
        %add3A_549 = arith.constant 0.999945044 : f32
        %add3A_550 = vector.broadcast %add3A_549 : f32 to vector<16xf32>
        %add3A_551 = arith.addf %mul3A_548, %add3A_550 : vector<16xf32>
        %max3A_552 = arith.constant 0.000000e+00 : f32
        %max3A_553 = vector.broadcast %max3A_552 : f32 to vector<16xf32>
        %max3A_554 = arith.maximumf %get3A_276, %max3A_553 : vector<16xf32>
        %mul3A_555 = arith.mulf %exp3A_533, %add3A_551 : vector<16xf32>
        %add3A_556 = arith.addf %max3A_554, %mul3A_555 : vector<16xf32>
        %neg3A_557 = arith.constant 0.000000e+00 : f32
        %neg3A_558 = vector.broadcast %neg3A_557 : f32 to vector<16xf32>
        %neg3A_559 = arith.subf %neg3A_558, %get3A_280 : vector<16xf32>
        %min3A_560 = arith.minimumf %get3A_280, %neg3A_559 : vector<16xf32>
        %exp3A_561 = math.exp %min3A_560 : vector<16xf32>
        %broadcast_in_dim3A_562 = arith.constant 0.0415515676 : f32
        %broadcast_in_dim3A_563 = vector.broadcast %broadcast_in_dim3A_562 : f32 to vector<16xf32>
        %mul3A_564 = arith.mulf %broadcast_in_dim3A_563, %exp3A_561 : vector<16xf32>
        %add3A_565 = arith.constant -0.157840043 : f32
        %add3A_566 = vector.broadcast %add3A_565 : f32 to vector<16xf32>
        %add3A_567 = arith.addf %mul3A_564, %add3A_566 : vector<16xf32>
        %mul3A_568 = arith.mulf %add3A_567, %exp3A_561 : vector<16xf32>
        %add3A_569 = arith.constant 0.306562841 : f32
        %add3A_570 = vector.broadcast %add3A_569 : f32 to vector<16xf32>
        %add3A_571 = arith.addf %mul3A_568, %add3A_570 : vector<16xf32>
        %mul3A_572 = arith.mulf %add3A_571, %exp3A_561 : vector<16xf32>
        %add3A_573 = arith.constant -0.49703145 : f32
        %add3A_574 = vector.broadcast %add3A_573 : f32 to vector<16xf32>
        %add3A_575 = arith.addf %mul3A_572, %add3A_574 : vector<16xf32>
        %mul3A_576 = arith.mulf %add3A_575, %exp3A_561 : vector<16xf32>
        %add3A_577 = arith.constant 0.999945044 : f32
        %add3A_578 = vector.broadcast %add3A_577 : f32 to vector<16xf32>
        %add3A_579 = arith.addf %mul3A_576, %add3A_578 : vector<16xf32>
        %max3A_580 = arith.constant 0.000000e+00 : f32
        %max3A_581 = vector.broadcast %max3A_580 : f32 to vector<16xf32>
        %max3A_582 = arith.maximumf %get3A_280, %max3A_581 : vector<16xf32>
        %mul3A_583 = arith.mulf %exp3A_561, %add3A_579 : vector<16xf32>
        %add3A_584 = arith.addf %max3A_582, %mul3A_583 : vector<16xf32>
        %neg3A_585 = arith.constant 0.000000e+00 : f32
        %neg3A_586 = vector.broadcast %neg3A_585 : f32 to vector<16xf32>
        %neg3A_587 = arith.subf %neg3A_586, %get3A_284 : vector<16xf32>
        %min3A_588 = arith.minimumf %get3A_284, %neg3A_587 : vector<16xf32>
        %exp3A_589 = math.exp %min3A_588 : vector<16xf32>
        %broadcast_in_dim3A_590 = arith.constant 0.0415515676 : f32
        %broadcast_in_dim3A_591 = vector.broadcast %broadcast_in_dim3A_590 : f32 to vector<16xf32>
        %mul3A_592 = arith.mulf %broadcast_in_dim3A_591, %exp3A_589 : vector<16xf32>
        %add3A_593 = arith.constant -0.157840043 : f32
        %add3A_594 = vector.broadcast %add3A_593 : f32 to vector<16xf32>
        %add3A_595 = arith.addf %mul3A_592, %add3A_594 : vector<16xf32>
        %mul3A_596 = arith.mulf %add3A_595, %exp3A_589 : vector<16xf32>
        %add3A_597 = arith.constant 0.306562841 : f32
        %add3A_598 = vector.broadcast %add3A_597 : f32 to vector<16xf32>
        %add3A_599 = arith.addf %mul3A_596, %add3A_598 : vector<16xf32>
        %mul3A_600 = arith.mulf %add3A_599, %exp3A_589 : vector<16xf32>
        %add3A_601 = arith.constant -0.49703145 : f32
        %add3A_602 = vector.broadcast %add3A_601 : f32 to vector<16xf32>
        %add3A_603 = arith.addf %mul3A_600, %add3A_602 : vector<16xf32>
        %mul3A_604 = arith.mulf %add3A_603, %exp3A_589 : vector<16xf32>
        %add3A_605 = arith.constant 0.999945044 : f32
        %add3A_606 = vector.broadcast %add3A_605 : f32 to vector<16xf32>
        %add3A_607 = arith.addf %mul3A_604, %add3A_606 : vector<16xf32>
        %max3A_608 = arith.constant 0.000000e+00 : f32
        %max3A_609 = vector.broadcast %max3A_608 : f32 to vector<16xf32>
        %max3A_610 = arith.maximumf %get3A_284, %max3A_609 : vector<16xf32>
        %mul3A_611 = arith.mulf %exp3A_589, %add3A_607 : vector<16xf32>
        %add3A_612 = arith.addf %max3A_610, %mul3A_611 : vector<16xf32>
        %neg3A_613 = arith.constant 0.000000e+00 : f32
        %neg3A_614 = vector.broadcast %neg3A_613 : f32 to vector<16xf32>
        %neg3A_615 = arith.subf %neg3A_614, %get3A_288 : vector<16xf32>
        %min3A_616 = arith.minimumf %get3A_288, %neg3A_615 : vector<16xf32>
        %exp3A_617 = math.exp %min3A_616 : vector<16xf32>
        %broadcast_in_dim3A_618 = arith.constant 0.0415515676 : f32
        %broadcast_in_dim3A_619 = vector.broadcast %broadcast_in_dim3A_618 : f32 to vector<16xf32>
        %mul3A_620 = arith.mulf %broadcast_in_dim3A_619, %exp3A_617 : vector<16xf32>
        %add3A_621 = arith.constant -0.157840043 : f32
        %add3A_622 = vector.broadcast %add3A_621 : f32 to vector<16xf32>
        %add3A_623 = arith.addf %mul3A_620, %add3A_622 : vector<16xf32>
        %mul3A_624 = arith.mulf %add3A_623, %exp3A_617 : vector<16xf32>
        %add3A_625 = arith.constant 0.306562841 : f32
        %add3A_626 = vector.broadcast %add3A_625 : f32 to vector<16xf32>
        %add3A_627 = arith.addf %mul3A_624, %add3A_626 : vector<16xf32>
        %mul3A_628 = arith.mulf %add3A_627, %exp3A_617 : vector<16xf32>
        %add3A_629 = arith.constant -0.49703145 : f32
        %add3A_630 = vector.broadcast %add3A_629 : f32 to vector<16xf32>
        %add3A_631 = arith.addf %mul3A_628, %add3A_630 : vector<16xf32>
        %mul3A_632 = arith.mulf %add3A_631, %exp3A_617 : vector<16xf32>
        %add3A_633 = arith.constant 0.999945044 : f32
        %add3A_634 = vector.broadcast %add3A_633 : f32 to vector<16xf32>
        %add3A_635 = arith.addf %mul3A_632, %add3A_634 : vector<16xf32>
        %max3A_636 = arith.constant 0.000000e+00 : f32
        %max3A_637 = vector.broadcast %max3A_636 : f32 to vector<16xf32>
        %max3A_638 = arith.maximumf %get3A_288, %max3A_637 : vector<16xf32>
        %mul3A_639 = arith.mulf %exp3A_617, %add3A_635 : vector<16xf32>
        %add3A_640 = arith.addf %max3A_638, %mul3A_639 : vector<16xf32>
        %neg3A_641 = arith.constant 0.000000e+00 : f32
        %neg3A_642 = vector.broadcast %neg3A_641 : f32 to vector<16xf32>
        %neg3A_643 = arith.subf %neg3A_642, %get3A_292 : vector<16xf32>
        %min3A_644 = arith.minimumf %get3A_292, %neg3A_643 : vector<16xf32>
        %exp3A_645 = math.exp %min3A_644 : vector<16xf32>
        %broadcast_in_dim3A_646 = arith.constant 0.0415515676 : f32
        %broadcast_in_dim3A_647 = vector.broadcast %broadcast_in_dim3A_646 : f32 to vector<16xf32>
        %mul3A_648 = arith.mulf %broadcast_in_dim3A_647, %exp3A_645 : vector<16xf32>
        %add3A_649 = arith.constant -0.157840043 : f32
        %add3A_650 = vector.broadcast %add3A_649 : f32 to vector<16xf32>
        %add3A_651 = arith.addf %mul3A_648, %add3A_650 : vector<16xf32>
        %mul3A_652 = arith.mulf %add3A_651, %exp3A_645 : vector<16xf32>
        %add3A_653 = arith.constant 0.306562841 : f32
        %add3A_654 = vector.broadcast %add3A_653 : f32 to vector<16xf32>
        %add3A_655 = arith.addf %mul3A_652, %add3A_654 : vector<16xf32>
        %mul3A_656 = arith.mulf %add3A_655, %exp3A_645 : vector<16xf32>
        %add3A_657 = arith.constant -0.49703145 : f32
        %add3A_658 = vector.broadcast %add3A_657 : f32 to vector<16xf32>
        %add3A_659 = arith.addf %mul3A_656, %add3A_658 : vector<16xf32>
        %mul3A_660 = arith.mulf %add3A_659, %exp3A_645 : vector<16xf32>
        %add3A_661 = arith.constant 0.999945044 : f32
        %add3A_662 = vector.broadcast %add3A_661 : f32 to vector<16xf32>
        %add3A_663 = arith.addf %mul3A_660, %add3A_662 : vector<16xf32>
        %max3A_664 = arith.constant 0.000000e+00 : f32
        %max3A_665 = vector.broadcast %max3A_664 : f32 to vector<16xf32>
        %max3A_666 = arith.maximumf %get3A_292, %max3A_665 : vector<16xf32>
        %mul3A_667 = arith.mulf %exp3A_645, %add3A_663 : vector<16xf32>
        %add3A_668 = arith.addf %max3A_666, %mul3A_667 : vector<16xf32>
        %neg3A_669 = arith.constant 0.000000e+00 : f32
        %neg3A_670 = vector.broadcast %neg3A_669 : f32 to vector<16xf32>
        %neg3A_671 = arith.subf %neg3A_670, %get3A_296 : vector<16xf32>
        %min3A_672 = arith.minimumf %get3A_296, %neg3A_671 : vector<16xf32>
        %exp3A_673 = math.exp %min3A_672 : vector<16xf32>
        %broadcast_in_dim3A_674 = arith.constant 0.0415515676 : f32
        %broadcast_in_dim3A_675 = vector.broadcast %broadcast_in_dim3A_674 : f32 to vector<16xf32>
        %mul3A_676 = arith.mulf %broadcast_in_dim3A_675, %exp3A_673 : vector<16xf32>
        %add3A_677 = arith.constant -0.157840043 : f32
        %add3A_678 = vector.broadcast %add3A_677 : f32 to vector<16xf32>
        %add3A_679 = arith.addf %mul3A_676, %add3A_678 : vector<16xf32>
        %mul3A_680 = arith.mulf %add3A_679, %exp3A_673 : vector<16xf32>
        %add3A_681 = arith.constant 0.306562841 : f32
        %add3A_682 = vector.broadcast %add3A_681 : f32 to vector<16xf32>
        %add3A_683 = arith.addf %mul3A_680, %add3A_682 : vector<16xf32>
        %mul3A_684 = arith.mulf %add3A_683, %exp3A_673 : vector<16xf32>
        %add3A_685 = arith.constant -0.49703145 : f32
        %add3A_686 = vector.broadcast %add3A_685 : f32 to vector<16xf32>
        %add3A_687 = arith.addf %mul3A_684, %add3A_686 : vector<16xf32>
        %mul3A_688 = arith.mulf %add3A_687, %exp3A_673 : vector<16xf32>
        %add3A_689 = arith.constant 0.999945044 : f32
        %add3A_690 = vector.broadcast %add3A_689 : f32 to vector<16xf32>
        %add3A_691 = arith.addf %mul3A_688, %add3A_690 : vector<16xf32>
        %max3A_692 = arith.constant 0.000000e+00 : f32
        %max3A_693 = vector.broadcast %max3A_692 : f32 to vector<16xf32>
        %max3A_694 = arith.maximumf %get3A_296, %max3A_693 : vector<16xf32>
        %mul3A_695 = arith.mulf %exp3A_673, %add3A_691 : vector<16xf32>
        %add3A_696 = arith.addf %max3A_694, %mul3A_695 : vector<16xf32>
        %neg3A_697 = arith.constant 0.000000e+00 : f32
        %neg3A_698 = vector.broadcast %neg3A_697 : f32 to vector<16xf32>
        %neg3A_699 = arith.subf %neg3A_698, %get3A_300 : vector<16xf32>
        %min3A_700 = arith.minimumf %get3A_300, %neg3A_699 : vector<16xf32>
        %exp3A_701 = math.exp %min3A_700 : vector<16xf32>
        %broadcast_in_dim3A_702 = arith.constant 0.0415515676 : f32
        %broadcast_in_dim3A_703 = vector.broadcast %broadcast_in_dim3A_702 : f32 to vector<16xf32>
        %mul3A_704 = arith.mulf %broadcast_in_dim3A_703, %exp3A_701 : vector<16xf32>
        %add3A_705 = arith.constant -0.157840043 : f32
        %add3A_706 = vector.broadcast %add3A_705 : f32 to vector<16xf32>
        %add3A_707 = arith.addf %mul3A_704, %add3A_706 : vector<16xf32>
        %mul3A_708 = arith.mulf %add3A_707, %exp3A_701 : vector<16xf32>
        %add3A_709 = arith.constant 0.306562841 : f32
        %add3A_710 = vector.broadcast %add3A_709 : f32 to vector<16xf32>
        %add3A_711 = arith.addf %mul3A_708, %add3A_710 : vector<16xf32>
        %mul3A_712 = arith.mulf %add3A_711, %exp3A_701 : vector<16xf32>
        %add3A_713 = arith.constant -0.49703145 : f32
        %add3A_714 = vector.broadcast %add3A_713 : f32 to vector<16xf32>
        %add3A_715 = arith.addf %mul3A_712, %add3A_714 : vector<16xf32>
        %mul3A_716 = arith.mulf %add3A_715, %exp3A_701 : vector<16xf32>
        %add3A_717 = arith.constant 0.999945044 : f32
        %add3A_718 = vector.broadcast %add3A_717 : f32 to vector<16xf32>
        %add3A_719 = arith.addf %mul3A_716, %add3A_718 : vector<16xf32>
        %max3A_720 = arith.constant 0.000000e+00 : f32
        %max3A_721 = vector.broadcast %max3A_720 : f32 to vector<16xf32>
        %max3A_722 = arith.maximumf %get3A_300, %max3A_721 : vector<16xf32>
        %mul3A_723 = arith.mulf %exp3A_701, %add3A_719 : vector<16xf32>
        %add3A_724 = arith.addf %max3A_722, %mul3A_723 : vector<16xf32>
        %neg3A_725 = arith.constant 0.000000e+00 : f32
        %neg3A_726 = vector.broadcast %neg3A_725 : f32 to vector<16xf32>
        %neg3A_727 = arith.subf %neg3A_726, %get3A_304 : vector<16xf32>
        %min3A_728 = arith.minimumf %get3A_304, %neg3A_727 : vector<16xf32>
        %exp3A_729 = math.exp %min3A_728 : vector<16xf32>
        %broadcast_in_dim3A_730 = arith.constant 0.0415515676 : f32
        %broadcast_in_dim3A_731 = vector.broadcast %broadcast_in_dim3A_730 : f32 to vector<16xf32>
        %mul3A_732 = arith.mulf %broadcast_in_dim3A_731, %exp3A_729 : vector<16xf32>
        %add3A_733 = arith.constant -0.157840043 : f32
        %add3A_734 = vector.broadcast %add3A_733 : f32 to vector<16xf32>
        %add3A_735 = arith.addf %mul3A_732, %add3A_734 : vector<16xf32>
        %mul3A_736 = arith.mulf %add3A_735, %exp3A_729 : vector<16xf32>
        %add3A_737 = arith.constant 0.306562841 : f32
        %add3A_738 = vector.broadcast %add3A_737 : f32 to vector<16xf32>
        %add3A_739 = arith.addf %mul3A_736, %add3A_738 : vector<16xf32>
        %mul3A_740 = arith.mulf %add3A_739, %exp3A_729 : vector<16xf32>
        %add3A_741 = arith.constant -0.49703145 : f32
        %add3A_742 = vector.broadcast %add3A_741 : f32 to vector<16xf32>
        %add3A_743 = arith.addf %mul3A_740, %add3A_742 : vector<16xf32>
        %mul3A_744 = arith.mulf %add3A_743, %exp3A_729 : vector<16xf32>
        %add3A_745 = arith.constant 0.999945044 : f32
        %add3A_746 = vector.broadcast %add3A_745 : f32 to vector<16xf32>
        %add3A_747 = arith.addf %mul3A_744, %add3A_746 : vector<16xf32>
        %max3A_748 = arith.constant 0.000000e+00 : f32
        %max3A_749 = vector.broadcast %max3A_748 : f32 to vector<16xf32>
        %max3A_750 = arith.maximumf %get3A_304, %max3A_749 : vector<16xf32>
        %mul3A_751 = arith.mulf %exp3A_729, %add3A_747 : vector<16xf32>
        %add3A_752 = arith.addf %max3A_750, %mul3A_751 : vector<16xf32>
        %pack3A_753 = tpu.pack_subelements %add3A_332, %add3A_556 {pack_format = #tpu.pack_format<interleaved>, positions = array<i32: 0, 1>} : vector<16xf32>, vector<16xf32> -> vector<32xbf16>
        %bitcast3A_754 = vector.bitcast %pack3A_753 : vector<32xbf16> to vector<16xf32>
        %pack3A_755 = tpu.pack_subelements %add3A_360, %add3A_584 {pack_format = #tpu.pack_format<interleaved>, positions = array<i32: 0, 1>} : vector<16xf32>, vector<16xf32> -> vector<32xbf16>
        %bitcast3A_756 = vector.bitcast %pack3A_755 : vector<32xbf16> to vector<16xf32>
        %pack3A_757 = tpu.pack_subelements %add3A_388, %add3A_612 {pack_format = #tpu.pack_format<interleaved>, positions = array<i32: 0, 1>} : vector<16xf32>, vector<16xf32> -> vector<32xbf16>
        %bitcast3A_758 = vector.bitcast %pack3A_757 : vector<32xbf16> to vector<16xf32>
        %pack3A_759 = tpu.pack_subelements %add3A_416, %add3A_640 {pack_format = #tpu.pack_format<interleaved>, positions = array<i32: 0, 1>} : vector<16xf32>, vector<16xf32> -> vector<32xbf16>
        %bitcast3A_760 = vector.bitcast %pack3A_759 : vector<32xbf16> to vector<16xf32>
        %pack3A_761 = tpu.pack_subelements %add3A_444, %add3A_668 {pack_format = #tpu.pack_format<interleaved>, positions = array<i32: 0, 1>} : vector<16xf32>, vector<16xf32> -> vector<32xbf16>
        %bitcast3A_762 = vector.bitcast %pack3A_761 : vector<32xbf16> to vector<16xf32>
        %pack3A_763 = tpu.pack_subelements %add3A_472, %add3A_696 {pack_format = #tpu.pack_format<interleaved>, positions = array<i32: 0, 1>} : vector<16xf32>, vector<16xf32> -> vector<32xbf16>
        %bitcast3A_764 = vector.bitcast %pack3A_763 : vector<32xbf16> to vector<16xf32>
        %pack3A_765 = tpu.pack_subelements %add3A_500, %add3A_724 {pack_format = #tpu.pack_format<interleaved>, positions = array<i32: 0, 1>} : vector<16xf32>, vector<16xf32> -> vector<32xbf16>
        %bitcast3A_766 = vector.bitcast %pack3A_765 : vector<32xbf16> to vector<16xf32>
        %pack3A_767 = tpu.pack_subelements %add3A_528, %add3A_752 {pack_format = #tpu.pack_format<interleaved>, positions = array<i32: 0, 1>} : vector<16xf32>, vector<16xf32> -> vector<32xbf16>
        %bitcast3A_768 = vector.bitcast %pack3A_767 : vector<32xbf16> to vector<16xf32>
        %add3A_769 = arith.addi %mul3A_192, %add3A_234 : i32
        %swap3A_770 = arith.index_cast %add3A_769 : i32 to index
        %swap3A_771 = tpu.vector_load %arg6[%swap3A_770] {strides = array<i32>} : memref<100000xf32, #tpu.memory_space<vmem>>, vector<16xf32>,
        tpu.vector_store %arg6[%swap3A_770], %bitcast3A_754 {strides = array<i32>} : memref<100000xf32, #tpu.memory_space<vmem>>, vector<16xf32>,
        %add3A_772 = arith.addi %mul3A_192, %add3A_236 : i32
        %swap3A_773 = arith.index_cast %add3A_772 : i32 to index
        %swap3A_774 = tpu.vector_load %arg6[%swap3A_773] {strides = array<i32>} : memref<100000xf32, #tpu.memory_space<vmem>>, vector<16xf32>,
        tpu.vector_store %arg6[%swap3A_773], %bitcast3A_756 {strides = array<i32>} : memref<100000xf32, #tpu.memory_space<vmem>>, vector<16xf32>,
        %add3A_775 = arith.addi %mul3A_192, %add3A_238 : i32
        %swap3A_776 = arith.index_cast %add3A_775 : i32 to index
        %swap3A_777 = tpu.vector_load %arg6[%swap3A_776] {strides = array<i32>} : memref<100000xf32, #tpu.memory_space<vmem>>, vector<16xf32>,
        tpu.vector_store %arg6[%swap3A_776], %bitcast3A_758 {strides = array<i32>} : memref<100000xf32, #tpu.memory_space<vmem>>, vector<16xf32>,
        %add3A_778 = arith.addi %mul3A_192, %add3A_240 : i32
        %swap3A_779 = arith.index_cast %add3A_778 : i32 to index
        %swap3A_780 = tpu.vector_load %arg6[%swap3A_779] {strides = array<i32>} : memref<100000xf32, #tpu.memory_space<vmem>>, vector<16xf32>,
        tpu.vector_store %arg6[%swap3A_779], %bitcast3A_760 {strides = array<i32>} : memref<100000xf32, #tpu.memory_space<vmem>>, vector<16xf32>,
        %add3A_781 = arith.addi %mul3A_192, %add3A_242 : i32
        %swap3A_782 = arith.index_cast %add3A_781 : i32 to index
        %swap3A_783 = tpu.vector_load %arg6[%swap3A_782] {strides = array<i32>} : memref<100000xf32, #tpu.memory_space<vmem>>, vector<16xf32>,
        tpu.vector_store %arg6[%swap3A_782], %bitcast3A_762 {strides = array<i32>} : memref<100000xf32, #tpu.memory_space<vmem>>, vector<16xf32>,
        %add3A_784 = arith.addi %mul3A_192, %add3A_244 : i32
        %swap3A_785 = arith.index_cast %add3A_784 : i32 to index
        %swap3A_786 = tpu.vector_load %arg6[%swap3A_785] {strides = array<i32>} : memref<100000xf32, #tpu.memory_space<vmem>>, vector<16xf32>,
        tpu.vector_store %arg6[%swap3A_785], %bitcast3A_764 {strides = array<i32>} : memref<100000xf32, #tpu.memory_space<vmem>>, vector<16xf32>,
        %add3A_787 = arith.addi %mul3A_192, %add3A_246 : i32
        %swap3A_788 = arith.index_cast %add3A_787 : i32 to index
        %swap3A_789 = tpu.vector_load %arg6[%swap3A_788] {strides = array<i32>} : memref<100000xf32, #tpu.memory_space<vmem>>, vector<16xf32>,
        tpu.vector_store %arg6[%swap3A_788], %bitcast3A_766 {strides = array<i32>} : memref<100000xf32, #tpu.memory_space<vmem>>, vector<16xf32>,
        %add3A_790 = arith.addi %mul3A_192, %add3A_248 : i32
        %swap3A_791 = arith.index_cast %add3A_790 : i32 to index
        %swap3A_792 = tpu.vector_load %arg6[%swap3A_791] {strides = array<i32>} : memref<100000xf32, #tpu.memory_space<vmem>>, vector<16xf32>,
        tpu.vector_store %arg6[%swap3A_791], %bitcast3A_768 {strides = array<i32>} : memref<100000xf32, #tpu.memory_space<vmem>>, vector<16xf32>,
      }
      %scan3A_197 = arith.constant 16 : i32
      %add3A_198 = arith.constant 2 : i32
      %add3A_199 = arith.addi %add3A_184, %add3A_198 : i32
      %lt3A = arith.constant 48 : i32
      %lt3A_200 = arith.cmpi slt, %add3A_199, %lt3A : i32
      %convert_element_type3A = arith.extui %lt3A_200 : i1 to i32
      %cond3A = arith.constant 0 : i32
      %cond3A_201 = arith.cmpi ne, %convert_element_type3A, %cond3A : i32
      scf.if %cond3A_201 {
        %add3A_226 = arith.constant 1 : i32
        %add3A_227 = arith.addi %mul3A_2, %add3A_226 : i32
        %add3A_228 = arith.constant 2 : i32
        %add3A_229 = arith.addi %add3A_184, %add3A_228 : i32
        %mul3A_230 = arith.constant 2048 : i32
        %mul3A_231 = arith.muli %add3A_229, %mul3A_230 : i32
        %dma_start3A_232 = tpu.memref_slice %arg2[%add3A_227, %mul3A_231] : memref<64x100000xf32, #tpu.memory_space<hbm>> -> memref<1x2048xf32, #tpu.memory_space<hbm>>
        %dma_start3A_233 = tpu.memref_slice %arg2[%add3A_227, %mul3A_231] : memref<64x100000xf32, #tpu.memory_space<hbm>> -> memref<1x2048xf32, #tpu.memory_space<hbm>>
        tpu.enqueue_dma source(%dma_start3A_233 : memref<1x2048xf32, #tpu.memory_space<hbm>>) target(%arg11 : memref<1x2048xf32, #tpu.memory_space<vmem>>) target_semaphore(%arg19 : memref<!tpu.dma_semaphore, #tpu.memory_space<semaphore_mem>>)
      } else {
      }
      %mul3A_202 = arith.constant 2 : i32
      %mul3A_203 = arith.muli %mul3A_202, %add3A_180 : i32
      %add3A_204 = arith.constant 1 : i32
      %add3A_205 = arith.addi %mul3A_203, %add3A_204 : i32
      %add3A_206 = arith.constant 1 : i32
      %add3A_207 = arith.addi %mul3A_2, %add3A_206 : i32
      %dma_wait3A_208 = arith.constant 0 : i32
      %dma_wait3A_209 = tpu.memref_slice %arg2[%add3A_207, %dma_wait3A_208] : memref<64x100000xf32, #tpu.memory_space<hbm>> -> memref<1x2048xf32, #tpu.memory_space<hbm>>
      %dma_wait3A_210 = arith.constant 0 : i32
      %dma_wait3A_211 = tpu.memref_slice %arg2[%add3A_207, %dma_wait3A_210] : memref<64x100000xf32, #tpu.memory_space<hbm>> -> memref<1x2048xf32, #tpu.memory_space<hbm>>
      tpu.wait_dma2 semaphore(%arg20 : memref<!tpu.dma_semaphore, #tpu.memory_space<semaphore_mem>>) src(%dma_wait3A_211 : memref<1x2048xf32, #tpu.memory_space<hbm>>) dst(%arg12 : memref<1x2048xf32, #tpu.memory_space<vmem>>)
      %mul3A_212 = arith.constant 2048 : i32
      %mul3A_213 = arith.muli %add3A_205, %mul3A_212 : i32
      %scan3A_214 = arith.constant 0 : i32
      %scan3A_215 = arith.constant 16 : i32
      %scan3A_216 = arith.addi %scan3A_214, %scan3A_215 : i32
      %scan3A_217 = arith.constant 1 : i32
      scf.for %scan3A_226 = %scan3A_214 to %scan3A_216 step %scan3A_217  : i32 {
        %mul3A_227 = arith.constant 1 : i32
        %mul3A_228 = arith.muli %scan3A_226, %mul3A_227 : i32
        %add3A_229 = arith.constant 0 : i32
        %add3A_230 = arith.addi %add3A_229, %mul3A_228 : i32
        %mul3A_231 = arith.constant 128 : i32
        %mul3A_232 = arith.muli %add3A_230, %mul3A_231 : i32
        %add3A_233 = arith.constant 0 : i32
        %add3A_234 = arith.addi %mul3A_232, %add3A_233 : i32
        %add3A_235 = arith.constant 16 : i32
        %add3A_236 = arith.addi %mul3A_232, %add3A_235 : i32
        %add3A_237 = arith.constant 32 : i32
        %add3A_238 = arith.addi %mul3A_232, %add3A_237 : i32
        %add3A_239 = arith.constant 48 : i32
        %add3A_240 = arith.addi %mul3A_232, %add3A_239 : i32
        %add3A_241 = arith.constant 64 : i32
        %add3A_242 = arith.addi %mul3A_232, %add3A_241 : i32
        %add3A_243 = arith.constant 80 : i32
        %add3A_244 = arith.addi %mul3A_232, %add3A_243 : i32
        %add3A_245 = arith.constant 96 : i32
        %add3A_246 = arith.addi %mul3A_232, %add3A_245 : i32
        %add3A_247 = arith.constant 112 : i32
        %add3A_248 = arith.addi %mul3A_232, %add3A_247 : i32
        %add3A_249 = arith.addi %mul3A_213, %add3A_234 : i32
        %get3A_250 = arith.index_cast %add3A_249 : i32 to index
        %get3A_251 = tpu.vector_load %arg6[%get3A_250] {strides = array<i32>} : memref<100000xf32, #tpu.memory_space<vmem>>, vector<16xf32>,
        %add3A_252 = arith.addi %mul3A_213, %add3A_236 : i32
        %get3A_253 = arith.index_cast %add3A_252 : i32 to index
        %get3A_254 = tpu.vector_load %arg6[%get3A_253] {strides = array<i32>} : memref<100000xf32, #tpu.memory_space<vmem>>, vector<16xf32>,
        %add3A_255 = arith.addi %mul3A_213, %add3A_238 : i32
        %get3A_256 = arith.index_cast %add3A_255 : i32 to index
        %get3A_257 = tpu.vector_load %arg6[%get3A_256] {strides = array<i32>} : memref<100000xf32, #tpu.memory_space<vmem>>, vector<16xf32>,
        %add3A_258 = arith.addi %mul3A_213, %add3A_240 : i32
        %get3A_259 = arith.index_cast %add3A_258 : i32 to index
        %get3A_260 = tpu.vector_load %arg6[%get3A_259] {strides = array<i32>} : memref<100000xf32, #tpu.memory_space<vmem>>, vector<16xf32>,
        %add3A_261 = arith.addi %mul3A_213, %add3A_242 : i32
        %get3A_262 = arith.index_cast %add3A_261 : i32 to index
        %get3A_263 = tpu.vector_load %arg6[%get3A_262] {strides = array<i32>} : memref<100000xf32, #tpu.memory_space<vmem>>, vector<16xf32>,
        %add3A_264 = arith.addi %mul3A_213, %add3A_244 : i32
        %get3A_265 = arith.index_cast %add3A_264 : i32 to index
        %get3A_266 = tpu.vector_load %arg6[%get3A_265] {strides = array<i32>} : memref<100000xf32, #tpu.memory_space<vmem>>, vector<16xf32>,
        %add3A_267 = arith.addi %mul3A_213, %add3A_246 : i32
        %get3A_268 = arith.index_cast %add3A_267 : i32 to index
        %get3A_269 = tpu.vector_load %arg6[%get3A_268] {strides = array<i32>} : memref<100000xf32, #tpu.memory_space<vmem>>, vector<16xf32>,
        %add3A_270 = arith.addi %mul3A_213, %add3A_248 : i32
        %get3A_271 = arith.index_cast %add3A_270 : i32 to index
        %get3A_272 = tpu.vector_load %arg6[%get3A_271] {strides = array<i32>} : memref<100000xf32, #tpu.memory_space<vmem>>, vector<16xf32>,
        %get3A_273 = arith.constant 0 : i32
        %get3A_274 = arith.index_cast %get3A_273 : i32 to index
        %get3A_275 = arith.index_cast %add3A_234 : i32 to index
        %get3A_276 = tpu.vector_load %arg12[%get3A_274, %get3A_275] {strides = array<i32>} : memref<1x2048xf32, #tpu.memory_space<vmem>>, vector<16xf32>,
        %get3A_277 = arith.constant 0 : i32
        %get3A_278 = arith.index_cast %get3A_277 : i32 to index
        %get3A_279 = arith.index_cast %add3A_236 : i32 to index
        %get3A_280 = tpu.vector_load %arg12[%get3A_278, %get3A_279] {strides = array<i32>} : memref<1x2048xf32, #tpu.memory_space<vmem>>, vector<16xf32>,
        %get3A_281 = arith.constant 0 : i32
        %get3A_282 = arith.index_cast %get3A_281 : i32 to index
        %get3A_283 = arith.index_cast %add3A_238 : i32 to index
        %get3A_284 = tpu.vector_load %arg12[%get3A_282, %get3A_283] {strides = array<i32>} : memref<1x2048xf32, #tpu.memory_space<vmem>>, vector<16xf32>,
        %get3A_285 = arith.constant 0 : i32
        %get3A_286 = arith.index_cast %get3A_285 : i32 to index
        %get3A_287 = arith.index_cast %add3A_240 : i32 to index
        %get3A_288 = tpu.vector_load %arg12[%get3A_286, %get3A_287] {strides = array<i32>} : memref<1x2048xf32, #tpu.memory_space<vmem>>, vector<16xf32>,
        %get3A_289 = arith.constant 0 : i32
        %get3A_290 = arith.index_cast %get3A_289 : i32 to index
        %get3A_291 = arith.index_cast %add3A_242 : i32 to index
        %get3A_292 = tpu.vector_load %arg12[%get3A_290, %get3A_291] {strides = array<i32>} : memref<1x2048xf32, #tpu.memory_space<vmem>>, vector<16xf32>,
        %get3A_293 = arith.constant 0 : i32
        %get3A_294 = arith.index_cast %get3A_293 : i32 to index
        %get3A_295 = arith.index_cast %add3A_244 : i32 to index
        %get3A_296 = tpu.vector_load %arg12[%get3A_294, %get3A_295] {strides = array<i32>} : memref<1x2048xf32, #tpu.memory_space<vmem>>, vector<16xf32>,
        %get3A_297 = arith.constant 0 : i32
        %get3A_298 = arith.index_cast %get3A_297 : i32 to index
        %get3A_299 = arith.index_cast %add3A_246 : i32 to index
        %get3A_300 = tpu.vector_load %arg12[%get3A_298, %get3A_299] {strides = array<i32>} : memref<1x2048xf32, #tpu.memory_space<vmem>>, vector<16xf32>,
        %get3A_301 = arith.constant 0 : i32
        %get3A_302 = arith.index_cast %get3A_301 : i32 to index
        %get3A_303 = arith.index_cast %add3A_248 : i32 to index
        %get3A_304 = tpu.vector_load %arg12[%get3A_302, %get3A_303] {strides = array<i32>} : memref<1x2048xf32, #tpu.memory_space<vmem>>, vector<16xf32>,
        %neg3A_305 = arith.constant 0.000000e+00 : f32
        %neg3A_306 = vector.broadcast %neg3A_305 : f32 to vector<16xf32>
        %neg3A_307 = arith.subf %neg3A_306, %get3A_251 : vector<16xf32>
        %min3A_308 = arith.minimumf %get3A_251, %neg3A_307 : vector<16xf32>
        %exp3A_309 = math.exp %min3A_308 : vector<16xf32>
        %broadcast_in_dim3A_310 = arith.constant 0.0415515676 : f32
        %broadcast_in_dim3A_311 = vector.broadcast %broadcast_in_dim3A_310 : f32 to vector<16xf32>
        %mul3A_312 = arith.mulf %broadcast_in_dim3A_311, %exp3A_309 : vector<16xf32>
        %add3A_313 = arith.constant -0.157840043 : f32
        %add3A_314 = vector.broadcast %add3A_313 : f32 to vector<16xf32>
        %add3A_315 = arith.addf %mul3A_312, %add3A_314 : vector<16xf32>
        %mul3A_316 = arith.mulf %add3A_315, %exp3A_309 : vector<16xf32>
        %add3A_317 = arith.constant 0.306562841 : f32
        %add3A_318 = vector.broadcast %add3A_317 : f32 to vector<16xf32>
        %add3A_319 = arith.addf %mul3A_316, %add3A_318 : vector<16xf32>
        %mul3A_320 = arith.mulf %add3A_319, %exp3A_309 : vector<16xf32>
        %add3A_321 = arith.constant -0.49703145 : f32
        %add3A_322 = vector.broadcast %add3A_321 : f32 to vector<16xf32>
        %add3A_323 = arith.addf %mul3A_320, %add3A_322 : vector<16xf32>
        %mul3A_324 = arith.mulf %add3A_323, %exp3A_309 : vector<16xf32>
        %add3A_325 = arith.constant 0.999945044 : f32
        %add3A_326 = vector.broadcast %add3A_325 : f32 to vector<16xf32>
        %add3A_327 = arith.addf %mul3A_324, %add3A_326 : vector<16xf32>
        %max3A_328 = arith.constant 0.000000e+00 : f32
        %max3A_329 = vector.broadcast %max3A_328 : f32 to vector<16xf32>
        %max3A_330 = arith.maximumf %get3A_251, %max3A_329 : vector<16xf32>
        %mul3A_331 = arith.mulf %exp3A_309, %add3A_327 : vector<16xf32>
        %add3A_332 = arith.addf %max3A_330, %mul3A_331 : vector<16xf32>
        %neg3A_333 = arith.constant 0.000000e+00 : f32
        %neg3A_334 = vector.broadcast %neg3A_333 : f32 to vector<16xf32>
        %neg3A_335 = arith.subf %neg3A_334, %get3A_254 : vector<16xf32>
        %min3A_336 = arith.minimumf %get3A_254, %neg3A_335 : vector<16xf32>
        %exp3A_337 = math.exp %min3A_336 : vector<16xf32>
        %broadcast_in_dim3A_338 = arith.constant 0.0415515676 : f32
        %broadcast_in_dim3A_339 = vector.broadcast %broadcast_in_dim3A_338 : f32 to vector<16xf32>
        %mul3A_340 = arith.mulf %broadcast_in_dim3A_339, %exp3A_337 : vector<16xf32>
        %add3A_341 = arith.constant -0.157840043 : f32
        %add3A_342 = vector.broadcast %add3A_341 : f32 to vector<16xf32>
        %add3A_343 = arith.addf %mul3A_340, %add3A_342 : vector<16xf32>
        %mul3A_344 = arith.mulf %add3A_343, %exp3A_337 : vector<16xf32>
        %add3A_345 = arith.constant 0.306562841 : f32
        %add3A_346 = vector.broadcast %add3A_345 : f32 to vector<16xf32>
        %add3A_347 = arith.addf %mul3A_344, %add3A_346 : vector<16xf32>
        %mul3A_348 = arith.mulf %add3A_347, %exp3A_337 : vector<16xf32>
        %add3A_349 = arith.constant -0.49703145 : f32
        %add3A_350 = vector.broadcast %add3A_349 : f32 to vector<16xf32>
        %add3A_351 = arith.addf %mul3A_348, %add3A_350 : vector<16xf32>
        %mul3A_352 = arith.mulf %add3A_351, %exp3A_337 : vector<16xf32>
        %add3A_353 = arith.constant 0.999945044 : f32
        %add3A_354 = vector.broadcast %add3A_353 : f32 to vector<16xf32>
        %add3A_355 = arith.addf %mul3A_352, %add3A_354 : vector<16xf32>
        %max3A_356 = arith.constant 0.000000e+00 : f32
        %max3A_357 = vector.broadcast %max3A_356 : f32 to vector<16xf32>
        %max3A_358 = arith.maximumf %get3A_254, %max3A_357 : vector<16xf32>
        %mul3A_359 = arith.mulf %exp3A_337, %add3A_355 : vector<16xf32>
        %add3A_360 = arith.addf %max3A_358, %mul3A_359 : vector<16xf32>
        %neg3A_361 = arith.constant 0.000000e+00 : f32
        %neg3A_362 = vector.broadcast %neg3A_361 : f32 to vector<16xf32>
        %neg3A_363 = arith.subf %neg3A_362, %get3A_257 : vector<16xf32>
        %min3A_364 = arith.minimumf %get3A_257, %neg3A_363 : vector<16xf32>
        %exp3A_365 = math.exp %min3A_364 : vector<16xf32>
        %broadcast_in_dim3A_366 = arith.constant 0.0415515676 : f32
        %broadcast_in_dim3A_367 = vector.broadcast %broadcast_in_dim3A_366 : f32 to vector<16xf32>
        %mul3A_368 = arith.mulf %broadcast_in_dim3A_367, %exp3A_365 : vector<16xf32>
        %add3A_369 = arith.constant -0.157840043 : f32
        %add3A_370 = vector.broadcast %add3A_369 : f32 to vector<16xf32>
        %add3A_371 = arith.addf %mul3A_368, %add3A_370 : vector<16xf32>
        %mul3A_372 = arith.mulf %add3A_371, %exp3A_365 : vector<16xf32>
        %add3A_373 = arith.constant 0.306562841 : f32
        %add3A_374 = vector.broadcast %add3A_373 : f32 to vector<16xf32>
        %add3A_375 = arith.addf %mul3A_372, %add3A_374 : vector<16xf32>
        %mul3A_376 = arith.mulf %add3A_375, %exp3A_365 : vector<16xf32>
        %add3A_377 = arith.constant -0.49703145 : f32
        %add3A_378 = vector.broadcast %add3A_377 : f32 to vector<16xf32>
        %add3A_379 = arith.addf %mul3A_376, %add3A_378 : vector<16xf32>
        %mul3A_380 = arith.mulf %add3A_379, %exp3A_365 : vector<16xf32>
        %add3A_381 = arith.constant 0.999945044 : f32
        %add3A_382 = vector.broadcast %add3A_381 : f32 to vector<16xf32>
        %add3A_383 = arith.addf %mul3A_380, %add3A_382 : vector<16xf32>
        %max3A_384 = arith.constant 0.000000e+00 : f32
        %max3A_385 = vector.broadcast %max3A_384 : f32 to vector<16xf32>
        %max3A_386 = arith.maximumf %get3A_257, %max3A_385 : vector<16xf32>
        %mul3A_387 = arith.mulf %exp3A_365, %add3A_383 : vector<16xf32>
        %add3A_388 = arith.addf %max3A_386, %mul3A_387 : vector<16xf32>
        %neg3A_389 = arith.constant 0.000000e+00 : f32
        %neg3A_390 = vector.broadcast %neg3A_389 : f32 to vector<16xf32>
        %neg3A_391 = arith.subf %neg3A_390, %get3A_260 : vector<16xf32>
        %min3A_392 = arith.minimumf %get3A_260, %neg3A_391 : vector<16xf32>
        %exp3A_393 = math.exp %min3A_392 : vector<16xf32>
        %broadcast_in_dim3A_394 = arith.constant 0.0415515676 : f32
        %broadcast_in_dim3A_395 = vector.broadcast %broadcast_in_dim3A_394 : f32 to vector<16xf32>
        %mul3A_396 = arith.mulf %broadcast_in_dim3A_395, %exp3A_393 : vector<16xf32>
        %add3A_397 = arith.constant -0.157840043 : f32
        %add3A_398 = vector.broadcast %add3A_397 : f32 to vector<16xf32>
        %add3A_399 = arith.addf %mul3A_396, %add3A_398 : vector<16xf32>
        %mul3A_400 = arith.mulf %add3A_399, %exp3A_393 : vector<16xf32>
        %add3A_401 = arith.constant 0.306562841 : f32
        %add3A_402 = vector.broadcast %add3A_401 : f32 to vector<16xf32>
        %add3A_403 = arith.addf %mul3A_400, %add3A_402 : vector<16xf32>
        %mul3A_404 = arith.mulf %add3A_403, %exp3A_393 : vector<16xf32>
        %add3A_405 = arith.constant -0.49703145 : f32
        %add3A_406 = vector.broadcast %add3A_405 : f32 to vector<16xf32>
        %add3A_407 = arith.addf %mul3A_404, %add3A_406 : vector<16xf32>
        %mul3A_408 = arith.mulf %add3A_407, %exp3A_393 : vector<16xf32>
        %add3A_409 = arith.constant 0.999945044 : f32
        %add3A_410 = vector.broadcast %add3A_409 : f32 to vector<16xf32>
        %add3A_411 = arith.addf %mul3A_408, %add3A_410 : vector<16xf32>
        %max3A_412 = arith.constant 0.000000e+00 : f32
        %max3A_413 = vector.broadcast %max3A_412 : f32 to vector<16xf32>
        %max3A_414 = arith.maximumf %get3A_260, %max3A_413 : vector<16xf32>
        %mul3A_415 = arith.mulf %exp3A_393, %add3A_411 : vector<16xf32>
        %add3A_416 = arith.addf %max3A_414, %mul3A_415 : vector<16xf32>
        %neg3A_417 = arith.constant 0.000000e+00 : f32
        %neg3A_418 = vector.broadcast %neg3A_417 : f32 to vector<16xf32>
        %neg3A_419 = arith.subf %neg3A_418, %get3A_263 : vector<16xf32>
        %min3A_420 = arith.minimumf %get3A_263, %neg3A_419 : vector<16xf32>
        %exp3A_421 = math.exp %min3A_420 : vector<16xf32>
        %broadcast_in_dim3A_422 = arith.constant 0.0415515676 : f32
        %broadcast_in_dim3A_423 = vector.broadcast %broadcast_in_dim3A_422 : f32 to vector<16xf32>
        %mul3A_424 = arith.mulf %broadcast_in_dim3A_423, %exp3A_421 : vector<16xf32>
        %add3A_425 = arith.constant -0.157840043 : f32
        %add3A_426 = vector.broadcast %add3A_425 : f32 to vector<16xf32>
        %add3A_427 = arith.addf %mul3A_424, %add3A_426 : vector<16xf32>
        %mul3A_428 = arith.mulf %add3A_427, %exp3A_421 : vector<16xf32>
        %add3A_429 = arith.constant 0.306562841 : f32
        %add3A_430 = vector.broadcast %add3A_429 : f32 to vector<16xf32>
        %add3A_431 = arith.addf %mul3A_428, %add3A_430 : vector<16xf32>
        %mul3A_432 = arith.mulf %add3A_431, %exp3A_421 : vector<16xf32>
        %add3A_433 = arith.constant -0.49703145 : f32
        %add3A_434 = vector.broadcast %add3A_433 : f32 to vector<16xf32>
        %add3A_435 = arith.addf %mul3A_432, %add3A_434 : vector<16xf32>
        %mul3A_436 = arith.mulf %add3A_435, %exp3A_421 : vector<16xf32>
        %add3A_437 = arith.constant 0.999945044 : f32
        %add3A_438 = vector.broadcast %add3A_437 : f32 to vector<16xf32>
        %add3A_439 = arith.addf %mul3A_436, %add3A_438 : vector<16xf32>
        %max3A_440 = arith.constant 0.000000e+00 : f32
        %max3A_441 = vector.broadcast %max3A_440 : f32 to vector<16xf32>
        %max3A_442 = arith.maximumf %get3A_263, %max3A_441 : vector<16xf32>
        %mul3A_443 = arith.mulf %exp3A_421, %add3A_439 : vector<16xf32>
        %add3A_444 = arith.addf %max3A_442, %mul3A_443 : vector<16xf32>
        %neg3A_445 = arith.constant 0.000000e+00 : f32
        %neg3A_446 = vector.broadcast %neg3A_445 : f32 to vector<16xf32>
        %neg3A_447 = arith.subf %neg3A_446, %get3A_266 : vector<16xf32>
        %min3A_448 = arith.minimumf %get3A_266, %neg3A_447 : vector<16xf32>
        %exp3A_449 = math.exp %min3A_448 : vector<16xf32>
        %broadcast_in_dim3A_450 = arith.constant 0.0415515676 : f32
        %broadcast_in_dim3A_451 = vector.broadcast %broadcast_in_dim3A_450 : f32 to vector<16xf32>
        %mul3A_452 = arith.mulf %broadcast_in_dim3A_451, %exp3A_449 : vector<16xf32>
        %add3A_453 = arith.constant -0.157840043 : f32
        %add3A_454 = vector.broadcast %add3A_453 : f32 to vector<16xf32>
        %add3A_455 = arith.addf %mul3A_452, %add3A_454 : vector<16xf32>
        %mul3A_456 = arith.mulf %add3A_455, %exp3A_449 : vector<16xf32>
        %add3A_457 = arith.constant 0.306562841 : f32
        %add3A_458 = vector.broadcast %add3A_457 : f32 to vector<16xf32>
        %add3A_459 = arith.addf %mul3A_456, %add3A_458 : vector<16xf32>
        %mul3A_460 = arith.mulf %add3A_459, %exp3A_449 : vector<16xf32>
        %add3A_461 = arith.constant -0.49703145 : f32
        %add3A_462 = vector.broadcast %add3A_461 : f32 to vector<16xf32>
        %add3A_463 = arith.addf %mul3A_460, %add3A_462 : vector<16xf32>
        %mul3A_464 = arith.mulf %add3A_463, %exp3A_449 : vector<16xf32>
        %add3A_465 = arith.constant 0.999945044 : f32
        %add3A_466 = vector.broadcast %add3A_465 : f32 to vector<16xf32>
        %add3A_467 = arith.addf %mul3A_464, %add3A_466 : vector<16xf32>
        %max3A_468 = arith.constant 0.000000e+00 : f32
        %max3A_469 = vector.broadcast %max3A_468 : f32 to vector<16xf32>
        %max3A_470 = arith.maximumf %get3A_266, %max3A_469 : vector<16xf32>
        %mul3A_471 = arith.mulf %exp3A_449, %add3A_467 : vector<16xf32>
        %add3A_472 = arith.addf %max3A_470, %mul3A_471 : vector<16xf32>
        %neg3A_473 = arith.constant 0.000000e+00 : f32
        %neg3A_474 = vector.broadcast %neg3A_473 : f32 to vector<16xf32>
        %neg3A_475 = arith.subf %neg3A_474, %get3A_269 : vector<16xf32>
        %min3A_476 = arith.minimumf %get3A_269, %neg3A_475 : vector<16xf32>
        %exp3A_477 = math.exp %min3A_476 : vector<16xf32>
        %broadcast_in_dim3A_478 = arith.constant 0.0415515676 : f32
        %broadcast_in_dim3A_479 = vector.broadcast %broadcast_in_dim3A_478 : f32 to vector<16xf32>
        %mul3A_480 = arith.mulf %broadcast_in_dim3A_479, %exp3A_477 : vector<16xf32>
        %add3A_481 = arith.constant -0.157840043 : f32
        %add3A_482 = vector.broadcast %add3A_481 : f32 to vector<16xf32>
        %add3A_483 = arith.addf %mul3A_480, %add3A_482 : vector<16xf32>
        %mul3A_484 = arith.mulf %add3A_483, %exp3A_477 : vector<16xf32>
        %add3A_485 = arith.constant 0.306562841 : f32
        %add3A_486 = vector.broadcast %add3A_485 : f32 to vector<16xf32>
        %add3A_487 = arith.addf %mul3A_484, %add3A_486 : vector<16xf32>
        %mul3A_488 = arith.mulf %add3A_487, %exp3A_477 : vector<16xf32>
        %add3A_489 = arith.constant -0.49703145 : f32
        %add3A_490 = vector.broadcast %add3A_489 : f32 to vector<16xf32>
        %add3A_491 = arith.addf %mul3A_488, %add3A_490 : vector<16xf32>
        %mul3A_492 = arith.mulf %add3A_491, %exp3A_477 : vector<16xf32>
        %add3A_493 = arith.constant 0.999945044 : f32
        %add3A_494 = vector.broadcast %add3A_493 : f32 to vector<16xf32>
        %add3A_495 = arith.addf %mul3A_492, %add3A_494 : vector<16xf32>
        %max3A_496 = arith.constant 0.000000e+00 : f32
        %max3A_497 = vector.broadcast %max3A_496 : f32 to vector<16xf32>
        %max3A_498 = arith.maximumf %get3A_269, %max3A_497 : vector<16xf32>
        %mul3A_499 = arith.mulf %exp3A_477, %add3A_495 : vector<16xf32>
        %add3A_500 = arith.addf %max3A_498, %mul3A_499 : vector<16xf32>
        %neg3A_501 = arith.constant 0.000000e+00 : f32
        %neg3A_502 = vector.broadcast %neg3A_501 : f32 to vector<16xf32>
        %neg3A_503 = arith.subf %neg3A_502, %get3A_272 : vector<16xf32>
        %min3A_504 = arith.minimumf %get3A_272, %neg3A_503 : vector<16xf32>
        %exp3A_505 = math.exp %min3A_504 : vector<16xf32>
        %broadcast_in_dim3A_506 = arith.constant 0.0415515676 : f32
        %broadcast_in_dim3A_507 = vector.broadcast %broadcast_in_dim3A_506 : f32 to vector<16xf32>
        %mul3A_508 = arith.mulf %broadcast_in_dim3A_507, %exp3A_505 : vector<16xf32>
        %add3A_509 = arith.constant -0.157840043 : f32
        %add3A_510 = vector.broadcast %add3A_509 : f32 to vector<16xf32>
        %add3A_511 = arith.addf %mul3A_508, %add3A_510 : vector<16xf32>
        %mul3A_512 = arith.mulf %add3A_511, %exp3A_505 : vector<16xf32>
        %add3A_513 = arith.constant 0.306562841 : f32
        %add3A_514 = vector.broadcast %add3A_513 : f32 to vector<16xf32>
        %add3A_515 = arith.addf %mul3A_512, %add3A_514 : vector<16xf32>
        %mul3A_516 = arith.mulf %add3A_515, %exp3A_505 : vector<16xf32>
        %add3A_517 = arith.constant -0.49703145 : f32
        %add3A_518 = vector.broadcast %add3A_517 : f32 to vector<16xf32>
        %add3A_519 = arith.addf %mul3A_516, %add3A_518 : vector<16xf32>
        %mul3A_520 = arith.mulf %add3A_519, %exp3A_505 : vector<16xf32>
        %add3A_521 = arith.constant 0.999945044 : f32
        %add3A_522 = vector.broadcast %add3A_521 : f32 to vector<16xf32>
        %add3A_523 = arith.addf %mul3A_520, %add3A_522 : vector<16xf32>
        %max3A_524 = arith.constant 0.000000e+00 : f32
        %max3A_525 = vector.broadcast %max3A_524 : f32 to vector<16xf32>
        %max3A_526 = arith.maximumf %get3A_272, %max3A_525 : vector<16xf32>
        %mul3A_527 = arith.mulf %exp3A_505, %add3A_523 : vector<16xf32>
        %add3A_528 = arith.addf %max3A_526, %mul3A_527 : vector<16xf32>
        %neg3A_529 = arith.constant 0.000000e+00 : f32
        %neg3A_530 = vector.broadcast %neg3A_529 : f32 to vector<16xf32>
        %neg3A_531 = arith.subf %neg3A_530, %get3A_276 : vector<16xf32>
        %min3A_532 = arith.minimumf %get3A_276, %neg3A_531 : vector<16xf32>
        %exp3A_533 = math.exp %min3A_532 : vector<16xf32>
        %broadcast_in_dim3A_534 = arith.constant 0.0415515676 : f32
        %broadcast_in_dim3A_535 = vector.broadcast %broadcast_in_dim3A_534 : f32 to vector<16xf32>
        %mul3A_536 = arith.mulf %broadcast_in_dim3A_535, %exp3A_533 : vector<16xf32>
        %add3A_537 = arith.constant -0.157840043 : f32
        %add3A_538 = vector.broadcast %add3A_537 : f32 to vector<16xf32>
        %add3A_539 = arith.addf %mul3A_536, %add3A_538 : vector<16xf32>
        %mul3A_540 = arith.mulf %add3A_539, %exp3A_533 : vector<16xf32>
        %add3A_541 = arith.constant 0.306562841 : f32
        %add3A_542 = vector.broadcast %add3A_541 : f32 to vector<16xf32>
        %add3A_543 = arith.addf %mul3A_540, %add3A_542 : vector<16xf32>
        %mul3A_544 = arith.mulf %add3A_543, %exp3A_533 : vector<16xf32>
        %add3A_545 = arith.constant -0.49703145 : f32
        %add3A_546 = vector.broadcast %add3A_545 : f32 to vector<16xf32>
        %add3A_547 = arith.addf %mul3A_544, %add3A_546 : vector<16xf32>
        %mul3A_548 = arith.mulf %add3A_547, %exp3A_533 : vector<16xf32>
        %add3A_549 = arith.constant 0.999945044 : f32
        %add3A_550 = vector.broadcast %add3A_549 : f32 to vector<16xf32>
        %add3A_551 = arith.addf %mul3A_548, %add3A_550 : vector<16xf32>
        %max3A_552 = arith.constant 0.000000e+00 : f32
        %max3A_553 = vector.broadcast %max3A_552 : f32 to vector<16xf32>
        %max3A_554 = arith.maximumf %get3A_276, %max3A_553 : vector<16xf32>
        %mul3A_555 = arith.mulf %exp3A_533, %add3A_551 : vector<16xf32>
        %add3A_556 = arith.addf %max3A_554, %mul3A_555 : vector<16xf32>
        %neg3A_557 = arith.constant 0.000000e+00 : f32
        %neg3A_558 = vector.broadcast %neg3A_557 : f32 to vector<16xf32>
        %neg3A_559 = arith.subf %neg3A_558, %get3A_280 : vector<16xf32>
        %min3A_560 = arith.minimumf %get3A_280, %neg3A_559 : vector<16xf32>
        %exp3A_561 = math.exp %min3A_560 : vector<16xf32>
        %broadcast_in_dim3A_562 = arith.constant 0.0415515676 : f32
        %broadcast_in_dim3A_563 = vector.broadcast %broadcast_in_dim3A_562 : f32 to vector<16xf32>
        %mul3A_564 = arith.mulf %broadcast_in_dim3A_563, %exp3A_561 : vector<16xf32>
        %add3A_565 = arith.constant -0.157840043 : f32
        %add3A_566 = vector.broadcast %add3A_565 : f32 to vector<16xf32>
        %add3A_567 = arith.addf %mul3A_564, %add3A_566 : vector<16xf32>
        %mul3A_568 = arith.mulf %add3A_567, %exp3A_561 : vector<16xf32>
        %add3A_569 = arith.constant 0.306562841 : f32
        %add3A_570 = vector.broadcast %add3A_569 : f32 to vector<16xf32>
        %add3A_571 = arith.addf %mul3A_568, %add3A_570 : vector<16xf32>
        %mul3A_572 = arith.mulf %add3A_571, %exp3A_561 : vector<16xf32>
        %add3A_573 = arith.constant -0.49703145 : f32
        %add3A_574 = vector.broadcast %add3A_573 : f32 to vector<16xf32>
        %add3A_575 = arith.addf %mul3A_572, %add3A_574 : vector<16xf32>
        %mul3A_576 = arith.mulf %add3A_575, %exp3A_561 : vector<16xf32>
        %add3A_577 = arith.constant 0.999945044 : f32
        %add3A_578 = vector.broadcast %add3A_577 : f32 to vector<16xf32>
        %add3A_579 = arith.addf %mul3A_576, %add3A_578 : vector<16xf32>
        %max3A_580 = arith.constant 0.000000e+00 : f32
        %max3A_581 = vector.broadcast %max3A_580 : f32 to vector<16xf32>
        %max3A_582 = arith.maximumf %get3A_280, %max3A_581 : vector<16xf32>
        %mul3A_583 = arith.mulf %exp3A_561, %add3A_579 : vector<16xf32>
        %add3A_584 = arith.addf %max3A_582, %mul3A_583 : vector<16xf32>
        %neg3A_585 = arith.constant 0.000000e+00 : f32
        %neg3A_586 = vector.broadcast %neg3A_585 : f32 to vector<16xf32>
        %neg3A_587 = arith.subf %neg3A_586, %get3A_284 : vector<16xf32>
        %min3A_588 = arith.minimumf %get3A_284, %neg3A_587 : vector<16xf32>
        %exp3A_589 = math.exp %min3A_588 : vector<16xf32>
        %broadcast_in_dim3A_590 = arith.constant 0.0415515676 : f32
        %broadcast_in_dim3A_591 = vector.broadcast %broadcast_in_dim3A_590 : f32 to vector<16xf32>
        %mul3A_592 = arith.mulf %broadcast_in_dim3A_591, %exp3A_589 : vector<16xf32>
        %add3A_593 = arith.constant -0.157840043 : f32
        %add3A_594 = vector.broadcast %add3A_593 : f32 to vector<16xf32>
        %add3A_595 = arith.addf %mul3A_592, %add3A_594 : vector<16xf32>
        %mul3A_596 = arith.mulf %add3A_595, %exp3A_589 : vector<16xf32>
        %add3A_597 = arith.constant 0.306562841 : f32
        %add3A_598 = vector.broadcast %add3A_597 : f32 to vector<16xf32>
        %add3A_599 = arith.addf %mul3A_596, %add3A_598 : vector<16xf32>
        %mul3A_600 = arith.mulf %add3A_599, %exp3A_589 : vector<16xf32>
        %add3A_601 = arith.constant -0.49703145 : f32
        %add3A_602 = vector.broadcast %add3A_601 : f32 to vector<16xf32>
        %add3A_603 = arith.addf %mul3A_600, %add3A_602 : vector<16xf32>
        %mul3A_604 = arith.mulf %add3A_603, %exp3A_589 : vector<16xf32>
        %add3A_605 = arith.constant 0.999945044 : f32
        %add3A_606 = vector.broadcast %add3A_605 : f32 to vector<16xf32>
        %add3A_607 = arith.addf %mul3A_604, %add3A_606 : vector<16xf32>
        %max3A_608 = arith.constant 0.000000e+00 : f32
        %max3A_609 = vector.broadcast %max3A_608 : f32 to vector<16xf32>
        %max3A_610 = arith.maximumf %get3A_284, %max3A_609 : vector<16xf32>
        %mul3A_611 = arith.mulf %exp3A_589, %add3A_607 : vector<16xf32>
        %add3A_612 = arith.addf %max3A_610, %mul3A_611 : vector<16xf32>
        %neg3A_613 = arith.constant 0.000000e+00 : f32
        %neg3A_614 = vector.broadcast %neg3A_613 : f32 to vector<16xf32>
        %neg3A_615 = arith.subf %neg3A_614, %get3A_288 : vector<16xf32>
        %min3A_616 = arith.minimumf %get3A_288, %neg3A_615 : vector<16xf32>
        %exp3A_617 = math.exp %min3A_616 : vector<16xf32>
        %broadcast_in_dim3A_618 = arith.constant 0.0415515676 : f32
        %broadcast_in_dim3A_619 = vector.broadcast %broadcast_in_dim3A_618 : f32 to vector<16xf32>
        %mul3A_620 = arith.mulf %broadcast_in_dim3A_619, %exp3A_617 : vector<16xf32>
        %add3A_621 = arith.constant -0.157840043 : f32
        %add3A_622 = vector.broadcast %add3A_621 : f32 to vector<16xf32>
        %add3A_623 = arith.addf %mul3A_620, %add3A_622 : vector<16xf32>
        %mul3A_624 = arith.mulf %add3A_623, %exp3A_617 : vector<16xf32>
        %add3A_625 = arith.constant 0.306562841 : f32
        %add3A_626 = vector.broadcast %add3A_625 : f32 to vector<16xf32>
        %add3A_627 = arith.addf %mul3A_624, %add3A_626 : vector<16xf32>
        %mul3A_628 = arith.mulf %add3A_627, %exp3A_617 : vector<16xf32>
        %add3A_629 = arith.constant -0.49703145 : f32
        %add3A_630 = vector.broadcast %add3A_629 : f32 to vector<16xf32>
        %add3A_631 = arith.addf %mul3A_628, %add3A_630 : vector<16xf32>
        %mul3A_632 = arith.mulf %add3A_631, %exp3A_617 : vector<16xf32>
        %add3A_633 = arith.constant 0.999945044 : f32
        %add3A_634 = vector.broadcast %add3A_633 : f32 to vector<16xf32>
        %add3A_635 = arith.addf %mul3A_632, %add3A_634 : vector<16xf32>
        %max3A_636 = arith.constant 0.000000e+00 : f32
        %max3A_637 = vector.broadcast %max3A_636 : f32 to vector<16xf32>
        %max3A_638 = arith.maximumf %get3A_288, %max3A_637 : vector<16xf32>
        %mul3A_639 = arith.mulf %exp3A_617, %add3A_635 : vector<16xf32>
        %add3A_640 = arith.addf %max3A_638, %mul3A_639 : vector<16xf32>
        %neg3A_641 = arith.constant 0.000000e+00 : f32
        %neg3A_642 = vector.broadcast %neg3A_641 : f32 to vector<16xf32>
        %neg3A_643 = arith.subf %neg3A_642, %get3A_292 : vector<16xf32>
        %min3A_644 = arith.minimumf %get3A_292, %neg3A_643 : vector<16xf32>
        %exp3A_645 = math.exp %min3A_644 : vector<16xf32>
        %broadcast_in_dim3A_646 = arith.constant 0.0415515676 : f32
        %broadcast_in_dim3A_647 = vector.broadcast %broadcast_in_dim3A_646 : f32 to vector<16xf32>
        %mul3A_648 = arith.mulf %broadcast_in_dim3A_647, %exp3A_645 : vector<16xf32>
        %add3A_649 = arith.constant -0.157840043 : f32
        %add3A_650 = vector.broadcast %add3A_649 : f32 to vector<16xf32>
        %add3A_651 = arith.addf %mul3A_648, %add3A_650 : vector<16xf32>
        %mul3A_652 = arith.mulf %add3A_651, %exp3A_645 : vector<16xf32>
        %add3A_653 = arith.constant 0.306562841 : f32
        %add3A_654 = vector.broadcast %add3A_653 : f32 to vector<16xf32>
        %add3A_655 = arith.addf %mul3A_652, %add3A_654 : vector<16xf32>
        %mul3A_656 = arith.mulf %add3A_655, %exp3A_645 : vector<16xf32>
        %add3A_657 = arith.constant -0.49703145 : f32
        %add3A_658 = vector.broadcast %add3A_657 : f32 to vector<16xf32>
        %add3A_659 = arith.addf %mul3A_656, %add3A_658 : vector<16xf32>
        %mul3A_660 = arith.mulf %add3A_659, %exp3A_645 : vector<16xf32>
        %add3A_661 = arith.constant 0.999945044 : f32
        %add3A_662 = vector.broadcast %add3A_661 : f32 to vector<16xf32>
        %add3A_663 = arith.addf %mul3A_660, %add3A_662 : vector<16xf32>
        %max3A_664 = arith.constant 0.000000e+00 : f32
        %max3A_665 = vector.broadcast %max3A_664 : f32 to vector<16xf32>
        %max3A_666 = arith.maximumf %get3A_292, %max3A_665 : vector<16xf32>
        %mul3A_667 = arith.mulf %exp3A_645, %add3A_663 : vector<16xf32>
        %add3A_668 = arith.addf %max3A_666, %mul3A_667 : vector<16xf32>
        %neg3A_669 = arith.constant 0.000000e+00 : f32
        %neg3A_670 = vector.broadcast %neg3A_669 : f32 to vector<16xf32>
        %neg3A_671 = arith.subf %neg3A_670, %get3A_296 : vector<16xf32>
        %min3A_672 = arith.minimumf %get3A_296, %neg3A_671 : vector<16xf32>
        %exp3A_673 = math.exp %min3A_672 : vector<16xf32>
        %broadcast_in_dim3A_674 = arith.constant 0.0415515676 : f32
        %broadcast_in_dim3A_675 = vector.broadcast %broadcast_in_dim3A_674 : f32 to vector<16xf32>
        %mul3A_676 = arith.mulf %broadcast_in_dim3A_675, %exp3A_673 : vector<16xf32>
        %add3A_677 = arith.constant -0.157840043 : f32
        %add3A_678 = vector.broadcast %add3A_677 : f32 to vector<16xf32>
        %add3A_679 = arith.addf %mul3A_676, %add3A_678 : vector<16xf32>
        %mul3A_680 = arith.mulf %add3A_679, %exp3A_673 : vector<16xf32>
        %add3A_681 = arith.constant 0.306562841 : f32
        %add3A_682 = vector.broadcast %add3A_681 : f32 to vector<16xf32>
        %add3A_683 = arith.addf %mul3A_680, %add3A_682 : vector<16xf32>
        %mul3A_684 = arith.mulf %add3A_683, %exp3A_673 : vector<16xf32>
        %add3A_685 = arith.constant -0.49703145 : f32
        %add3A_686 = vector.broadcast %add3A_685 : f32 to vector<16xf32>
        %add3A_687 = arith.addf %mul3A_684, %add3A_686 : vector<16xf32>
        %mul3A_688 = arith.mulf %add3A_687, %exp3A_673 : vector<16xf32>
        %add3A_689 = arith.constant 0.999945044 : f32
        %add3A_690 = vector.broadcast %add3A_689 : f32 to vector<16xf32>
        %add3A_691 = arith.addf %mul3A_688, %add3A_690 : vector<16xf32>
        %max3A_692 = arith.constant 0.000000e+00 : f32
        %max3A_693 = vector.broadcast %max3A_692 : f32 to vector<16xf32>
        %max3A_694 = arith.maximumf %get3A_296, %max3A_693 : vector<16xf32>
        %mul3A_695 = arith.mulf %exp3A_673, %add3A_691 : vector<16xf32>
        %add3A_696 = arith.addf %max3A_694, %mul3A_695 : vector<16xf32>
        %neg3A_697 = arith.constant 0.000000e+00 : f32
        %neg3A_698 = vector.broadcast %neg3A_697 : f32 to vector<16xf32>
        %neg3A_699 = arith.subf %neg3A_698, %get3A_300 : vector<16xf32>
        %min3A_700 = arith.minimumf %get3A_300, %neg3A_699 : vector<16xf32>
        %exp3A_701 = math.exp %min3A_700 : vector<16xf32>
        %broadcast_in_dim3A_702 = arith.constant 0.0415515676 : f32
        %broadcast_in_dim3A_703 = vector.broadcast %broadcast_in_dim3A_702 : f32 to vector<16xf32>
        %mul3A_704 = arith.mulf %broadcast_in_dim3A_703, %exp3A_701 : vector<16xf32>
        %add3A_705 = arith.constant -0.157840043 : f32
        %add3A_706 = vector.broadcast %add3A_705 : f32 to vector<16xf32>
        %add3A_707 = arith.addf %mul3A_704, %add3A_706 : vector<16xf32>
        %mul3A_708 = arith.mulf %add3A_707, %exp3A_701 : vector<16xf32>
        %add3A_709 = arith.constant 0.306562841 : f32
        %add3A_710 = vector.broadcast %add3A_709 : f32 to vector<16xf32>
        %add3A_711 = arith.addf %mul3A_708, %add3A_710 : vector<16xf32>
        %mul3A_712 = arith.mulf %add3A_711, %exp3A_701 : vector<16xf32>
        %add3A_713 = arith.constant -0.49703145 : f32
        %add3A_714 = vector.broadcast %add3A_713 : f32 to vector<16xf32>
        %add3A_715 = arith.addf %mul3A_712, %add3A_714 : vector<16xf32>
        %mul3A_716 = arith.mulf %add3A_715, %exp3A_701 : vector<16xf32>
        %add3A_717 = arith.constant 0.999945044 : f32
        %add3A_718 = vector.broadcast %add3A_717 : f32 to vector<16xf32>
        %add3A_719 = arith.addf %mul3A_716, %add3A_718 : vector<16xf32>
        %max3A_720 = arith.constant 0.000000e+00 : f32
        %max3A_721 = vector.broadcast %max3A_720 : f32 to vector<16xf32>
        %max3A_722 = arith.maximumf %get3A_300, %max3A_721 : vector<16xf32>
        %mul3A_723 = arith.mulf %exp3A_701, %add3A_719 : vector<16xf32>
        %add3A_724 = arith.addf %max3A_722, %mul3A_723 : vector<16xf32>
        %neg3A_725 = arith.constant 0.000000e+00 : f32
        %neg3A_726 = vector.broadcast %neg3A_725 : f32 to vector<16xf32>
        %neg3A_727 = arith.subf %neg3A_726, %get3A_304 : vector<16xf32>
        %min3A_728 = arith.minimumf %get3A_304, %neg3A_727 : vector<16xf32>
        %exp3A_729 = math.exp %min3A_728 : vector<16xf32>
        %broadcast_in_dim3A_730 = arith.constant 0.0415515676 : f32
        %broadcast_in_dim3A_731 = vector.broadcast %broadcast_in_dim3A_730 : f32 to vector<16xf32>
        %mul3A_732 = arith.mulf %broadcast_in_dim3A_731, %exp3A_729 : vector<16xf32>
        %add3A_733 = arith.constant -0.157840043 : f32
        %add3A_734 = vector.broadcast %add3A_733 : f32 to vector<16xf32>
        %add3A_735 = arith.addf %mul3A_732, %add3A_734 : vector<16xf32>
        %mul3A_736 = arith.mulf %add3A_735, %exp3A_729 : vector<16xf32>
        %add3A_737 = arith.constant 0.306562841 : f32
        %add3A_738 = vector.broadcast %add3A_737 : f32 to vector<16xf32>
        %add3A_739 = arith.addf %mul3A_736, %add3A_738 : vector<16xf32>
        %mul3A_740 = arith.mulf %add3A_739, %exp3A_729 : vector<16xf32>
        %add3A_741 = arith.constant -0.49703145 : f32
        %add3A_742 = vector.broadcast %add3A_741 : f32 to vector<16xf32>
        %add3A_743 = arith.addf %mul3A_740, %add3A_742 : vector<16xf32>
        %mul3A_744 = arith.mulf %add3A_743, %exp3A_729 : vector<16xf32>
        %add3A_745 = arith.constant 0.999945044 : f32
        %add3A_746 = vector.broadcast %add3A_745 : f32 to vector<16xf32>
        %add3A_747 = arith.addf %mul3A_744, %add3A_746 : vector<16xf32>
        %max3A_748 = arith.constant 0.000000e+00 : f32
        %max3A_749 = vector.broadcast %max3A_748 : f32 to vector<16xf32>
        %max3A_750 = arith.maximumf %get3A_304, %max3A_749 : vector<16xf32>
        %mul3A_751 = arith.mulf %exp3A_729, %add3A_747 : vector<16xf32>
        %add3A_752 = arith.addf %max3A_750, %mul3A_751 : vector<16xf32>
        %pack3A_753 = tpu.pack_subelements %add3A_332, %add3A_556 {pack_format = #tpu.pack_format<interleaved>, positions = array<i32: 0, 1>} : vector<16xf32>, vector<16xf32> -> vector<32xbf16>
        %bitcast3A_754 = vector.bitcast %pack3A_753 : vector<32xbf16> to vector<16xf32>
        %pack3A_755 = tpu.pack_subelements %add3A_360, %add3A_584 {pack_format = #tpu.pack_format<interleaved>, positions = array<i32: 0, 1>} : vector<16xf32>, vector<16xf32> -> vector<32xbf16>
        %bitcast3A_756 = vector.bitcast %pack3A_755 : vector<32xbf16> to vector<16xf32>
        %pack3A_757 = tpu.pack_subelements %add3A_388, %add3A_612 {pack_format = #tpu.pack_format<interleaved>, positions = array<i32: 0, 1>} : vector<16xf32>, vector<16xf32> -> vector<32xbf16>
        %bitcast3A_758 = vector.bitcast %pack3A_757 : vector<32xbf16> to vector<16xf32>
        %pack3A_759 = tpu.pack_subelements %add3A_416, %add3A_640 {pack_format = #tpu.pack_format<interleaved>, positions = array<i32: 0, 1>} : vector<16xf32>, vector<16xf32> -> vector<32xbf16>
        %bitcast3A_760 = vector.bitcast %pack3A_759 : vector<32xbf16> to vector<16xf32>
        %pack3A_761 = tpu.pack_subelements %add3A_444, %add3A_668 {pack_format = #tpu.pack_format<interleaved>, positions = array<i32: 0, 1>} : vector<16xf32>, vector<16xf32> -> vector<32xbf16>
        %bitcast3A_762 = vector.bitcast %pack3A_761 : vector<32xbf16> to vector<16xf32>
        %pack3A_763 = tpu.pack_subelements %add3A_472, %add3A_696 {pack_format = #tpu.pack_format<interleaved>, positions = array<i32: 0, 1>} : vector<16xf32>, vector<16xf32> -> vector<32xbf16>
        %bitcast3A_764 = vector.bitcast %pack3A_763 : vector<32xbf16> to vector<16xf32>
        %pack3A_765 = tpu.pack_subelements %add3A_500, %add3A_724 {pack_format = #tpu.pack_format<interleaved>, positions = array<i32: 0, 1>} : vector<16xf32>, vector<16xf32> -> vector<32xbf16>
        %bitcast3A_766 = vector.bitcast %pack3A_765 : vector<32xbf16> to vector<16xf32>
        %pack3A_767 = tpu.pack_subelements %add3A_528, %add3A_752 {pack_format = #tpu.pack_format<interleaved>, positions = array<i32: 0, 1>} : vector<16xf32>, vector<16xf32> -> vector<32xbf16>
        %bitcast3A_768 = vector.bitcast %pack3A_767 : vector<32xbf16> to vector<16xf32>
        %add3A_769 = arith.addi %mul3A_213, %add3A_234 : i32
        %swap3A_770 = arith.index_cast %add3A_769 : i32 to index
        %swap3A_771 = tpu.vector_load %arg6[%swap3A_770] {strides = array<i32>} : memref<100000xf32, #tpu.memory_space<vmem>>, vector<16xf32>,
        tpu.vector_store %arg6[%swap3A_770], %bitcast3A_754 {strides = array<i32>} : memref<100000xf32, #tpu.memory_space<vmem>>, vector<16xf32>,
        %add3A_772 = arith.addi %mul3A_213, %add3A_236 : i32
        %swap3A_773 = arith.index_cast %add3A_772 : i32 to index
        %swap3A_774 = tpu.vector_load %arg6[%swap3A_773] {strides = array<i32>} : memref<100000xf32, #tpu.memory_space<vmem>>, vector<16xf32>,
        tpu.vector_store %arg6[%swap3A_773], %bitcast3A_756 {strides = array<i32>} : memref<100000xf32, #tpu.memory_space<vmem>>, vector<16xf32>,
        %add3A_775 = arith.addi %mul3A_213, %add3A_238 : i32
        %swap3A_776 = arith.index_cast %add3A_775 : i32 to index
        %swap3A_777 = tpu.vector_load %arg6[%swap3A_776] {strides = array<i32>} : memref<100000xf32, #tpu.memory_space<vmem>>, vector<16xf32>,
        tpu.vector_store %arg6[%swap3A_776], %bitcast3A_758 {strides = array<i32>} : memref<100000xf32, #tpu.memory_space<vmem>>, vector<16xf32>,
        %add3A_778 = arith.addi %mul3A_213, %add3A_240 : i32
        %swap3A_779 = arith.index_cast %add3A_778 : i32 to index
        %swap3A_780 = tpu.vector_load %arg6[%swap3A_779] {strides = array<i32>} : memref<100000xf32, #tpu.memory_space<vmem>>, vector<16xf32>,
        tpu.vector_store %arg6[%swap3A_779], %bitcast3A_760 {strides = array<i32>} : memref<100000xf32, #tpu.memory_space<vmem>>, vector<16xf32>,
        %add3A_781 = arith.addi %mul3A_213, %add3A_242 : i32
        %swap3A_782 = arith.index_cast %add3A_781 : i32 to index
        %swap3A_783 = tpu.vector_load %arg6[%swap3A_782] {strides = array<i32>} : memref<100000xf32, #tpu.memory_space<vmem>>, vector<16xf32>,
        tpu.vector_store %arg6[%swap3A_782], %bitcast3A_762 {strides = array<i32>} : memref<100000xf32, #tpu.memory_space<vmem>>, vector<16xf32>,
        %add3A_784 = arith.addi %mul3A_213, %add3A_244 : i32
        %swap3A_785 = arith.index_cast %add3A_784 : i32 to index
        %swap3A_786 = tpu.vector_load %arg6[%swap3A_785] {strides = array<i32>} : memref<100000xf32, #tpu.memory_space<vmem>>, vector<16xf32>,
        tpu.vector_store %arg6[%swap3A_785], %bitcast3A_764 {strides = array<i32>} : memref<100000xf32, #tpu.memory_space<vmem>>, vector<16xf32>,
        %add3A_787 = arith.addi %mul3A_213, %add3A_246 : i32
        %swap3A_788 = arith.index_cast %add3A_787 : i32 to index
        %swap3A_789 = tpu.vector_load %arg6[%swap3A_788] {strides = array<i32>} : memref<100000xf32, #tpu.memory_space<vmem>>, vector<16xf32>,
        tpu.vector_store %arg6[%swap3A_788], %bitcast3A_766 {strides = array<i32>} : memref<100000xf32, #tpu.memory_space<vmem>>, vector<16xf32>,
        %add3A_790 = arith.addi %mul3A_213, %add3A_248 : i32
        %swap3A_791 = arith.index_cast %add3A_790 : i32 to index
        %swap3A_792 = tpu.vector_load %arg6[%swap3A_791] {strides = array<i32>} : memref<100000xf32, #tpu.memory_space<vmem>>, vector<16xf32>,
        tpu.vector_store %arg6[%swap3A_791], %bitcast3A_768 {strides = array<i32>} : memref<100000xf32, #tpu.memory_space<vmem>>, vector<16xf32>,
      }
      %scan3A_218 = arith.constant 16 : i32
      %add3A_219 = arith.constant 2 : i32
      %add3A_220 = arith.addi %add3A_205, %add3A_219 : i32
      %lt3A_221 = arith.constant 48 : i32
      %lt3A_222 = arith.cmpi slt, %add3A_220, %lt3A_221 : i32
      %convert_element_type3A_223 = arith.extui %lt3A_222 : i1 to i32
      %cond3A_224 = arith.constant 0 : i32
      %cond3A_225 = arith.cmpi ne, %convert_element_type3A_223, %cond3A_224 : i32
      scf.if %cond3A_225 {
        %add3A_226 = arith.constant 1 : i32
        %add3A_227 = arith.addi %mul3A_2, %add3A_226 : i32
        %add3A_228 = arith.constant 2 : i32
        %add3A_229 = arith.addi %add3A_205, %add3A_228 : i32
        %mul3A_230 = arith.constant 2048 : i32
        %mul3A_231 = arith.muli %add3A_229, %mul3A_230 : i32
        %dma_start3A_232 = tpu.memref_slice %arg2[%add3A_227, %mul3A_231] : memref<64x100000xf32, #tpu.memory_space<hbm>> -> memref<1x2048xf32, #tpu.memory_space<hbm>>
        %dma_start3A_233 = tpu.memref_slice %arg2[%add3A_227, %mul3A_231] : memref<64x100000xf32, #tpu.memory_space<hbm>> -> memref<1x2048xf32, #tpu.memory_space<hbm>>
        tpu.enqueue_dma source(%dma_start3A_233 : memref<1x2048xf32, #tpu.memory_space<hbm>>) target(%arg12 : memref<1x2048xf32, #tpu.memory_space<vmem>>) target_semaphore(%arg20 : memref<!tpu.dma_semaphore, #tpu.memory_space<semaphore_mem>>)
      } else {
      }
    }
    %scan3A_31 = arith.constant 24 : i32
    %add3A_32 = arith.constant 1 : i32
    %add3A_33 = arith.addi %mul3A_2, %add3A_32 : i32
    "tpu.region"() ({
      %run_scoped3A = tpu.sem_alloc : memref<!tpu.dma_semaphore, #tpu.memory_space<semaphore_mem>>
      %dma_start3A_176 = arith.constant 98304 : i32
      %dma_start3A_177 = tpu.memref_slice %arg2[%add3A_33, %dma_start3A_176] : memref<64x100000xf32, #tpu.memory_space<hbm>> -> memref<1x1664xf32, #tpu.memory_space<hbm>>
      %dma_start3A_178 = arith.constant 98304 : i32
      %dma_start3A_179 = tpu.memref_slice %arg2[%add3A_33, %dma_start3A_178] : memref<64x100000xf32, #tpu.memory_space<hbm>> -> memref<1x1664xf32, #tpu.memory_space<hbm>>
      tpu.enqueue_dma source(%dma_start3A_179 : memref<1x1664xf32, #tpu.memory_space<hbm>>) target(%arg13 : memref<1x1664xf32, #tpu.memory_space<vmem>>) target_semaphore(%run_scoped3A : memref<!tpu.dma_semaphore, #tpu.memory_space<semaphore_mem>>)
      %dma_wait3A_180 = arith.constant 98304 : i32
      %dma_wait3A_181 = tpu.memref_slice %arg2[%add3A_33, %dma_wait3A_180] : memref<64x100000xf32, #tpu.memory_space<hbm>> -> memref<1x1664xf32, #tpu.memory_space<hbm>>
      %dma_wait3A_182 = arith.constant 98304 : i32
      %dma_wait3A_183 = tpu.memref_slice %arg2[%add3A_33, %dma_wait3A_182] : memref<64x100000xf32, #tpu.memory_space<hbm>> -> memref<1x1664xf32, #tpu.memory_space<hbm>>
      tpu.wait_dma2 semaphore(%run_scoped3A : memref<!tpu.dma_semaphore, #tpu.memory_space<semaphore_mem>>) src(%dma_wait3A_183 : memref<1x1664xf32, #tpu.memory_space<hbm>>) dst(%arg13 : memref<1x1664xf32, #tpu.memory_space<vmem>>)
      tpu.yield
    }) : () -> ()
    %scan3A_34 = arith.constant 0 : i32
    %scan3A_35 = arith.constant 13 : i32
    %scan3A_36 = arith.addi %scan3A_34, %scan3A_35 : i32
    %scan3A_37 = arith.constant 1 : i32
    scf.for %scan3A_176 = %scan3A_34 to %scan3A_36 step %scan3A_37  : i32 {
      %mul3A_177 = arith.constant 1 : i32
      %mul3A_178 = arith.muli %scan3A_176, %mul3A_177 : i32
      %add3A_179 = arith.constant 0 : i32
      %add3A_180 = arith.addi %add3A_179, %mul3A_178 : i32
      %mul3A_181 = arith.constant 128 : i32
      %mul3A_182 = arith.muli %add3A_180, %mul3A_181 : i32
      %add3A_183 = arith.constant 0 : i32
      %add3A_184 = arith.addi %mul3A_182, %add3A_183 : i32
      %add3A_185 = arith.constant 16 : i32
      %add3A_186 = arith.addi %mul3A_182, %add3A_185 : i32
      %add3A_187 = arith.constant 32 : i32
      %add3A_188 = arith.addi %mul3A_182, %add3A_187 : i32
      %add3A_189 = arith.constant 48 : i32
      %add3A_190 = arith.addi %mul3A_182, %add3A_189 : i32
      %add3A_191 = arith.constant 64 : i32
      %add3A_192 = arith.addi %mul3A_182, %add3A_191 : i32
      %add3A_193 = arith.constant 80 : i32
      %add3A_194 = arith.addi %mul3A_182, %add3A_193 : i32
      %add3A_195 = arith.constant 96 : i32
      %add3A_196 = arith.addi %mul3A_182, %add3A_195 : i32
      %add3A_197 = arith.constant 112 : i32
      %add3A_198 = arith.addi %mul3A_182, %add3A_197 : i32
      %add3A_199 = arith.constant 98304 : i32
      %add3A_200 = arith.addi %add3A_199, %add3A_184 : i32
      %get3A_201 = arith.index_cast %add3A_200 : i32 to index
      %get3A_202 = tpu.vector_load %arg6[%get3A_201] {strides = array<i32>} : memref<100000xf32, #tpu.memory_space<vmem>>, vector<16xf32>,
      %add3A_203 = arith.constant 98304 : i32
      %add3A_204 = arith.addi %add3A_203, %add3A_186 : i32
      %get3A_205 = arith.index_cast %add3A_204 : i32 to index
      %get3A_206 = tpu.vector_load %arg6[%get3A_205] {strides = array<i32>} : memref<100000xf32, #tpu.memory_space<vmem>>, vector<16xf32>,
      %add3A_207 = arith.constant 98304 : i32
      %add3A_208 = arith.addi %add3A_207, %add3A_188 : i32
      %get3A_209 = arith.index_cast %add3A_208 : i32 to index
      %get3A_210 = tpu.vector_load %arg6[%get3A_209] {strides = array<i32>} : memref<100000xf32, #tpu.memory_space<vmem>>, vector<16xf32>,
      %add3A_211 = arith.constant 98304 : i32
      %add3A_212 = arith.addi %add3A_211, %add3A_190 : i32
      %get3A_213 = arith.index_cast %add3A_212 : i32 to index
      %get3A_214 = tpu.vector_load %arg6[%get3A_213] {strides = array<i32>} : memref<100000xf32, #tpu.memory_space<vmem>>, vector<16xf32>,
      %add3A_215 = arith.constant 98304 : i32
      %add3A_216 = arith.addi %add3A_215, %add3A_192 : i32
      %get3A_217 = arith.index_cast %add3A_216 : i32 to index
      %get3A_218 = tpu.vector_load %arg6[%get3A_217] {strides = array<i32>} : memref<100000xf32, #tpu.memory_space<vmem>>, vector<16xf32>,
      %add3A_219 = arith.constant 98304 : i32
      %add3A_220 = arith.addi %add3A_219, %add3A_194 : i32
      %get3A_221 = arith.index_cast %add3A_220 : i32 to index
      %get3A_222 = tpu.vector_load %arg6[%get3A_221] {strides = array<i32>} : memref<100000xf32, #tpu.memory_space<vmem>>, vector<16xf32>,
      %add3A_223 = arith.constant 98304 : i32
      %add3A_224 = arith.addi %add3A_223, %add3A_196 : i32
      %get3A_225 = arith.index_cast %add3A_224 : i32 to index
      %get3A_226 = tpu.vector_load %arg6[%get3A_225] {strides = array<i32>} : memref<100000xf32, #tpu.memory_space<vmem>>, vector<16xf32>,
      %add3A_227 = arith.constant 98304 : i32
      %add3A_228 = arith.addi %add3A_227, %add3A_198 : i32
      %get3A_229 = arith.index_cast %add3A_228 : i32 to index
      %get3A_230 = tpu.vector_load %arg6[%get3A_229] {strides = array<i32>} : memref<100000xf32, #tpu.memory_space<vmem>>, vector<16xf32>,
      %get3A_231 = arith.constant 0 : i32
      %get3A_232 = arith.index_cast %get3A_231 : i32 to index
      %get3A_233 = arith.index_cast %add3A_184 : i32 to index
      %get3A_234 = tpu.vector_load %arg13[%get3A_232, %get3A_233] {strides = array<i32>} : memref<1x1664xf32, #tpu.memory_space<vmem>>, vector<16xf32>,
      %get3A_235 = arith.constant 0 : i32
      %get3A_236 = arith.index_cast %get3A_235 : i32 to index
      %get3A_237 = arith.index_cast %add3A_186 : i32 to index
      %get3A_238 = tpu.vector_load %arg13[%get3A_236, %get3A_237] {strides = array<i32>} : memref<1x1664xf32, #tpu.memory_space<vmem>>, vector<16xf32>,
      %get3A_239 = arith.constant 0 : i32
      %get3A_240 = arith.index_cast %get3A_239 : i32 to index
      %get3A_241 = arith.index_cast %add3A_188 : i32 to index
      %get3A_242 = tpu.vector_load %arg13[%get3A_240, %get3A_241] {strides = array<i32>} : memref<1x1664xf32, #tpu.memory_space<vmem>>, vector<16xf32>,
      %get3A_243 = arith.constant 0 : i32
      %get3A_244 = arith.index_cast %get3A_243 : i32 to index
      %get3A_245 = arith.index_cast %add3A_190 : i32 to index
      %get3A_246 = tpu.vector_load %arg13[%get3A_244, %get3A_245] {strides = array<i32>} : memref<1x1664xf32, #tpu.memory_space<vmem>>, vector<16xf32>,
      %get3A_247 = arith.constant 0 : i32
      %get3A_248 = arith.index_cast %get3A_247 : i32 to index
      %get3A_249 = arith.index_cast %add3A_192 : i32 to index
      %get3A_250 = tpu.vector_load %arg13[%get3A_248, %get3A_249] {strides = array<i32>} : memref<1x1664xf32, #tpu.memory_space<vmem>>, vector<16xf32>,
      %get3A_251 = arith.constant 0 : i32
      %get3A_252 = arith.index_cast %get3A_251 : i32 to index
      %get3A_253 = arith.index_cast %add3A_194 : i32 to index
      %get3A_254 = tpu.vector_load %arg13[%get3A_252, %get3A_253] {strides = array<i32>} : memref<1x1664xf32, #tpu.memory_space<vmem>>, vector<16xf32>,
      %get3A_255 = arith.constant 0 : i32
      %get3A_256 = arith.index_cast %get3A_255 : i32 to index
      %get3A_257 = arith.index_cast %add3A_196 : i32 to index
      %get3A_258 = tpu.vector_load %arg13[%get3A_256, %get3A_257] {strides = array<i32>} : memref<1x1664xf32, #tpu.memory_space<vmem>>, vector<16xf32>,
      %get3A_259 = arith.constant 0 : i32
      %get3A_260 = arith.index_cast %get3A_259 : i32 to index
      %get3A_261 = arith.index_cast %add3A_198 : i32 to index
      %get3A_262 = tpu.vector_load %arg13[%get3A_260, %get3A_261] {strides = array<i32>} : memref<1x1664xf32, #tpu.memory_space<vmem>>, vector<16xf32>,
      %neg3A_263 = arith.constant 0.000000e+00 : f32
      %neg3A_264 = vector.broadcast %neg3A_263 : f32 to vector<16xf32>
      %neg3A_265 = arith.subf %neg3A_264, %get3A_202 : vector<16xf32>
      %min3A_266 = arith.minimumf %get3A_202, %neg3A_265 : vector<16xf32>
      %exp3A_267 = math.exp %min3A_266 : vector<16xf32>
      %broadcast_in_dim3A_268 = arith.constant 0.0415515676 : f32
      %broadcast_in_dim3A_269 = vector.broadcast %broadcast_in_dim3A_268 : f32 to vector<16xf32>
      %mul3A_270 = arith.mulf %broadcast_in_dim3A_269, %exp3A_267 : vector<16xf32>
      %add3A_271 = arith.constant -0.157840043 : f32
      %add3A_272 = vector.broadcast %add3A_271 : f32 to vector<16xf32>
      %add3A_273 = arith.addf %mul3A_270, %add3A_272 : vector<16xf32>
      %mul3A_274 = arith.mulf %add3A_273, %exp3A_267 : vector<16xf32>
      %add3A_275 = arith.constant 0.306562841 : f32
      %add3A_276 = vector.broadcast %add3A_275 : f32 to vector<16xf32>
      %add3A_277 = arith.addf %mul3A_274, %add3A_276 : vector<16xf32>
      %mul3A_278 = arith.mulf %add3A_277, %exp3A_267 : vector<16xf32>
      %add3A_279 = arith.constant -0.49703145 : f32
      %add3A_280 = vector.broadcast %add3A_279 : f32 to vector<16xf32>
      %add3A_281 = arith.addf %mul3A_278, %add3A_280 : vector<16xf32>
      %mul3A_282 = arith.mulf %add3A_281, %exp3A_267 : vector<16xf32>
      %add3A_283 = arith.constant 0.999945044 : f32
      %add3A_284 = vector.broadcast %add3A_283 : f32 to vector<16xf32>
      %add3A_285 = arith.addf %mul3A_282, %add3A_284 : vector<16xf32>
      %max3A_286 = arith.constant 0.000000e+00 : f32
      %max3A_287 = vector.broadcast %max3A_286 : f32 to vector<16xf32>
      %max3A_288 = arith.maximumf %get3A_202, %max3A_287 : vector<16xf32>
      %mul3A_289 = arith.mulf %exp3A_267, %add3A_285 : vector<16xf32>
      %add3A_290 = arith.addf %max3A_288, %mul3A_289 : vector<16xf32>
      %neg3A_291 = arith.constant 0.000000e+00 : f32
      %neg3A_292 = vector.broadcast %neg3A_291 : f32 to vector<16xf32>
      %neg3A_293 = arith.subf %neg3A_292, %get3A_206 : vector<16xf32>
      %min3A_294 = arith.minimumf %get3A_206, %neg3A_293 : vector<16xf32>
      %exp3A_295 = math.exp %min3A_294 : vector<16xf32>
      %broadcast_in_dim3A_296 = arith.constant 0.0415515676 : f32
      %broadcast_in_dim3A_297 = vector.broadcast %broadcast_in_dim3A_296 : f32 to vector<16xf32>
      %mul3A_298 = arith.mulf %broadcast_in_dim3A_297, %exp3A_295 : vector<16xf32>
      %add3A_299 = arith.constant -0.157840043 : f32
      %add3A_300 = vector.broadcast %add3A_299 : f32 to vector<16xf32>
      %add3A_301 = arith.addf %mul3A_298, %add3A_300 : vector<16xf32>
      %mul3A_302 = arith.mulf %add3A_301, %exp3A_295 : vector<16xf32>
      %add3A_303 = arith.constant 0.306562841 : f32
      %add3A_304 = vector.broadcast %add3A_303 : f32 to vector<16xf32>
      %add3A_305 = arith.addf %mul3A_302, %add3A_304 : vector<16xf32>
      %mul3A_306 = arith.mulf %add3A_305, %exp3A_295 : vector<16xf32>
      %add3A_307 = arith.constant -0.49703145 : f32
      %add3A_308 = vector.broadcast %add3A_307 : f32 to vector<16xf32>
      %add3A_309 = arith.addf %mul3A_306, %add3A_308 : vector<16xf32>
      %mul3A_310 = arith.mulf %add3A_309, %exp3A_295 : vector<16xf32>
      %add3A_311 = arith.constant 0.999945044 : f32
      %add3A_312 = vector.broadcast %add3A_311 : f32 to vector<16xf32>
      %add3A_313 = arith.addf %mul3A_310, %add3A_312 : vector<16xf32>
      %max3A_314 = arith.constant 0.000000e+00 : f32
      %max3A_315 = vector.broadcast %max3A_314 : f32 to vector<16xf32>
      %max3A_316 = arith.maximumf %get3A_206, %max3A_315 : vector<16xf32>
      %mul3A_317 = arith.mulf %exp3A_295, %add3A_313 : vector<16xf32>
      %add3A_318 = arith.addf %max3A_316, %mul3A_317 : vector<16xf32>
      %neg3A_319 = arith.constant 0.000000e+00 : f32
      %neg3A_320 = vector.broadcast %neg3A_319 : f32 to vector<16xf32>
      %neg3A_321 = arith.subf %neg3A_320, %get3A_210 : vector<16xf32>
      %min3A_322 = arith.minimumf %get3A_210, %neg3A_321 : vector<16xf32>
      %exp3A_323 = math.exp %min3A_322 : vector<16xf32>
      %broadcast_in_dim3A_324 = arith.constant 0.0415515676 : f32
      %broadcast_in_dim3A_325 = vector.broadcast %broadcast_in_dim3A_324 : f32 to vector<16xf32>
      %mul3A_326 = arith.mulf %broadcast_in_dim3A_325, %exp3A_323 : vector<16xf32>
      %add3A_327 = arith.constant -0.157840043 : f32
      %add3A_328 = vector.broadcast %add3A_327 : f32 to vector<16xf32>
      %add3A_329 = arith.addf %mul3A_326, %add3A_328 : vector<16xf32>
      %mul3A_330 = arith.mulf %add3A_329, %exp3A_323 : vector<16xf32>
      %add3A_331 = arith.constant 0.306562841 : f32
      %add3A_332 = vector.broadcast %add3A_331 : f32 to vector<16xf32>
      %add3A_333 = arith.addf %mul3A_330, %add3A_332 : vector<16xf32>
      %mul3A_334 = arith.mulf %add3A_333, %exp3A_323 : vector<16xf32>
      %add3A_335 = arith.constant -0.49703145 : f32
      %add3A_336 = vector.broadcast %add3A_335 : f32 to vector<16xf32>
      %add3A_337 = arith.addf %mul3A_334, %add3A_336 : vector<16xf32>
      %mul3A_338 = arith.mulf %add3A_337, %exp3A_323 : vector<16xf32>
      %add3A_339 = arith.constant 0.999945044 : f32
      %add3A_340 = vector.broadcast %add3A_339 : f32 to vector<16xf32>
      %add3A_341 = arith.addf %mul3A_338, %add3A_340 : vector<16xf32>
      %max3A_342 = arith.constant 0.000000e+00 : f32
      %max3A_343 = vector.broadcast %max3A_342 : f32 to vector<16xf32>
      %max3A_344 = arith.maximumf %get3A_210, %max3A_343 : vector<16xf32>
      %mul3A_345 = arith.mulf %exp3A_323, %add3A_341 : vector<16xf32>
      %add3A_346 = arith.addf %max3A_344, %mul3A_345 : vector<16xf32>
      %neg3A_347 = arith.constant 0.000000e+00 : f32
      %neg3A_348 = vector.broadcast %neg3A_347 : f32 to vector<16xf32>
      %neg3A_349 = arith.subf %neg3A_348, %get3A_214 : vector<16xf32>
      %min3A_350 = arith.minimumf %get3A_214, %neg3A_349 : vector<16xf32>
      %exp3A_351 = math.exp %min3A_350 : vector<16xf32>
      %broadcast_in_dim3A_352 = arith.constant 0.0415515676 : f32
      %broadcast_in_dim3A_353 = vector.broadcast %broadcast_in_dim3A_352 : f32 to vector<16xf32>
      %mul3A_354 = arith.mulf %broadcast_in_dim3A_353, %exp3A_351 : vector<16xf32>
      %add3A_355 = arith.constant -0.157840043 : f32
      %add3A_356 = vector.broadcast %add3A_355 : f32 to vector<16xf32>
      %add3A_357 = arith.addf %mul3A_354, %add3A_356 : vector<16xf32>
      %mul3A_358 = arith.mulf %add3A_357, %exp3A_351 : vector<16xf32>
      %add3A_359 = arith.constant 0.306562841 : f32
      %add3A_360 = vector.broadcast %add3A_359 : f32 to vector<16xf32>
      %add3A_361 = arith.addf %mul3A_358, %add3A_360 : vector<16xf32>
      %mul3A_362 = arith.mulf %add3A_361, %exp3A_351 : vector<16xf32>
      %add3A_363 = arith.constant -0.49703145 : f32
      %add3A_364 = vector.broadcast %add3A_363 : f32 to vector<16xf32>
      %add3A_365 = arith.addf %mul3A_362, %add3A_364 : vector<16xf32>
      %mul3A_366 = arith.mulf %add3A_365, %exp3A_351 : vector<16xf32>
      %add3A_367 = arith.constant 0.999945044 : f32
      %add3A_368 = vector.broadcast %add3A_367 : f32 to vector<16xf32>
      %add3A_369 = arith.addf %mul3A_366, %add3A_368 : vector<16xf32>
      %max3A_370 = arith.constant 0.000000e+00 : f32
      %max3A_371 = vector.broadcast %max3A_370 : f32 to vector<16xf32>
      %max3A_372 = arith.maximumf %get3A_214, %max3A_371 : vector<16xf32>
      %mul3A_373 = arith.mulf %exp3A_351, %add3A_369 : vector<16xf32>
      %add3A_374 = arith.addf %max3A_372, %mul3A_373 : vector<16xf32>
      %neg3A_375 = arith.constant 0.000000e+00 : f32
      %neg3A_376 = vector.broadcast %neg3A_375 : f32 to vector<16xf32>
      %neg3A_377 = arith.subf %neg3A_376, %get3A_218 : vector<16xf32>
      %min3A_378 = arith.minimumf %get3A_218, %neg3A_377 : vector<16xf32>
      %exp3A_379 = math.exp %min3A_378 : vector<16xf32>
      %broadcast_in_dim3A_380 = arith.constant 0.0415515676 : f32
      %broadcast_in_dim3A_381 = vector.broadcast %broadcast_in_dim3A_380 : f32 to vector<16xf32>
      %mul3A_382 = arith.mulf %broadcast_in_dim3A_381, %exp3A_379 : vector<16xf32>
      %add3A_383 = arith.constant -0.157840043 : f32
      %add3A_384 = vector.broadcast %add3A_383 : f32 to vector<16xf32>
      %add3A_385 = arith.addf %mul3A_382, %add3A_384 : vector<16xf32>
      %mul3A_386 = arith.mulf %add3A_385, %exp3A_379 : vector<16xf32>
      %add3A_387 = arith.constant 0.306562841 : f32
      %add3A_388 = vector.broadcast %add3A_387 : f32 to vector<16xf32>
      %add3A_389 = arith.addf %mul3A_386, %add3A_388 : vector<16xf32>
      %mul3A_390 = arith.mulf %add3A_389, %exp3A_379 : vector<16xf32>
      %add3A_391 = arith.constant -0.49703145 : f32
      %add3A_392 = vector.broadcast %add3A_391 : f32 to vector<16xf32>
      %add3A_393 = arith.addf %mul3A_390, %add3A_392 : vector<16xf32>
      %mul3A_394 = arith.mulf %add3A_393, %exp3A_379 : vector<16xf32>
      %add3A_395 = arith.constant 0.999945044 : f32
      %add3A_396 = vector.broadcast %add3A_395 : f32 to vector<16xf32>
      %add3A_397 = arith.addf %mul3A_394, %add3A_396 : vector<16xf32>
      %max3A_398 = arith.constant 0.000000e+00 : f32
      %max3A_399 = vector.broadcast %max3A_398 : f32 to vector<16xf32>
      %max3A_400 = arith.maximumf %get3A_218, %max3A_399 : vector<16xf32>
      %mul3A_401 = arith.mulf %exp3A_379, %add3A_397 : vector<16xf32>
      %add3A_402 = arith.addf %max3A_400, %mul3A_401 : vector<16xf32>
      %neg3A_403 = arith.constant 0.000000e+00 : f32
      %neg3A_404 = vector.broadcast %neg3A_403 : f32 to vector<16xf32>
      %neg3A_405 = arith.subf %neg3A_404, %get3A_222 : vector<16xf32>
      %min3A_406 = arith.minimumf %get3A_222, %neg3A_405 : vector<16xf32>
      %exp3A_407 = math.exp %min3A_406 : vector<16xf32>
      %broadcast_in_dim3A_408 = arith.constant 0.0415515676 : f32
      %broadcast_in_dim3A_409 = vector.broadcast %broadcast_in_dim3A_408 : f32 to vector<16xf32>
      %mul3A_410 = arith.mulf %broadcast_in_dim3A_409, %exp3A_407 : vector<16xf32>
      %add3A_411 = arith.constant -0.157840043 : f32
      %add3A_412 = vector.broadcast %add3A_411 : f32 to vector<16xf32>
      %add3A_413 = arith.addf %mul3A_410, %add3A_412 : vector<16xf32>
      %mul3A_414 = arith.mulf %add3A_413, %exp3A_407 : vector<16xf32>
      %add3A_415 = arith.constant 0.306562841 : f32
      %add3A_416 = vector.broadcast %add3A_415 : f32 to vector<16xf32>
      %add3A_417 = arith.addf %mul3A_414, %add3A_416 : vector<16xf32>
      %mul3A_418 = arith.mulf %add3A_417, %exp3A_407 : vector<16xf32>
      %add3A_419 = arith.constant -0.49703145 : f32
      %add3A_420 = vector.broadcast %add3A_419 : f32 to vector<16xf32>
      %add3A_421 = arith.addf %mul3A_418, %add3A_420 : vector<16xf32>
      %mul3A_422 = arith.mulf %add3A_421, %exp3A_407 : vector<16xf32>
      %add3A_423 = arith.constant 0.999945044 : f32
      %add3A_424 = vector.broadcast %add3A_423 : f32 to vector<16xf32>
      %add3A_425 = arith.addf %mul3A_422, %add3A_424 : vector<16xf32>
      %max3A_426 = arith.constant 0.000000e+00 : f32
      %max3A_427 = vector.broadcast %max3A_426 : f32 to vector<16xf32>
      %max3A_428 = arith.maximumf %get3A_222, %max3A_427 : vector<16xf32>
      %mul3A_429 = arith.mulf %exp3A_407, %add3A_425 : vector<16xf32>
      %add3A_430 = arith.addf %max3A_428, %mul3A_429 : vector<16xf32>
      %neg3A_431 = arith.constant 0.000000e+00 : f32
      %neg3A_432 = vector.broadcast %neg3A_431 : f32 to vector<16xf32>
      %neg3A_433 = arith.subf %neg3A_432, %get3A_226 : vector<16xf32>
      %min3A_434 = arith.minimumf %get3A_226, %neg3A_433 : vector<16xf32>
      %exp3A_435 = math.exp %min3A_434 : vector<16xf32>
      %broadcast_in_dim3A_436 = arith.constant 0.0415515676 : f32
      %broadcast_in_dim3A_437 = vector.broadcast %broadcast_in_dim3A_436 : f32 to vector<16xf32>
      %mul3A_438 = arith.mulf %broadcast_in_dim3A_437, %exp3A_435 : vector<16xf32>
      %add3A_439 = arith.constant -0.157840043 : f32
      %add3A_440 = vector.broadcast %add3A_439 : f32 to vector<16xf32>
      %add3A_441 = arith.addf %mul3A_438, %add3A_440 : vector<16xf32>
      %mul3A_442 = arith.mulf %add3A_441, %exp3A_435 : vector<16xf32>
      %add3A_443 = arith.constant 0.306562841 : f32
      %add3A_444 = vector.broadcast %add3A_443 : f32 to vector<16xf32>
      %add3A_445 = arith.addf %mul3A_442, %add3A_444 : vector<16xf32>
      %mul3A_446 = arith.mulf %add3A_445, %exp3A_435 : vector<16xf32>
      %add3A_447 = arith.constant -0.49703145 : f32
      %add3A_448 = vector.broadcast %add3A_447 : f32 to vector<16xf32>
      %add3A_449 = arith.addf %mul3A_446, %add3A_448 : vector<16xf32>
      %mul3A_450 = arith.mulf %add3A_449, %exp3A_435 : vector<16xf32>
      %add3A_451 = arith.constant 0.999945044 : f32
      %add3A_452 = vector.broadcast %add3A_451 : f32 to vector<16xf32>
      %add3A_453 = arith.addf %mul3A_450, %add3A_452 : vector<16xf32>
      %max3A_454 = arith.constant 0.000000e+00 : f32
      %max3A_455 = vector.broadcast %max3A_454 : f32 to vector<16xf32>
      %max3A_456 = arith.maximumf %get3A_226, %max3A_455 : vector<16xf32>
      %mul3A_457 = arith.mulf %exp3A_435, %add3A_453 : vector<16xf32>
      %add3A_458 = arith.addf %max3A_456, %mul3A_457 : vector<16xf32>
      %neg3A_459 = arith.constant 0.000000e+00 : f32
      %neg3A_460 = vector.broadcast %neg3A_459 : f32 to vector<16xf32>
      %neg3A_461 = arith.subf %neg3A_460, %get3A_230 : vector<16xf32>
      %min3A_462 = arith.minimumf %get3A_230, %neg3A_461 : vector<16xf32>
      %exp3A_463 = math.exp %min3A_462 : vector<16xf32>
      %broadcast_in_dim3A_464 = arith.constant 0.0415515676 : f32
      %broadcast_in_dim3A_465 = vector.broadcast %broadcast_in_dim3A_464 : f32 to vector<16xf32>
      %mul3A_466 = arith.mulf %broadcast_in_dim3A_465, %exp3A_463 : vector<16xf32>
      %add3A_467 = arith.constant -0.157840043 : f32
      %add3A_468 = vector.broadcast %add3A_467 : f32 to vector<16xf32>
      %add3A_469 = arith.addf %mul3A_466, %add3A_468 : vector<16xf32>
      %mul3A_470 = arith.mulf %add3A_469, %exp3A_463 : vector<16xf32>
      %add3A_471 = arith.constant 0.306562841 : f32
      %add3A_472 = vector.broadcast %add3A_471 : f32 to vector<16xf32>
      %add3A_473 = arith.addf %mul3A_470, %add3A_472 : vector<16xf32>
      %mul3A_474 = arith.mulf %add3A_473, %exp3A_463 : vector<16xf32>
      %add3A_475 = arith.constant -0.49703145 : f32
      %add3A_476 = vector.broadcast %add3A_475 : f32 to vector<16xf32>
      %add3A_477 = arith.addf %mul3A_474, %add3A_476 : vector<16xf32>
      %mul3A_478 = arith.mulf %add3A_477, %exp3A_463 : vector<16xf32>
      %add3A_479 = arith.constant 0.999945044 : f32
      %add3A_480 = vector.broadcast %add3A_479 : f32 to vector<16xf32>
      %add3A_481 = arith.addf %mul3A_478, %add3A_480 : vector<16xf32>
      %max3A_482 = arith.constant 0.000000e+00 : f32
      %max3A_483 = vector.broadcast %max3A_482 : f32 to vector<16xf32>
      %max3A_484 = arith.maximumf %get3A_230, %max3A_483 : vector<16xf32>
      %mul3A_485 = arith.mulf %exp3A_463, %add3A_481 : vector<16xf32>
      %add3A_486 = arith.addf %max3A_484, %mul3A_485 : vector<16xf32>
      %neg3A_487 = arith.constant 0.000000e+00 : f32
      %neg3A_488 = vector.broadcast %neg3A_487 : f32 to vector<16xf32>
      %neg3A_489 = arith.subf %neg3A_488, %get3A_234 : vector<16xf32>
      %min3A_490 = arith.minimumf %get3A_234, %neg3A_489 : vector<16xf32>
      %exp3A_491 = math.exp %min3A_490 : vector<16xf32>
      %broadcast_in_dim3A_492 = arith.constant 0.0415515676 : f32
      %broadcast_in_dim3A_493 = vector.broadcast %broadcast_in_dim3A_492 : f32 to vector<16xf32>
      %mul3A_494 = arith.mulf %broadcast_in_dim3A_493, %exp3A_491 : vector<16xf32>
      %add3A_495 = arith.constant -0.157840043 : f32
      %add3A_496 = vector.broadcast %add3A_495 : f32 to vector<16xf32>
      %add3A_497 = arith.addf %mul3A_494, %add3A_496 : vector<16xf32>
      %mul3A_498 = arith.mulf %add3A_497, %exp3A_491 : vector<16xf32>
      %add3A_499 = arith.constant 0.306562841 : f32
      %add3A_500 = vector.broadcast %add3A_499 : f32 to vector<16xf32>
      %add3A_501 = arith.addf %mul3A_498, %add3A_500 : vector<16xf32>
      %mul3A_502 = arith.mulf %add3A_501, %exp3A_491 : vector<16xf32>
      %add3A_503 = arith.constant -0.49703145 : f32
      %add3A_504 = vector.broadcast %add3A_503 : f32 to vector<16xf32>
      %add3A_505 = arith.addf %mul3A_502, %add3A_504 : vector<16xf32>
      %mul3A_506 = arith.mulf %add3A_505, %exp3A_491 : vector<16xf32>
      %add3A_507 = arith.constant 0.999945044 : f32
      %add3A_508 = vector.broadcast %add3A_507 : f32 to vector<16xf32>
      %add3A_509 = arith.addf %mul3A_506, %add3A_508 : vector<16xf32>
      %max3A_510 = arith.constant 0.000000e+00 : f32
      %max3A_511 = vector.broadcast %max3A_510 : f32 to vector<16xf32>
      %max3A_512 = arith.maximumf %get3A_234, %max3A_511 : vector<16xf32>
      %mul3A_513 = arith.mulf %exp3A_491, %add3A_509 : vector<16xf32>
      %add3A_514 = arith.addf %max3A_512, %mul3A_513 : vector<16xf32>
      %neg3A_515 = arith.constant 0.000000e+00 : f32
      %neg3A_516 = vector.broadcast %neg3A_515 : f32 to vector<16xf32>
      %neg3A_517 = arith.subf %neg3A_516, %get3A_238 : vector<16xf32>
      %min3A_518 = arith.minimumf %get3A_238, %neg3A_517 : vector<16xf32>
      %exp3A_519 = math.exp %min3A_518 : vector<16xf32>
      %broadcast_in_dim3A_520 = arith.constant 0.0415515676 : f32
      %broadcast_in_dim3A_521 = vector.broadcast %broadcast_in_dim3A_520 : f32 to vector<16xf32>
      %mul3A_522 = arith.mulf %broadcast_in_dim3A_521, %exp3A_519 : vector<16xf32>
      %add3A_523 = arith.constant -0.157840043 : f32
      %add3A_524 = vector.broadcast %add3A_523 : f32 to vector<16xf32>
      %add3A_525 = arith.addf %mul3A_522, %add3A_524 : vector<16xf32>
      %mul3A_526 = arith.mulf %add3A_525, %exp3A_519 : vector<16xf32>
      %add3A_527 = arith.constant 0.306562841 : f32
      %add3A_528 = vector.broadcast %add3A_527 : f32 to vector<16xf32>
      %add3A_529 = arith.addf %mul3A_526, %add3A_528 : vector<16xf32>
      %mul3A_530 = arith.mulf %add3A_529, %exp3A_519 : vector<16xf32>
      %add3A_531 = arith.constant -0.49703145 : f32
      %add3A_532 = vector.broadcast %add3A_531 : f32 to vector<16xf32>
      %add3A_533 = arith.addf %mul3A_530, %add3A_532 : vector<16xf32>
      %mul3A_534 = arith.mulf %add3A_533, %exp3A_519 : vector<16xf32>
      %add3A_535 = arith.constant 0.999945044 : f32
      %add3A_536 = vector.broadcast %add3A_535 : f32 to vector<16xf32>
      %add3A_537 = arith.addf %mul3A_534, %add3A_536 : vector<16xf32>
      %max3A_538 = arith.constant 0.000000e+00 : f32
      %max3A_539 = vector.broadcast %max3A_538 : f32 to vector<16xf32>
      %max3A_540 = arith.maximumf %get3A_238, %max3A_539 : vector<16xf32>
      %mul3A_541 = arith.mulf %exp3A_519, %add3A_537 : vector<16xf32>
      %add3A_542 = arith.addf %max3A_540, %mul3A_541 : vector<16xf32>
      %neg3A_543 = arith.constant 0.000000e+00 : f32
      %neg3A_544 = vector.broadcast %neg3A_543 : f32 to vector<16xf32>
      %neg3A_545 = arith.subf %neg3A_544, %get3A_242 : vector<16xf32>
      %min3A_546 = arith.minimumf %get3A_242, %neg3A_545 : vector<16xf32>
      %exp3A_547 = math.exp %min3A_546 : vector<16xf32>
      %broadcast_in_dim3A_548 = arith.constant 0.0415515676 : f32
      %broadcast_in_dim3A_549 = vector.broadcast %broadcast_in_dim3A_548 : f32 to vector<16xf32>
      %mul3A_550 = arith.mulf %broadcast_in_dim3A_549, %exp3A_547 : vector<16xf32>
      %add3A_551 = arith.constant -0.157840043 : f32
      %add3A_552 = vector.broadcast %add3A_551 : f32 to vector<16xf32>
      %add3A_553 = arith.addf %mul3A_550, %add3A_552 : vector<16xf32>
      %mul3A_554 = arith.mulf %add3A_553, %exp3A_547 : vector<16xf32>
      %add3A_555 = arith.constant 0.306562841 : f32
      %add3A_556 = vector.broadcast %add3A_555 : f32 to vector<16xf32>
      %add3A_557 = arith.addf %mul3A_554, %add3A_556 : vector<16xf32>
      %mul3A_558 = arith.mulf %add3A_557, %exp3A_547 : vector<16xf32>
      %add3A_559 = arith.constant -0.49703145 : f32
      %add3A_560 = vector.broadcast %add3A_559 : f32 to vector<16xf32>
      %add3A_561 = arith.addf %mul3A_558, %add3A_560 : vector<16xf32>
      %mul3A_562 = arith.mulf %add3A_561, %exp3A_547 : vector<16xf32>
      %add3A_563 = arith.constant 0.999945044 : f32
      %add3A_564 = vector.broadcast %add3A_563 : f32 to vector<16xf32>
      %add3A_565 = arith.addf %mul3A_562, %add3A_564 : vector<16xf32>
      %max3A_566 = arith.constant 0.000000e+00 : f32
      %max3A_567 = vector.broadcast %max3A_566 : f32 to vector<16xf32>
      %max3A_568 = arith.maximumf %get3A_242, %max3A_567 : vector<16xf32>
      %mul3A_569 = arith.mulf %exp3A_547, %add3A_565 : vector<16xf32>
      %add3A_570 = arith.addf %max3A_568, %mul3A_569 : vector<16xf32>
      %neg3A_571 = arith.constant 0.000000e+00 : f32
      %neg3A_572 = vector.broadcast %neg3A_571 : f32 to vector<16xf32>
      %neg3A_573 = arith.subf %neg3A_572, %get3A_246 : vector<16xf32>
      %min3A_574 = arith.minimumf %get3A_246, %neg3A_573 : vector<16xf32>
      %exp3A_575 = math.exp %min3A_574 : vector<16xf32>
      %broadcast_in_dim3A_576 = arith.constant 0.0415515676 : f32
      %broadcast_in_dim3A_577 = vector.broadcast %broadcast_in_dim3A_576 : f32 to vector<16xf32>
      %mul3A_578 = arith.mulf %broadcast_in_dim3A_577, %exp3A_575 : vector<16xf32>
      %add3A_579 = arith.constant -0.157840043 : f32
      %add3A_580 = vector.broadcast %add3A_579 : f32 to vector<16xf32>
      %add3A_581 = arith.addf %mul3A_578, %add3A_580 : vector<16xf32>
      %mul3A_582 = arith.mulf %add3A_581, %exp3A_575 : vector<16xf32>
      %add3A_583 = arith.constant 0.306562841 : f32
      %add3A_584 = vector.broadcast %add3A_583 : f32 to vector<16xf32>
      %add3A_585 = arith.addf %mul3A_582, %add3A_584 : vector<16xf32>
      %mul3A_586 = arith.mulf %add3A_585, %exp3A_575 : vector<16xf32>
      %add3A_587 = arith.constant -0.49703145 : f32
      %add3A_588 = vector.broadcast %add3A_587 : f32 to vector<16xf32>
      %add3A_589 = arith.addf %mul3A_586, %add3A_588 : vector<16xf32>
      %mul3A_590 = arith.mulf %add3A_589, %exp3A_575 : vector<16xf32>
      %add3A_591 = arith.constant 0.999945044 : f32
      %add3A_592 = vector.broadcast %add3A_591 : f32 to vector<16xf32>
      %add3A_593 = arith.addf %mul3A_590, %add3A_592 : vector<16xf32>
      %max3A_594 = arith.constant 0.000000e+00 : f32
      %max3A_595 = vector.broadcast %max3A_594 : f32 to vector<16xf32>
      %max3A_596 = arith.maximumf %get3A_246, %max3A_595 : vector<16xf32>
      %mul3A_597 = arith.mulf %exp3A_575, %add3A_593 : vector<16xf32>
      %add3A_598 = arith.addf %max3A_596, %mul3A_597 : vector<16xf32>
      %neg3A_599 = arith.constant 0.000000e+00 : f32
      %neg3A_600 = vector.broadcast %neg3A_599 : f32 to vector<16xf32>
      %neg3A_601 = arith.subf %neg3A_600, %get3A_250 : vector<16xf32>
      %min3A_602 = arith.minimumf %get3A_250, %neg3A_601 : vector<16xf32>
      %exp3A_603 = math.exp %min3A_602 : vector<16xf32>
      %broadcast_in_dim3A_604 = arith.constant 0.0415515676 : f32
      %broadcast_in_dim3A_605 = vector.broadcast %broadcast_in_dim3A_604 : f32 to vector<16xf32>
      %mul3A_606 = arith.mulf %broadcast_in_dim3A_605, %exp3A_603 : vector<16xf32>
      %add3A_607 = arith.constant -0.157840043 : f32
      %add3A_608 = vector.broadcast %add3A_607 : f32 to vector<16xf32>
      %add3A_609 = arith.addf %mul3A_606, %add3A_608 : vector<16xf32>
      %mul3A_610 = arith.mulf %add3A_609, %exp3A_603 : vector<16xf32>
      %add3A_611 = arith.constant 0.306562841 : f32
      %add3A_612 = vector.broadcast %add3A_611 : f32 to vector<16xf32>
      %add3A_613 = arith.addf %mul3A_610, %add3A_612 : vector<16xf32>
      %mul3A_614 = arith.mulf %add3A_613, %exp3A_603 : vector<16xf32>
      %add3A_615 = arith.constant -0.49703145 : f32
      %add3A_616 = vector.broadcast %add3A_615 : f32 to vector<16xf32>
      %add3A_617 = arith.addf %mul3A_614, %add3A_616 : vector<16xf32>
      %mul3A_618 = arith.mulf %add3A_617, %exp3A_603 : vector<16xf32>
      %add3A_619 = arith.constant 0.999945044 : f32
      %add3A_620 = vector.broadcast %add3A_619 : f32 to vector<16xf32>
      %add3A_621 = arith.addf %mul3A_618, %add3A_620 : vector<16xf32>
      %max3A_622 = arith.constant 0.000000e+00 : f32
      %max3A_623 = vector.broadcast %max3A_622 : f32 to vector<16xf32>
      %max3A_624 = arith.maximumf %get3A_250, %max3A_623 : vector<16xf32>
      %mul3A_625 = arith.mulf %exp3A_603, %add3A_621 : vector<16xf32>
      %add3A_626 = arith.addf %max3A_624, %mul3A_625 : vector<16xf32>
      %neg3A_627 = arith.constant 0.000000e+00 : f32
      %neg3A_628 = vector.broadcast %neg3A_627 : f32 to vector<16xf32>
      %neg3A_629 = arith.subf %neg3A_628, %get3A_254 : vector<16xf32>
      %min3A_630 = arith.minimumf %get3A_254, %neg3A_629 : vector<16xf32>
      %exp3A_631 = math.exp %min3A_630 : vector<16xf32>
      %broadcast_in_dim3A_632 = arith.constant 0.0415515676 : f32
      %broadcast_in_dim3A_633 = vector.broadcast %broadcast_in_dim3A_632 : f32 to vector<16xf32>
      %mul3A_634 = arith.mulf %broadcast_in_dim3A_633, %exp3A_631 : vector<16xf32>
      %add3A_635 = arith.constant -0.157840043 : f32
      %add3A_636 = vector.broadcast %add3A_635 : f32 to vector<16xf32>
      %add3A_637 = arith.addf %mul3A_634, %add3A_636 : vector<16xf32>
      %mul3A_638 = arith.mulf %add3A_637, %exp3A_631 : vector<16xf32>
      %add3A_639 = arith.constant 0.306562841 : f32
      %add3A_640 = vector.broadcast %add3A_639 : f32 to vector<16xf32>
      %add3A_641 = arith.addf %mul3A_638, %add3A_640 : vector<16xf32>
      %mul3A_642 = arith.mulf %add3A_641, %exp3A_631 : vector<16xf32>
      %add3A_643 = arith.constant -0.49703145 : f32
      %add3A_644 = vector.broadcast %add3A_643 : f32 to vector<16xf32>
      %add3A_645 = arith.addf %mul3A_642, %add3A_644 : vector<16xf32>
      %mul3A_646 = arith.mulf %add3A_645, %exp3A_631 : vector<16xf32>
      %add3A_647 = arith.constant 0.999945044 : f32
      %add3A_648 = vector.broadcast %add3A_647 : f32 to vector<16xf32>
      %add3A_649 = arith.addf %mul3A_646, %add3A_648 : vector<16xf32>
      %max3A_650 = arith.constant 0.000000e+00 : f32
      %max3A_651 = vector.broadcast %max3A_650 : f32 to vector<16xf32>
      %max3A_652 = arith.maximumf %get3A_254, %max3A_651 : vector<16xf32>
      %mul3A_653 = arith.mulf %exp3A_631, %add3A_649 : vector<16xf32>
      %add3A_654 = arith.addf %max3A_652, %mul3A_653 : vector<16xf32>
      %neg3A_655 = arith.constant 0.000000e+00 : f32
      %neg3A_656 = vector.broadcast %neg3A_655 : f32 to vector<16xf32>
      %neg3A_657 = arith.subf %neg3A_656, %get3A_258 : vector<16xf32>
      %min3A_658 = arith.minimumf %get3A_258, %neg3A_657 : vector<16xf32>
      %exp3A_659 = math.exp %min3A_658 : vector<16xf32>
      %broadcast_in_dim3A_660 = arith.constant 0.0415515676 : f32
      %broadcast_in_dim3A_661 = vector.broadcast %broadcast_in_dim3A_660 : f32 to vector<16xf32>
      %mul3A_662 = arith.mulf %broadcast_in_dim3A_661, %exp3A_659 : vector<16xf32>
      %add3A_663 = arith.constant -0.157840043 : f32
      %add3A_664 = vector.broadcast %add3A_663 : f32 to vector<16xf32>
      %add3A_665 = arith.addf %mul3A_662, %add3A_664 : vector<16xf32>
      %mul3A_666 = arith.mulf %add3A_665, %exp3A_659 : vector<16xf32>
      %add3A_667 = arith.constant 0.306562841 : f32
      %add3A_668 = vector.broadcast %add3A_667 : f32 to vector<16xf32>
      %add3A_669 = arith.addf %mul3A_666, %add3A_668 : vector<16xf32>
      %mul3A_670 = arith.mulf %add3A_669, %exp3A_659 : vector<16xf32>
      %add3A_671 = arith.constant -0.49703145 : f32
      %add3A_672 = vector.broadcast %add3A_671 : f32 to vector<16xf32>
      %add3A_673 = arith.addf %mul3A_670, %add3A_672 : vector<16xf32>
      %mul3A_674 = arith.mulf %add3A_673, %exp3A_659 : vector<16xf32>
      %add3A_675 = arith.constant 0.999945044 : f32
      %add3A_676 = vector.broadcast %add3A_675 : f32 to vector<16xf32>
      %add3A_677 = arith.addf %mul3A_674, %add3A_676 : vector<16xf32>
      %max3A_678 = arith.constant 0.000000e+00 : f32
      %max3A_679 = vector.broadcast %max3A_678 : f32 to vector<16xf32>
      %max3A_680 = arith.maximumf %get3A_258, %max3A_679 : vector<16xf32>
      %mul3A_681 = arith.mulf %exp3A_659, %add3A_677 : vector<16xf32>
      %add3A_682 = arith.addf %max3A_680, %mul3A_681 : vector<16xf32>
      %neg3A_683 = arith.constant 0.000000e+00 : f32
      %neg3A_684 = vector.broadcast %neg3A_683 : f32 to vector<16xf32>
      %neg3A_685 = arith.subf %neg3A_684, %get3A_262 : vector<16xf32>
      %min3A_686 = arith.minimumf %get3A_262, %neg3A_685 : vector<16xf32>
      %exp3A_687 = math.exp %min3A_686 : vector<16xf32>
      %broadcast_in_dim3A_688 = arith.constant 0.0415515676 : f32
      %broadcast_in_dim3A_689 = vector.broadcast %broadcast_in_dim3A_688 : f32 to vector<16xf32>
      %mul3A_690 = arith.mulf %broadcast_in_dim3A_689, %exp3A_687 : vector<16xf32>
      %add3A_691 = arith.constant -0.157840043 : f32
      %add3A_692 = vector.broadcast %add3A_691 : f32 to vector<16xf32>
      %add3A_693 = arith.addf %mul3A_690, %add3A_692 : vector<16xf32>
      %mul3A_694 = arith.mulf %add3A_693, %exp3A_687 : vector<16xf32>
      %add3A_695 = arith.constant 0.306562841 : f32
      %add3A_696 = vector.broadcast %add3A_695 : f32 to vector<16xf32>
      %add3A_697 = arith.addf %mul3A_694, %add3A_696 : vector<16xf32>
      %mul3A_698 = arith.mulf %add3A_697, %exp3A_687 : vector<16xf32>
      %add3A_699 = arith.constant -0.49703145 : f32
      %add3A_700 = vector.broadcast %add3A_699 : f32 to vector<16xf32>
      %add3A_701 = arith.addf %mul3A_698, %add3A_700 : vector<16xf32>
      %mul3A_702 = arith.mulf %add3A_701, %exp3A_687 : vector<16xf32>
      %add3A_703 = arith.constant 0.999945044 : f32
      %add3A_704 = vector.broadcast %add3A_703 : f32 to vector<16xf32>
      %add3A_705 = arith.addf %mul3A_702, %add3A_704 : vector<16xf32>
      %max3A_706 = arith.constant 0.000000e+00 : f32
      %max3A_707 = vector.broadcast %max3A_706 : f32 to vector<16xf32>
      %max3A_708 = arith.maximumf %get3A_262, %max3A_707 : vector<16xf32>
      %mul3A_709 = arith.mulf %exp3A_687, %add3A_705 : vector<16xf32>
      %add3A_710 = arith.addf %max3A_708, %mul3A_709 : vector<16xf32>
      %pack3A_711 = tpu.pack_subelements %add3A_290, %add3A_514 {pack_format = #tpu.pack_format<interleaved>, positions = array<i32: 0, 1>} : vector<16xf32>, vector<16xf32> -> vector<32xbf16>
      %bitcast3A_712 = vector.bitcast %pack3A_711 : vector<32xbf16> to vector<16xf32>
      %pack3A_713 = tpu.pack_subelements %add3A_318, %add3A_542 {pack_format = #tpu.pack_format<interleaved>, positions = array<i32: 0, 1>} : vector<16xf32>, vector<16xf32> -> vector<32xbf16>
      %bitcast3A_714 = vector.bitcast %pack3A_713 : vector<32xbf16> to vector<16xf32>
      %pack3A_715 = tpu.pack_subelements %add3A_346, %add3A_570 {pack_format = #tpu.pack_format<interleaved>, positions = array<i32: 0, 1>} : vector<16xf32>, vector<16xf32> -> vector<32xbf16>
      %bitcast3A_716 = vector.bitcast %pack3A_715 : vector<32xbf16> to vector<16xf32>
      %pack3A_717 = tpu.pack_subelements %add3A_374, %add3A_598 {pack_format = #tpu.pack_format<interleaved>, positions = array<i32: 0, 1>} : vector<16xf32>, vector<16xf32> -> vector<32xbf16>
      %bitcast3A_718 = vector.bitcast %pack3A_717 : vector<32xbf16> to vector<16xf32>
      %pack3A_719 = tpu.pack_subelements %add3A_402, %add3A_626 {pack_format = #tpu.pack_format<interleaved>, positions = array<i32: 0, 1>} : vector<16xf32>, vector<16xf32> -> vector<32xbf16>
      %bitcast3A_720 = vector.bitcast %pack3A_719 : vector<32xbf16> to vector<16xf32>
      %pack3A_721 = tpu.pack_subelements %add3A_430, %add3A_654 {pack_format = #tpu.pack_format<interleaved>, positions = array<i32: 0, 1>} : vector<16xf32>, vector<16xf32> -> vector<32xbf16>
      %bitcast3A_722 = vector.bitcast %pack3A_721 : vector<32xbf16> to vector<16xf32>
      %pack3A_723 = tpu.pack_subelements %add3A_458, %add3A_682 {pack_format = #tpu.pack_format<interleaved>, positions = array<i32: 0, 1>} : vector<16xf32>, vector<16xf32> -> vector<32xbf16>
      %bitcast3A_724 = vector.bitcast %pack3A_723 : vector<32xbf16> to vector<16xf32>
      %pack3A_725 = tpu.pack_subelements %add3A_486, %add3A_710 {pack_format = #tpu.pack_format<interleaved>, positions = array<i32: 0, 1>} : vector<16xf32>, vector<16xf32> -> vector<32xbf16>
      %bitcast3A_726 = vector.bitcast %pack3A_725 : vector<32xbf16> to vector<16xf32>
      %add3A_727 = arith.constant 98304 : i32
      %add3A_728 = arith.addi %add3A_727, %add3A_184 : i32
      %swap3A_729 = arith.index_cast %add3A_728 : i32 to index
      %swap3A_730 = tpu.vector_load %arg6[%swap3A_729] {strides = array<i32>} : memref<100000xf32, #tpu.memory_space<vmem>>, vector<16xf32>,
      tpu.vector_store %arg6[%swap3A_729], %bitcast3A_712 {strides = array<i32>} : memref<100000xf32, #tpu.memory_space<vmem>>, vector<16xf32>,
      %add3A_731 = arith.constant 98304 : i32
      %add3A_732 = arith.addi %add3A_731, %add3A_186 : i32
      %swap3A_733 = arith.index_cast %add3A_732 : i32 to index
      %swap3A_734 = tpu.vector_load %arg6[%swap3A_733] {strides = array<i32>} : memref<100000xf32, #tpu.memory_space<vmem>>, vector<16xf32>,
      tpu.vector_store %arg6[%swap3A_733], %bitcast3A_714 {strides = array<i32>} : memref<100000xf32, #tpu.memory_space<vmem>>, vector<16xf32>,
      %add3A_735 = arith.constant 98304 : i32
      %add3A_736 = arith.addi %add3A_735, %add3A_188 : i32
      %swap3A_737 = arith.index_cast %add3A_736 : i32 to index
      %swap3A_738 = tpu.vector_load %arg6[%swap3A_737] {strides = array<i32>} : memref<100000xf32, #tpu.memory_space<vmem>>, vector<16xf32>,
      tpu.vector_store %arg6[%swap3A_737], %bitcast3A_716 {strides = array<i32>} : memref<100000xf32, #tpu.memory_space<vmem>>, vector<16xf32>,
      %add3A_739 = arith.constant 98304 : i32
      %add3A_740 = arith.addi %add3A_739, %add3A_190 : i32
      %swap3A_741 = arith.index_cast %add3A_740 : i32 to index
      %swap3A_742 = tpu.vector_load %arg6[%swap3A_741] {strides = array<i32>} : memref<100000xf32, #tpu.memory_space<vmem>>, vector<16xf32>,
      tpu.vector_store %arg6[%swap3A_741], %bitcast3A_718 {strides = array<i32>} : memref<100000xf32, #tpu.memory_space<vmem>>, vector<16xf32>,
      %add3A_743 = arith.constant 98304 : i32
      %add3A_744 = arith.addi %add3A_743, %add3A_192 : i32
      %swap3A_745 = arith.index_cast %add3A_744 : i32 to index
      %swap3A_746 = tpu.vector_load %arg6[%swap3A_745] {strides = array<i32>} : memref<100000xf32, #tpu.memory_space<vmem>>, vector<16xf32>,
      tpu.vector_store %arg6[%swap3A_745], %bitcast3A_720 {strides = array<i32>} : memref<100000xf32, #tpu.memory_space<vmem>>, vector<16xf32>,
      %add3A_747 = arith.constant 98304 : i32
      %add3A_748 = arith.addi %add3A_747, %add3A_194 : i32
      %swap3A_749 = arith.index_cast %add3A_748 : i32 to index
      %swap3A_750 = tpu.vector_load %arg6[%swap3A_749] {strides = array<i32>} : memref<100000xf32, #tpu.memory_space<vmem>>, vector<16xf32>,
      tpu.vector_store %arg6[%swap3A_749], %bitcast3A_722 {strides = array<i32>} : memref<100000xf32, #tpu.memory_space<vmem>>, vector<16xf32>,
      %add3A_751 = arith.constant 98304 : i32
      %add3A_752 = arith.addi %add3A_751, %add3A_196 : i32
      %swap3A_753 = arith.index_cast %add3A_752 : i32 to index
      %swap3A_754 = tpu.vector_load %arg6[%swap3A_753] {strides = array<i32>} : memref<100000xf32, #tpu.memory_space<vmem>>, vector<16xf32>,
      tpu.vector_store %arg6[%swap3A_753], %bitcast3A_724 {strides = array<i32>} : memref<100000xf32, #tpu.memory_space<vmem>>, vector<16xf32>,
      %add3A_755 = arith.constant 98304 : i32
      %add3A_756 = arith.addi %add3A_755, %add3A_198 : i32
      %swap3A_757 = arith.index_cast %add3A_756 : i32 to index
      %swap3A_758 = tpu.vector_load %arg6[%swap3A_757] {strides = array<i32>} : memref<100000xf32, #tpu.memory_space<vmem>>, vector<16xf32>,
      tpu.vector_store %arg6[%swap3A_757], %bitcast3A_726 {strides = array<i32>} : memref<100000xf32, #tpu.memory_space<vmem>>, vector<16xf32>,
    }
    %scan3A_38 = arith.constant 13 : i32
    %add3A_39 = arith.constant 1 : i32
    %add3A_40 = arith.addi %mul3A_2, %add3A_39 : i32
    "tpu.region"() ({
      %run_scoped3A = tpu.sem_alloc : memref<!tpu.dma_semaphore, #tpu.memory_space<semaphore_mem>>
      %dma_start3A_176 = arith.constant 0 : i32
      %dma_start3A_177 = tpu.memref_slice %arg4[%add3A_40, %dma_start3A_176] : memref<64x32xf32, #tpu.memory_space<hbm>> -> memref<1x32xf32, #tpu.memory_space<hbm>>
      %dma_start3A_178 = tpu.memref_squeeze %dma_start3A_177 : memref<1x32xf32, #tpu.memory_space<hbm>> -> memref<32xf32, #tpu.memory_space<hbm>>
      %dma_start3A_179 = arith.constant 0 : i32
      %dma_start3A_180 = tpu.memref_slice %arg4[%add3A_40, %dma_start3A_179] : memref<64x32xf32, #tpu.memory_space<hbm>> -> memref<1x32xf32, #tpu.memory_space<hbm>>
      %dma_start3A_181 = tpu.memref_squeeze %dma_start3A_180 : memref<1x32xf32, #tpu.memory_space<hbm>> -> memref<32xf32, #tpu.memory_space<hbm>>
      tpu.enqueue_dma source(%dma_start3A_181 : memref<32xf32, #tpu.memory_space<hbm>>) target(%arg14 : memref<32xf32, #tpu.memory_space<vmem>>) target_semaphore(%run_scoped3A : memref<!tpu.dma_semaphore, #tpu.memory_space<semaphore_mem>>)
      %dma_wait3A_182 = arith.constant 0 : i32
      %dma_wait3A_183 = tpu.memref_slice %arg4[%add3A_40, %dma_wait3A_182] : memref<64x32xf32, #tpu.memory_space<hbm>> -> memref<1x32xf32, #tpu.memory_space<hbm>>
      %dma_wait3A_184 = tpu.memref_squeeze %dma_wait3A_183 : memref<1x32xf32, #tpu.memory_space<hbm>> -> memref<32xf32, #tpu.memory_space<hbm>>
      %dma_wait3A_185 = arith.constant 0 : i32
      %dma_wait3A_186 = tpu.memref_slice %arg4[%add3A_40, %dma_wait3A_185] : memref<64x32xf32, #tpu.memory_space<hbm>> -> memref<1x32xf32, #tpu.memory_space<hbm>>
      %dma_wait3A_187 = tpu.memref_squeeze %dma_wait3A_186 : memref<1x32xf32, #tpu.memory_space<hbm>> -> memref<32xf32, #tpu.memory_space<hbm>>
      tpu.wait_dma2 semaphore(%run_scoped3A : memref<!tpu.dma_semaphore, #tpu.memory_space<semaphore_mem>>) src(%dma_wait3A_187 : memref<32xf32, #tpu.memory_space<hbm>>) dst(%arg14 : memref<32xf32, #tpu.memory_space<vmem>>)
      tpu.yield
    }) : () -> ()
    %get3A = arith.constant 99968 : index
    %get3A_41 = tpu.vector_load %arg6[%get3A] {strides = array<i32>} : memref<100000xf32, #tpu.memory_space<vmem>>, vector<16xf32>,
    %get3A_42 = arith.constant 0 : index
    %get3A_43 = tpu.vector_load %arg14[%get3A_42] {strides = array<i32>} : memref<32xf32, #tpu.memory_space<vmem>>, vector<16xf32>,
    %neg3A = arith.constant 0.000000e+00 : f32
    %neg3A_44 = vector.broadcast %neg3A : f32 to vector<16xf32>
    %neg3A_45 = arith.subf %neg3A_44, %get3A_41 : vector<16xf32>
    %min3A = arith.minimumf %get3A_41, %neg3A_45 : vector<16xf32>
    %exp3A = math.exp %min3A : vector<16xf32>
    %broadcast_in_dim3A = arith.constant 0.0415515676 : f32
    %broadcast_in_dim3A_46 = vector.broadcast %broadcast_in_dim3A : f32 to vector<16xf32>
    %mul3A_47 = arith.mulf %broadcast_in_dim3A_46, %exp3A : vector<16xf32>
    %add3A_48 = arith.constant -0.157840043 : f32
    %add3A_49 = vector.broadcast %add3A_48 : f32 to vector<16xf32>
    %add3A_50 = arith.addf %mul3A_47, %add3A_49 : vector<16xf32>
    %mul3A_51 = arith.mulf %add3A_50, %exp3A : vector<16xf32>
    %add3A_52 = arith.constant 0.306562841 : f32
    %add3A_53 = vector.broadcast %add3A_52 : f32 to vector<16xf32>
    %add3A_54 = arith.addf %mul3A_51, %add3A_53 : vector<16xf32>
    %mul3A_55 = arith.mulf %add3A_54, %exp3A : vector<16xf32>
    %add3A_56 = arith.constant -0.49703145 : f32
    %add3A_57 = vector.broadcast %add3A_56 : f32 to vector<16xf32>
    %add3A_58 = arith.addf %mul3A_55, %add3A_57 : vector<16xf32>
    %mul3A_59 = arith.mulf %add3A_58, %exp3A : vector<16xf32>
    %add3A_60 = arith.constant 0.999945044 : f32
    %add3A_61 = vector.broadcast %add3A_60 : f32 to vector<16xf32>
    %add3A_62 = arith.addf %mul3A_59, %add3A_61 : vector<16xf32>
    %max3A = arith.constant 0.000000e+00 : f32
    %max3A_63 = vector.broadcast %max3A : f32 to vector<16xf32>
    %max3A_64 = arith.maximumf %get3A_41, %max3A_63 : vector<16xf32>
    %mul3A_65 = arith.mulf %exp3A, %add3A_62 : vector<16xf32>
    %add3A_66 = arith.addf %max3A_64, %mul3A_65 : vector<16xf32>
    %neg3A_67 = arith.constant 0.000000e+00 : f32
    %neg3A_68 = vector.broadcast %neg3A_67 : f32 to vector<16xf32>
    %neg3A_69 = arith.subf %neg3A_68, %get3A_43 : vector<16xf32>
    %min3A_70 = arith.minimumf %get3A_43, %neg3A_69 : vector<16xf32>
    %exp3A_71 = math.exp %min3A_70 : vector<16xf32>
    %broadcast_in_dim3A_72 = arith.constant 0.0415515676 : f32
    %broadcast_in_dim3A_73 = vector.broadcast %broadcast_in_dim3A_72 : f32 to vector<16xf32>
    %mul3A_74 = arith.mulf %broadcast_in_dim3A_73, %exp3A_71 : vector<16xf32>
    %add3A_75 = arith.constant -0.157840043 : f32
    %add3A_76 = vector.broadcast %add3A_75 : f32 to vector<16xf32>
    %add3A_77 = arith.addf %mul3A_74, %add3A_76 : vector<16xf32>
    %mul3A_78 = arith.mulf %add3A_77, %exp3A_71 : vector<16xf32>
    %add3A_79 = arith.constant 0.306562841 : f32
    %add3A_80 = vector.broadcast %add3A_79 : f32 to vector<16xf32>
    %add3A_81 = arith.addf %mul3A_78, %add3A_80 : vector<16xf32>
    %mul3A_82 = arith.mulf %add3A_81, %exp3A_71 : vector<16xf32>
    %add3A_83 = arith.constant -0.49703145 : f32
    %add3A_84 = vector.broadcast %add3A_83 : f32 to vector<16xf32>
    %add3A_85 = arith.addf %mul3A_82, %add3A_84 : vector<16xf32>
    %mul3A_86 = arith.mulf %add3A_85, %exp3A_71 : vector<16xf32>
    %add3A_87 = arith.constant 0.999945044 : f32
    %add3A_88 = vector.broadcast %add3A_87 : f32 to vector<16xf32>
    %add3A_89 = arith.addf %mul3A_86, %add3A_88 : vector<16xf32>
    %max3A_90 = arith.constant 0.000000e+00 : f32
    %max3A_91 = vector.broadcast %max3A_90 : f32 to vector<16xf32>
    %max3A_92 = arith.maximumf %get3A_43, %max3A_91 : vector<16xf32>
    %mul3A_93 = arith.mulf %exp3A_71, %add3A_89 : vector<16xf32>
    %add3A_94 = arith.addf %max3A_92, %mul3A_93 : vector<16xf32>
    %pack3A = tpu.pack_subelements %add3A_66, %add3A_94 {pack_format = #tpu.pack_format<interleaved>, positions = array<i32: 0, 1>} : vector<16xf32>, vector<16xf32> -> vector<32xbf16>
    %bitcast3A = vector.bitcast %pack3A : vector<32xbf16> to vector<16xf32>
    %swap3A = arith.constant 99968 : index
    %swap3A_95 = tpu.vector_load %arg6[%swap3A] {strides = array<i32>} : memref<100000xf32, #tpu.memory_space<vmem>>, vector<16xf32>,
    tpu.vector_store %arg6[%swap3A], %bitcast3A {strides = array<i32>} : memref<100000xf32, #tpu.memory_space<vmem>>, vector<16xf32>,
    %get3A_96 = arith.constant 99984 : index
    %get3A_97 = tpu.vector_load %arg6[%get3A_96] {strides = array<i32>} : memref<100000xf32, #tpu.memory_space<vmem>>, vector<16xf32>,
    %get3A_98 = arith.constant 16 : index
    %get3A_99 = tpu.vector_load %arg14[%get3A_98] {strides = array<i32>} : memref<32xf32, #tpu.memory_space<vmem>>, vector<16xf32>,
    %neg3A_100 = arith.constant 0.000000e+00 : f32
    %neg3A_101 = vector.broadcast %neg3A_100 : f32 to vector<16xf32>
    %neg3A_102 = arith.subf %neg3A_101, %get3A_97 : vector<16xf32>
    %min3A_103 = arith.minimumf %get3A_97, %neg3A_102 : vector<16xf32>
    %exp3A_104 = math.exp %min3A_103 : vector<16xf32>
    %broadcast_in_dim3A_105 = arith.constant 0.0415515676 : f32
    %broadcast_in_dim3A_106 = vector.broadcast %broadcast_in_dim3A_105 : f32 to vector<16xf32>
    %mul3A_107 = arith.mulf %broadcast_in_dim3A_106, %exp3A_104 : vector<16xf32>
    %add3A_108 = arith.constant -0.157840043 : f32
    %add3A_109 = vector.broadcast %add3A_108 : f32 to vector<16xf32>
    %add3A_110 = arith.addf %mul3A_107, %add3A_109 : vector<16xf32>
    %mul3A_111 = arith.mulf %add3A_110, %exp3A_104 : vector<16xf32>
    %add3A_112 = arith.constant 0.306562841 : f32
    %add3A_113 = vector.broadcast %add3A_112 : f32 to vector<16xf32>
    %add3A_114 = arith.addf %mul3A_111, %add3A_113 : vector<16xf32>
    %mul3A_115 = arith.mulf %add3A_114, %exp3A_104 : vector<16xf32>
    %add3A_116 = arith.constant -0.49703145 : f32
    %add3A_117 = vector.broadcast %add3A_116 : f32 to vector<16xf32>
    %add3A_118 = arith.addf %mul3A_115, %add3A_117 : vector<16xf32>
    %mul3A_119 = arith.mulf %add3A_118, %exp3A_104 : vector<16xf32>
    %add3A_120 = arith.constant 0.999945044 : f32
    %add3A_121 = vector.broadcast %add3A_120 : f32 to vector<16xf32>
    %add3A_122 = arith.addf %mul3A_119, %add3A_121 : vector<16xf32>
    %max3A_123 = arith.constant 0.000000e+00 : f32
    %max3A_124 = vector.broadcast %max3A_123 : f32 to vector<16xf32>
    %max3A_125 = arith.maximumf %get3A_97, %max3A_124 : vector<16xf32>
    %mul3A_126 = arith.mulf %exp3A_104, %add3A_122 : vector<16xf32>
    %add3A_127 = arith.addf %max3A_125, %mul3A_126 : vector<16xf32>
    %neg3A_128 = arith.constant 0.000000e+00 : f32
    %neg3A_129 = vector.broadcast %neg3A_128 : f32 to vector<16xf32>
    %neg3A_130 = arith.subf %neg3A_129, %get3A_99 : vector<16xf32>
    %min3A_131 = arith.minimumf %get3A_99, %neg3A_130 : vector<16xf32>
    %exp3A_132 = math.exp %min3A_131 : vector<16xf32>
    %broadcast_in_dim3A_133 = arith.constant 0.0415515676 : f32
    %broadcast_in_dim3A_134 = vector.broadcast %broadcast_in_dim3A_133 : f32 to vector<16xf32>
    %mul3A_135 = arith.mulf %broadcast_in_dim3A_134, %exp3A_132 : vector<16xf32>
    %add3A_136 = arith.constant -0.157840043 : f32
    %add3A_137 = vector.broadcast %add3A_136 : f32 to vector<16xf32>
    %add3A_138 = arith.addf %mul3A_135, %add3A_137 : vector<16xf32>
    %mul3A_139 = arith.mulf %add3A_138, %exp3A_132 : vector<16xf32>
    %add3A_140 = arith.constant 0.306562841 : f32
    %add3A_141 = vector.broadcast %add3A_140 : f32 to vector<16xf32>
    %add3A_142 = arith.addf %mul3A_139, %add3A_141 : vector<16xf32>
    %mul3A_143 = arith.mulf %add3A_142, %exp3A_132 : vector<16xf32>
    %add3A_144 = arith.constant -0.49703145 : f32
    %add3A_145 = vector.broadcast %add3A_144 : f32 to vector<16xf32>
    %add3A_146 = arith.addf %mul3A_143, %add3A_145 : vector<16xf32>
    %mul3A_147 = arith.mulf %add3A_146, %exp3A_132 : vector<16xf32>
    %add3A_148 = arith.constant 0.999945044 : f32
    %add3A_149 = vector.broadcast %add3A_148 : f32 to vector<16xf32>
    %add3A_150 = arith.addf %mul3A_147, %add3A_149 : vector<16xf32>
    %max3A_151 = arith.constant 0.000000e+00 : f32
    %max3A_152 = vector.broadcast %max3A_151 : f32 to vector<16xf32>
    %max3A_153 = arith.maximumf %get3A_99, %max3A_152 : vector<16xf32>
    %mul3A_154 = arith.mulf %exp3A_132, %add3A_150 : vector<16xf32>
    %add3A_155 = arith.addf %max3A_153, %mul3A_154 : vector<16xf32>
    %pack3A_156 = tpu.pack_subelements %add3A_127, %add3A_155 {pack_format = #tpu.pack_format<interleaved>, positions = array<i32: 0, 1>} : vector<16xf32>, vector<16xf32> -> vector<32xbf16>
    %bitcast3A_157 = vector.bitcast %pack3A_156 : vector<32xbf16> to vector<16xf32>
    %swap3A_158 = arith.constant 99984 : index
    %swap3A_159 = tpu.vector_load %arg6[%swap3A_158] {strides = array<i32>} : memref<100000xf32, #tpu.memory_space<vmem>>, vector<16xf32>,
    tpu.vector_store %arg6[%swap3A_158], %bitcast3A_157 {strides = array<i32>} : memref<100000xf32, #tpu.memory_space<vmem>>, vector<16xf32>,
    "tpu.trace_stop"() : () -> ()
    %scan3A_160 = arith.constant 0 : i32
    %scan3A_161 = arith.constant 25 : i32
    %scan3A_162 = arith.addi %scan3A_160, %scan3A_161 : i32
    %scan3A_163 = arith.constant 1 : i32
    scf.for %scan3A_176 = %scan3A_160 to %scan3A_162 step %scan3A_163  : i32 {
      %mul3A_177 = arith.constant 1 : i32
      %mul3A_178 = arith.muli %scan3A_176, %mul3A_177 : i32
      %add3A_179 = arith.constant 0 : i32
      %add3A_180 = arith.addi %add3A_179, %mul3A_178 : i32
      %mul3A_181 = arith.constant 2 : i32
      %mul3A_182 = arith.muli %mul3A_181, %add3A_180 : i32
      %dma_wait3A_183 = arith.constant 0 : i32
      %dma_wait3A_184 = tpu.memref_slice %arg3[%mul3A_182, %dma_wait3A_183] : memref<50x4096xi32, #tpu.memory_space<hbm>> -> memref<1x4096xi32, #tpu.memory_space<hbm>>
      %dma_wait3A_185 = tpu.memref_squeeze %dma_wait3A_184 : memref<1x4096xi32, #tpu.memory_space<hbm>> -> memref<4096xi32, #tpu.memory_space<hbm>>
      %dma_wait3A_186 = arith.constant 0 : i32
      %dma_wait3A_187 = tpu.memref_slice %arg3[%mul3A_182, %dma_wait3A_186] : memref<50x4096xi32, #tpu.memory_space<hbm>> -> memref<1x4096xi32, #tpu.memory_space<hbm>>
      %dma_wait3A_188 = tpu.memref_squeeze %dma_wait3A_187 : memref<1x4096xi32, #tpu.memory_space<hbm>> -> memref<4096xi32, #tpu.memory_space<hbm>>
      tpu.wait_dma2 semaphore(%arg15 : memref<!tpu.dma_semaphore, #tpu.memory_space<semaphore_mem>>) src(%dma_wait3A_188 : memref<4096xi32, #tpu.memory_space<hbm>>) dst(%arg7 : memref<4096xi32, #tpu.memory_space<vmem>>)
      %ge3A = arith.constant 2 : i32
      %ge3A_189 = arith.cmpi sge, %mul3A_182, %ge3A : i32
      %convert_element_type3A = arith.extui %ge3A_189 : i1 to i32
      %cond3A = arith.constant 0 : i32
      %cond3A_190 = arith.cmpi ne, %convert_element_type3A, %cond3A : i32
      scf.if %cond3A_190 {
        %dma_wait3A_237 = arith.constant 0 : i32
        %dma_wait3A_238 = tpu.memref_slice %arg5[%mul3A_182, %mul3A_2, %dma_wait3A_237] : memref<50x64x4096xf32, #tpu.memory_space<hbm>> -> memref<1x2x4096xf32, #tpu.memory_space<hbm>>
        %dma_wait3A_239 = arith.constant 0 : i32
        %dma_wait3A_240 = tpu.memref_slice %arg5[%mul3A_182, %mul3A_2, %dma_wait3A_239] : memref<50x64x4096xf32, #tpu.memory_space<hbm>> -> memref<1x2x4096xf32, #tpu.memory_space<hbm>>
        tpu.wait_dma2 semaphore(%arg17 : memref<!tpu.dma_semaphore, #tpu.memory_space<semaphore_mem>>) src(%arg9 : memref<1x2x4096xf32, #tpu.memory_space<vmem>>) dst(%dma_wait3A_240 : memref<1x2x4096xf32, #tpu.memory_space<hbm>>)
      } else {
      }
      %scan3A_191 = arith.constant 0 : i32
      %scan3A_192 = arith.constant 32 : i32
      %scan3A_193 = arith.addi %scan3A_191, %scan3A_192 : i32
      %scan3A_194 = arith.constant 1 : i32
      scf.for %scan3A_237 = %scan3A_191 to %scan3A_193 step %scan3A_194  : i32 {
        %mul3A_238 = arith.constant 1 : i32
        %mul3A_239 = arith.muli %scan3A_237, %mul3A_238 : i32
        %add3A_240 = arith.constant 0 : i32
        %add3A_241 = arith.addi %add3A_240, %mul3A_239 : i32
        %mul3A_242 = arith.constant 128 : i32
        %mul3A_243 = arith.muli %add3A_241, %mul3A_242 : i32
        %add3A_244 = arith.constant 0 : i32
        %add3A_245 = arith.addi %mul3A_243, %add3A_244 : i32
        %get3A_246 = arith.index_cast %add3A_245 : i32 to index
        %get3A_247 = tpu.vector_load %arg7[%get3A_246] {strides = array<i32>} : memref<4096xi32, #tpu.memory_space<vmem>>, vector<16xi32>,
        %add3A_248 = arith.constant 16 : i32
        %add3A_249 = arith.addi %mul3A_243, %add3A_248 : i32
        %get3A_250 = arith.index_cast %add3A_249 : i32 to index
        %get3A_251 = tpu.vector_load %arg7[%get3A_250] {strides = array<i32>} : memref<4096xi32, #tpu.memory_space<vmem>>, vector<16xi32>,
        %add3A_252 = arith.constant 32 : i32
        %add3A_253 = arith.addi %mul3A_243, %add3A_252 : i32
        %get3A_254 = arith.index_cast %add3A_253 : i32 to index
        %get3A_255 = tpu.vector_load %arg7[%get3A_254] {strides = array<i32>} : memref<4096xi32, #tpu.memory_space<vmem>>, vector<16xi32>,
        %add3A_256 = arith.constant 48 : i32
        %add3A_257 = arith.addi %mul3A_243, %add3A_256 : i32
        %get3A_258 = arith.index_cast %add3A_257 : i32 to index
        %get3A_259 = tpu.vector_load %arg7[%get3A_258] {strides = array<i32>} : memref<4096xi32, #tpu.memory_space<vmem>>, vector<16xi32>,
        %add3A_260 = arith.constant 64 : i32
        %add3A_261 = arith.addi %mul3A_243, %add3A_260 : i32
        %get3A_262 = arith.index_cast %add3A_261 : i32 to index
        %get3A_263 = tpu.vector_load %arg7[%get3A_262] {strides = array<i32>} : memref<4096xi32, #tpu.memory_space<vmem>>, vector<16xi32>,
        %add3A_264 = arith.constant 80 : i32
        %add3A_265 = arith.addi %mul3A_243, %add3A_264 : i32
        %get3A_266 = arith.index_cast %add3A_265 : i32 to index
        %get3A_267 = tpu.vector_load %arg7[%get3A_266] {strides = array<i32>} : memref<4096xi32, #tpu.memory_space<vmem>>, vector<16xi32>,
        %add3A_268 = arith.constant 96 : i32
        %add3A_269 = arith.addi %mul3A_243, %add3A_268 : i32
        %get3A_270 = arith.index_cast %add3A_269 : i32 to index
        %get3A_271 = tpu.vector_load %arg7[%get3A_270] {strides = array<i32>} : memref<4096xi32, #tpu.memory_space<vmem>>, vector<16xi32>,
        %add3A_272 = arith.constant 112 : i32
        %add3A_273 = arith.addi %mul3A_243, %add3A_272 : i32
        %get3A_274 = arith.index_cast %add3A_273 : i32 to index
        %get3A_275 = tpu.vector_load %arg7[%get3A_274] {strides = array<i32>} : memref<4096xi32, #tpu.memory_space<vmem>>, vector<16xi32>,
        %gather3A = tpu.vector_load_idx %arg6[%get3A_247] : memref<100000xf32, #tpu.memory_space<vmem>>[vector<16xi32>], vector<16xf32>,
        %gather3A_276 = tpu.vector_load_idx %arg6[%get3A_251] : memref<100000xf32, #tpu.memory_space<vmem>>[vector<16xi32>], vector<16xf32>,
        %gather3A_277 = tpu.vector_load_idx %arg6[%get3A_255] : memref<100000xf32, #tpu.memory_space<vmem>>[vector<16xi32>], vector<16xf32>,
        %gather3A_278 = tpu.vector_load_idx %arg6[%get3A_259] : memref<100000xf32, #tpu.memory_space<vmem>>[vector<16xi32>], vector<16xf32>,
        %gather3A_279 = tpu.vector_load_idx %arg6[%get3A_263] : memref<100000xf32, #tpu.memory_space<vmem>>[vector<16xi32>], vector<16xf32>,
        %gather3A_280 = tpu.vector_load_idx %arg6[%get3A_267] : memref<100000xf32, #tpu.memory_space<vmem>>[vector<16xi32>], vector<16xf32>,
        %gather3A_281 = tpu.vector_load_idx %arg6[%get3A_271] : memref<100000xf32, #tpu.memory_space<vmem>>[vector<16xi32>], vector<16xf32>,
        %gather3A_282 = tpu.vector_load_idx %arg6[%get3A_275] : memref<100000xf32, #tpu.memory_space<vmem>>[vector<16xi32>], vector<16xf32>,
        %bitcast3A_283 = vector.bitcast %gather3A : vector<16xf32> to vector<32xbf16>
        %unpack3A = tpu.unpack_subelements %bitcast3A_283, 0 {pack_format = #tpu.pack_format<interleaved>} : vector<32xbf16> -> vector<16xf32>
        %unpack3A_284 = tpu.unpack_subelements %bitcast3A_283, 1 {pack_format = #tpu.pack_format<interleaved>} : vector<32xbf16> -> vector<16xf32>
        %bitcast3A_285 = vector.bitcast %gather3A_276 : vector<16xf32> to vector<32xbf16>
        %unpack3A_286 = tpu.unpack_subelements %bitcast3A_285, 0 {pack_format = #tpu.pack_format<interleaved>} : vector<32xbf16> -> vector<16xf32>
        %unpack3A_287 = tpu.unpack_subelements %bitcast3A_285, 1 {pack_format = #tpu.pack_format<interleaved>} : vector<32xbf16> -> vector<16xf32>
        %bitcast3A_288 = vector.bitcast %gather3A_277 : vector<16xf32> to vector<32xbf16>
        %unpack3A_289 = tpu.unpack_subelements %bitcast3A_288, 0 {pack_format = #tpu.pack_format<interleaved>} : vector<32xbf16> -> vector<16xf32>
        %unpack3A_290 = tpu.unpack_subelements %bitcast3A_288, 1 {pack_format = #tpu.pack_format<interleaved>} : vector<32xbf16> -> vector<16xf32>
        %bitcast3A_291 = vector.bitcast %gather3A_278 : vector<16xf32> to vector<32xbf16>
        %unpack3A_292 = tpu.unpack_subelements %bitcast3A_291, 0 {pack_format = #tpu.pack_format<interleaved>} : vector<32xbf16> -> vector<16xf32>
        %unpack3A_293 = tpu.unpack_subelements %bitcast3A_291, 1 {pack_format = #tpu.pack_format<interleaved>} : vector<32xbf16> -> vector<16xf32>
        %bitcast3A_294 = vector.bitcast %gather3A_279 : vector<16xf32> to vector<32xbf16>
        %unpack3A_295 = tpu.unpack_subelements %bitcast3A_294, 0 {pack_format = #tpu.pack_format<interleaved>} : vector<32xbf16> -> vector<16xf32>
        %unpack3A_296 = tpu.unpack_subelements %bitcast3A_294, 1 {pack_format = #tpu.pack_format<interleaved>} : vector<32xbf16> -> vector<16xf32>
        %bitcast3A_297 = vector.bitcast %gather3A_280 : vector<16xf32> to vector<32xbf16>
        %unpack3A_298 = tpu.unpack_subelements %bitcast3A_297, 0 {pack_format = #tpu.pack_format<interleaved>} : vector<32xbf16> -> vector<16xf32>
        %unpack3A_299 = tpu.unpack_subelements %bitcast3A_297, 1 {pack_format = #tpu.pack_format<interleaved>} : vector<32xbf16> -> vector<16xf32>
        %bitcast3A_300 = vector.bitcast %gather3A_281 : vector<16xf32> to vector<32xbf16>
        %unpack3A_301 = tpu.unpack_subelements %bitcast3A_300, 0 {pack_format = #tpu.pack_format<interleaved>} : vector<32xbf16> -> vector<16xf32>
        %unpack3A_302 = tpu.unpack_subelements %bitcast3A_300, 1 {pack_format = #tpu.pack_format<interleaved>} : vector<32xbf16> -> vector<16xf32>
        %bitcast3A_303 = vector.bitcast %gather3A_282 : vector<16xf32> to vector<32xbf16>
        %unpack3A_304 = tpu.unpack_subelements %bitcast3A_303, 0 {pack_format = #tpu.pack_format<interleaved>} : vector<32xbf16> -> vector<16xf32>
        %unpack3A_305 = tpu.unpack_subelements %bitcast3A_303, 1 {pack_format = #tpu.pack_format<interleaved>} : vector<32xbf16> -> vector<16xf32>
        %add3A_306 = arith.constant 0 : i32
        %add3A_307 = arith.addi %mul3A_243, %add3A_306 : i32
        %swap3A_308 = arith.constant 0 : i32
        %swap3A_309 = arith.constant 0 : i32
        %swap3A_310 = arith.index_cast %swap3A_308 : i32 to index
        %swap3A_311 = arith.index_cast %swap3A_309 : i32 to index
        %swap3A_312 = arith.index_cast %add3A_307 : i32 to index
        %swap3A_313 = tpu.vector_load %arg9[%swap3A_310, %swap3A_311, %swap3A_312] {strides = array<i32>} : memref<1x2x4096xf32, #tpu.memory_space<vmem>>, vector<16xf32>,
        tpu.vector_store %arg9[%swap3A_310, %swap3A_311, %swap3A_312], %unpack3A {strides = array<i32>} : memref<1x2x4096xf32, #tpu.memory_space<vmem>>, vector<16xf32>,
        %add3A_314 = arith.constant 0 : i32
        %add3A_315 = arith.addi %mul3A_243, %add3A_314 : i32
        %swap3A_316 = arith.constant 0 : i32
        %swap3A_317 = arith.constant 1 : i32
        %swap3A_318 = arith.index_cast %swap3A_316 : i32 to index
        %swap3A_319 = arith.index_cast %swap3A_317 : i32 to index
        %swap3A_320 = arith.index_cast %add3A_315 : i32 to index
        %swap3A_321 = tpu.vector_load %arg9[%swap3A_318, %swap3A_319, %swap3A_320] {strides = array<i32>} : memref<1x2x4096xf32, #tpu.memory_space<vmem>>, vector<16xf32>,
        tpu.vector_store %arg9[%swap3A_318, %swap3A_319, %swap3A_320], %unpack3A_284 {strides = array<i32>} : memref<1x2x4096xf32, #tpu.memory_space<vmem>>, vector<16xf32>,
        %add3A_322 = arith.constant 16 : i32
        %add3A_323 = arith.addi %mul3A_243, %add3A_322 : i32
        %swap3A_324 = arith.constant 0 : i32
        %swap3A_325 = arith.constant 0 : i32
        %swap3A_326 = arith.index_cast %swap3A_324 : i32 to index
        %swap3A_327 = arith.index_cast %swap3A_325 : i32 to index
        %swap3A_328 = arith.index_cast %add3A_323 : i32 to index
        %swap3A_329 = tpu.vector_load %arg9[%swap3A_326, %swap3A_327, %swap3A_328] {strides = array<i32>} : memref<1x2x4096xf32, #tpu.memory_space<vmem>>, vector<16xf32>,
        tpu.vector_store %arg9[%swap3A_326, %swap3A_327, %swap3A_328], %unpack3A_286 {strides = array<i32>} : memref<1x2x4096xf32, #tpu.memory_space<vmem>>, vector<16xf32>,
        %add3A_330 = arith.constant 16 : i32
        %add3A_331 = arith.addi %mul3A_243, %add3A_330 : i32
        %swap3A_332 = arith.constant 0 : i32
        %swap3A_333 = arith.constant 1 : i32
        %swap3A_334 = arith.index_cast %swap3A_332 : i32 to index
        %swap3A_335 = arith.index_cast %swap3A_333 : i32 to index
        %swap3A_336 = arith.index_cast %add3A_331 : i32 to index
        %swap3A_337 = tpu.vector_load %arg9[%swap3A_334, %swap3A_335, %swap3A_336] {strides = array<i32>} : memref<1x2x4096xf32, #tpu.memory_space<vmem>>, vector<16xf32>,
        tpu.vector_store %arg9[%swap3A_334, %swap3A_335, %swap3A_336], %unpack3A_287 {strides = array<i32>} : memref<1x2x4096xf32, #tpu.memory_space<vmem>>, vector<16xf32>,
        %add3A_338 = arith.constant 32 : i32
        %add3A_339 = arith.addi %mul3A_243, %add3A_338 : i32
        %swap3A_340 = arith.constant 0 : i32
        %swap3A_341 = arith.constant 0 : i32
        %swap3A_342 = arith.index_cast %swap3A_340 : i32 to index
        %swap3A_343 = arith.index_cast %swap3A_341 : i32 to index
        %swap3A_344 = arith.index_cast %add3A_339 : i32 to index
        %swap3A_345 = tpu.vector_load %arg9[%swap3A_342, %swap3A_343, %swap3A_344] {strides = array<i32>} : memref<1x2x4096xf32, #tpu.memory_space<vmem>>, vector<16xf32>,
        tpu.vector_store %arg9[%swap3A_342, %swap3A_343, %swap3A_344], %unpack3A_289 {strides = array<i32>} : memref<1x2x4096xf32, #tpu.memory_space<vmem>>, vector<16xf32>,
        %add3A_346 = arith.constant 32 : i32
        %add3A_347 = arith.addi %mul3A_243, %add3A_346 : i32
        %swap3A_348 = arith.constant 0 : i32
        %swap3A_349 = arith.constant 1 : i32
        %swap3A_350 = arith.index_cast %swap3A_348 : i32 to index
        %swap3A_351 = arith.index_cast %swap3A_349 : i32 to index
        %swap3A_352 = arith.index_cast %add3A_347 : i32 to index
        %swap3A_353 = tpu.vector_load %arg9[%swap3A_350, %swap3A_351, %swap3A_352] {strides = array<i32>} : memref<1x2x4096xf32, #tpu.memory_space<vmem>>, vector<16xf32>,
        tpu.vector_store %arg9[%swap3A_350, %swap3A_351, %swap3A_352], %unpack3A_290 {strides = array<i32>} : memref<1x2x4096xf32, #tpu.memory_space<vmem>>, vector<16xf32>,
        %add3A_354 = arith.constant 48 : i32
        %add3A_355 = arith.addi %mul3A_243, %add3A_354 : i32
        %swap3A_356 = arith.constant 0 : i32
        %swap3A_357 = arith.constant 0 : i32
        %swap3A_358 = arith.index_cast %swap3A_356 : i32 to index
        %swap3A_359 = arith.index_cast %swap3A_357 : i32 to index
        %swap3A_360 = arith.index_cast %add3A_355 : i32 to index
        %swap3A_361 = tpu.vector_load %arg9[%swap3A_358, %swap3A_359, %swap3A_360] {strides = array<i32>} : memref<1x2x4096xf32, #tpu.memory_space<vmem>>, vector<16xf32>,
        tpu.vector_store %arg9[%swap3A_358, %swap3A_359, %swap3A_360], %unpack3A_292 {strides = array<i32>} : memref<1x2x4096xf32, #tpu.memory_space<vmem>>, vector<16xf32>,
        %add3A_362 = arith.constant 48 : i32
        %add3A_363 = arith.addi %mul3A_243, %add3A_362 : i32
        %swap3A_364 = arith.constant 0 : i32
        %swap3A_365 = arith.constant 1 : i32
        %swap3A_366 = arith.index_cast %swap3A_364 : i32 to index
        %swap3A_367 = arith.index_cast %swap3A_365 : i32 to index
        %swap3A_368 = arith.index_cast %add3A_363 : i32 to index
        %swap3A_369 = tpu.vector_load %arg9[%swap3A_366, %swap3A_367, %swap3A_368] {strides = array<i32>} : memref<1x2x4096xf32, #tpu.memory_space<vmem>>, vector<16xf32>,
        tpu.vector_store %arg9[%swap3A_366, %swap3A_367, %swap3A_368], %unpack3A_293 {strides = array<i32>} : memref<1x2x4096xf32, #tpu.memory_space<vmem>>, vector<16xf32>,
        %add3A_370 = arith.constant 64 : i32
        %add3A_371 = arith.addi %mul3A_243, %add3A_370 : i32
        %swap3A_372 = arith.constant 0 : i32
        %swap3A_373 = arith.constant 0 : i32
        %swap3A_374 = arith.index_cast %swap3A_372 : i32 to index
        %swap3A_375 = arith.index_cast %swap3A_373 : i32 to index
        %swap3A_376 = arith.index_cast %add3A_371 : i32 to index
        %swap3A_377 = tpu.vector_load %arg9[%swap3A_374, %swap3A_375, %swap3A_376] {strides = array<i32>} : memref<1x2x4096xf32, #tpu.memory_space<vmem>>, vector<16xf32>,
        tpu.vector_store %arg9[%swap3A_374, %swap3A_375, %swap3A_376], %unpack3A_295 {strides = array<i32>} : memref<1x2x4096xf32, #tpu.memory_space<vmem>>, vector<16xf32>,
        %add3A_378 = arith.constant 64 : i32
        %add3A_379 = arith.addi %mul3A_243, %add3A_378 : i32
        %swap3A_380 = arith.constant 0 : i32
        %swap3A_381 = arith.constant 1 : i32
        %swap3A_382 = arith.index_cast %swap3A_380 : i32 to index
        %swap3A_383 = arith.index_cast %swap3A_381 : i32 to index
        %swap3A_384 = arith.index_cast %add3A_379 : i32 to index
        %swap3A_385 = tpu.vector_load %arg9[%swap3A_382, %swap3A_383, %swap3A_384] {strides = array<i32>} : memref<1x2x4096xf32, #tpu.memory_space<vmem>>, vector<16xf32>,
        tpu.vector_store %arg9[%swap3A_382, %swap3A_383, %swap3A_384], %unpack3A_296 {strides = array<i32>} : memref<1x2x4096xf32, #tpu.memory_space<vmem>>, vector<16xf32>,
        %add3A_386 = arith.constant 80 : i32
        %add3A_387 = arith.addi %mul3A_243, %add3A_386 : i32
        %swap3A_388 = arith.constant 0 : i32
        %swap3A_389 = arith.constant 0 : i32
        %swap3A_390 = arith.index_cast %swap3A_388 : i32 to index
        %swap3A_391 = arith.index_cast %swap3A_389 : i32 to index
        %swap3A_392 = arith.index_cast %add3A_387 : i32 to index
        %swap3A_393 = tpu.vector_load %arg9[%swap3A_390, %swap3A_391, %swap3A_392] {strides = array<i32>} : memref<1x2x4096xf32, #tpu.memory_space<vmem>>, vector<16xf32>,
        tpu.vector_store %arg9[%swap3A_390, %swap3A_391, %swap3A_392], %unpack3A_298 {strides = array<i32>} : memref<1x2x4096xf32, #tpu.memory_space<vmem>>, vector<16xf32>,
        %add3A_394 = arith.constant 80 : i32
        %add3A_395 = arith.addi %mul3A_243, %add3A_394 : i32
        %swap3A_396 = arith.constant 0 : i32
        %swap3A_397 = arith.constant 1 : i32
        %swap3A_398 = arith.index_cast %swap3A_396 : i32 to index
        %swap3A_399 = arith.index_cast %swap3A_397 : i32 to index
        %swap3A_400 = arith.index_cast %add3A_395 : i32 to index
        %swap3A_401 = tpu.vector_load %arg9[%swap3A_398, %swap3A_399, %swap3A_400] {strides = array<i32>} : memref<1x2x4096xf32, #tpu.memory_space<vmem>>, vector<16xf32>,
        tpu.vector_store %arg9[%swap3A_398, %swap3A_399, %swap3A_400], %unpack3A_299 {strides = array<i32>} : memref<1x2x4096xf32, #tpu.memory_space<vmem>>, vector<16xf32>,
        %add3A_402 = arith.constant 96 : i32
        %add3A_403 = arith.addi %mul3A_243, %add3A_402 : i32
        %swap3A_404 = arith.constant 0 : i32
        %swap3A_405 = arith.constant 0 : i32
        %swap3A_406 = arith.index_cast %swap3A_404 : i32 to index
        %swap3A_407 = arith.index_cast %swap3A_405 : i32 to index
        %swap3A_408 = arith.index_cast %add3A_403 : i32 to index
        %swap3A_409 = tpu.vector_load %arg9[%swap3A_406, %swap3A_407, %swap3A_408] {strides = array<i32>} : memref<1x2x4096xf32, #tpu.memory_space<vmem>>, vector<16xf32>,
        tpu.vector_store %arg9[%swap3A_406, %swap3A_407, %swap3A_408], %unpack3A_301 {strides = array<i32>} : memref<1x2x4096xf32, #tpu.memory_space<vmem>>, vector<16xf32>,
        %add3A_410 = arith.constant 96 : i32
        %add3A_411 = arith.addi %mul3A_243, %add3A_410 : i32
        %swap3A_412 = arith.constant 0 : i32
        %swap3A_413 = arith.constant 1 : i32
        %swap3A_414 = arith.index_cast %swap3A_412 : i32 to index
        %swap3A_415 = arith.index_cast %swap3A_413 : i32 to index
        %swap3A_416 = arith.index_cast %add3A_411 : i32 to index
        %swap3A_417 = tpu.vector_load %arg9[%swap3A_414, %swap3A_415, %swap3A_416] {strides = array<i32>} : memref<1x2x4096xf32, #tpu.memory_space<vmem>>, vector<16xf32>,
        tpu.vector_store %arg9[%swap3A_414, %swap3A_415, %swap3A_416], %unpack3A_302 {strides = array<i32>} : memref<1x2x4096xf32, #tpu.memory_space<vmem>>, vector<16xf32>,
        %add3A_418 = arith.constant 112 : i32
        %add3A_419 = arith.addi %mul3A_243, %add3A_418 : i32
        %swap3A_420 = arith.constant 0 : i32
        %swap3A_421 = arith.constant 0 : i32
        %swap3A_422 = arith.index_cast %swap3A_420 : i32 to index
        %swap3A_423 = arith.index_cast %swap3A_421 : i32 to index
        %swap3A_424 = arith.index_cast %add3A_419 : i32 to index
        %swap3A_425 = tpu.vector_load %arg9[%swap3A_422, %swap3A_423, %swap3A_424] {strides = array<i32>} : memref<1x2x4096xf32, #tpu.memory_space<vmem>>, vector<16xf32>,
        tpu.vector_store %arg9[%swap3A_422, %swap3A_423, %swap3A_424], %unpack3A_304 {strides = array<i32>} : memref<1x2x4096xf32, #tpu.memory_space<vmem>>, vector<16xf32>,
        %add3A_426 = arith.constant 112 : i32
        %add3A_427 = arith.addi %mul3A_243, %add3A_426 : i32
        %swap3A_428 = arith.constant 0 : i32
        %swap3A_429 = arith.constant 1 : i32
        %swap3A_430 = arith.index_cast %swap3A_428 : i32 to index
        %swap3A_431 = arith.index_cast %swap3A_429 : i32 to index
        %swap3A_432 = arith.index_cast %add3A_427 : i32 to index
        %swap3A_433 = tpu.vector_load %arg9[%swap3A_430, %swap3A_431, %swap3A_432] {strides = array<i32>} : memref<1x2x4096xf32, #tpu.memory_space<vmem>>, vector<16xf32>,
        tpu.vector_store %arg9[%swap3A_430, %swap3A_431, %swap3A_432], %unpack3A_305 {strides = array<i32>} : memref<1x2x4096xf32, #tpu.memory_space<vmem>>, vector<16xf32>,
      }
      %scan3A_195 = arith.constant 32 : i32
      %dma_start3A_196 = arith.constant 0 : i32
      %dma_start3A_197 = tpu.memref_slice %arg5[%mul3A_182, %mul3A_2, %dma_start3A_196] : memref<50x64x4096xf32, #tpu.memory_space<hbm>> -> memref<1x2x4096xf32, #tpu.memory_space<hbm>>
      %dma_start3A_198 = arith.constant 0 : i32
      %dma_start3A_199 = tpu.memref_slice %arg5[%mul3A_182, %mul3A_2, %dma_start3A_198] : memref<50x64x4096xf32, #tpu.memory_space<hbm>> -> memref<1x2x4096xf32, #tpu.memory_space<hbm>>
      tpu.enqueue_dma source(%arg9 : memref<1x2x4096xf32, #tpu.memory_space<vmem>>) target(%dma_start3A_199 : memref<1x2x4096xf32, #tpu.memory_space<hbm>>) target_semaphore(%arg17 : memref<!tpu.dma_semaphore, #tpu.memory_space<semaphore_mem>>)
      %add3A_200 = arith.constant 2 : i32
      %add3A_201 = arith.addi %mul3A_182, %add3A_200 : i32
      %lt3A = arith.constant 50 : i32
      %lt3A_202 = arith.cmpi slt, %add3A_201, %lt3A : i32
      %convert_element_type3A_203 = arith.extui %lt3A_202 : i1 to i32
      %cond3A_204 = arith.constant 0 : i32
      %cond3A_205 = arith.cmpi ne, %convert_element_type3A_203, %cond3A_204 : i32
      scf.if %cond3A_205 {
        %add3A_237 = arith.constant 2 : i32
        %add3A_238 = arith.addi %mul3A_182, %add3A_237 : i32
        %dma_start3A_239 = arith.constant 0 : i32
        %dma_start3A_240 = tpu.memref_slice %arg3[%add3A_238, %dma_start3A_239] : memref<50x4096xi32, #tpu.memory_space<hbm>> -> memref<1x4096xi32, #tpu.memory_space<hbm>>
        %dma_start3A_241 = tpu.memref_squeeze %dma_start3A_240 : memref<1x4096xi32, #tpu.memory_space<hbm>> -> memref<4096xi32, #tpu.memory_space<hbm>>
        %dma_start3A_242 = arith.constant 0 : i32
        %dma_start3A_243 = tpu.memref_slice %arg3[%add3A_238, %dma_start3A_242] : memref<50x4096xi32, #tpu.memory_space<hbm>> -> memref<1x4096xi32, #tpu.memory_space<hbm>>
        %dma_start3A_244 = tpu.memref_squeeze %dma_start3A_243 : memref<1x4096xi32, #tpu.memory_space<hbm>> -> memref<4096xi32, #tpu.memory_space<hbm>>
        tpu.enqueue_dma source(%dma_start3A_244 : memref<4096xi32, #tpu.memory_space<hbm>>) target(%arg7 : memref<4096xi32, #tpu.memory_space<vmem>>) target_semaphore(%arg15 : memref<!tpu.dma_semaphore, #tpu.memory_space<semaphore_mem>>)
      } else {
      }
      %mul3A_206 = arith.constant 2 : i32
      %mul3A_207 = arith.muli %mul3A_206, %add3A_180 : i32
      %add3A_208 = arith.constant 1 : i32
      %add3A_209 = arith.addi %mul3A_207, %add3A_208 : i32
      %dma_wait3A_210 = arith.constant 0 : i32
      %dma_wait3A_211 = tpu.memref_slice %arg3[%add3A_209, %dma_wait3A_210] : memref<50x4096xi32, #tpu.memory_space<hbm>> -> memref<1x4096xi32, #tpu.memory_space<hbm>>
      %dma_wait3A_212 = tpu.memref_squeeze %dma_wait3A_211 : memref<1x4096xi32, #tpu.memory_space<hbm>> -> memref<4096xi32, #tpu.memory_space<hbm>>
      %dma_wait3A_213 = arith.constant 0 : i32
      %dma_wait3A_214 = tpu.memref_slice %arg3[%add3A_209, %dma_wait3A_213] : memref<50x4096xi32, #tpu.memory_space<hbm>> -> memref<1x4096xi32, #tpu.memory_space<hbm>>
      %dma_wait3A_215 = tpu.memref_squeeze %dma_wait3A_214 : memref<1x4096xi32, #tpu.memory_space<hbm>> -> memref<4096xi32, #tpu.memory_space<hbm>>
      tpu.wait_dma2 semaphore(%arg16 : memref<!tpu.dma_semaphore, #tpu.memory_space<semaphore_mem>>) src(%dma_wait3A_215 : memref<4096xi32, #tpu.memory_space<hbm>>) dst(%arg8 : memref<4096xi32, #tpu.memory_space<vmem>>)
      %ge3A_216 = arith.constant 2 : i32
      %ge3A_217 = arith.cmpi sge, %add3A_209, %ge3A_216 : i32
      %convert_element_type3A_218 = arith.extui %ge3A_217 : i1 to i32
      %cond3A_219 = arith.constant 0 : i32
      %cond3A_220 = arith.cmpi ne, %convert_element_type3A_218, %cond3A_219 : i32
      scf.if %cond3A_220 {
        %dma_wait3A_237 = arith.constant 0 : i32
        %dma_wait3A_238 = tpu.memref_slice %arg5[%add3A_209, %mul3A_2, %dma_wait3A_237] : memref<50x64x4096xf32, #tpu.memory_space<hbm>> -> memref<1x2x4096xf32, #tpu.memory_space<hbm>>
        %dma_wait3A_239 = arith.constant 0 : i32
        %dma_wait3A_240 = tpu.memref_slice %arg5[%add3A_209, %mul3A_2, %dma_wait3A_239] : memref<50x64x4096xf32, #tpu.memory_space<hbm>> -> memref<1x2x4096xf32, #tpu.memory_space<hbm>>
        tpu.wait_dma2 semaphore(%arg18 : memref<!tpu.dma_semaphore, #tpu.memory_space<semaphore_mem>>) src(%arg10 : memref<1x2x4096xf32, #tpu.memory_space<vmem>>) dst(%dma_wait3A_240 : memref<1x2x4096xf32, #tpu.memory_space<hbm>>)
      } else {
      }
      %scan3A_221 = arith.constant 0 : i32
      %scan3A_222 = arith.constant 32 : i32
      %scan3A_223 = arith.addi %scan3A_221, %scan3A_222 : i32
      %scan3A_224 = arith.constant 1 : i32
      scf.for %scan3A_237 = %scan3A_221 to %scan3A_223 step %scan3A_224  : i32 {
        %mul3A_238 = arith.constant 1 : i32
        %mul3A_239 = arith.muli %scan3A_237, %mul3A_238 : i32
        %add3A_240 = arith.constant 0 : i32
        %add3A_241 = arith.addi %add3A_240, %mul3A_239 : i32
        %mul3A_242 = arith.constant 128 : i32
        %mul3A_243 = arith.muli %add3A_241, %mul3A_242 : i32
        %add3A_244 = arith.constant 0 : i32
        %add3A_245 = arith.addi %mul3A_243, %add3A_244 : i32
        %get3A_246 = arith.index_cast %add3A_245 : i32 to index
        %get3A_247 = tpu.vector_load %arg8[%get3A_246] {strides = array<i32>} : memref<4096xi32, #tpu.memory_space<vmem>>, vector<16xi32>,
        %add3A_248 = arith.constant 16 : i32
        %add3A_249 = arith.addi %mul3A_243, %add3A_248 : i32
        %get3A_250 = arith.index_cast %add3A_249 : i32 to index
        %get3A_251 = tpu.vector_load %arg8[%get3A_250] {strides = array<i32>} : memref<4096xi32, #tpu.memory_space<vmem>>, vector<16xi32>,
        %add3A_252 = arith.constant 32 : i32
        %add3A_253 = arith.addi %mul3A_243, %add3A_252 : i32
        %get3A_254 = arith.index_cast %add3A_253 : i32 to index
        %get3A_255 = tpu.vector_load %arg8[%get3A_254] {strides = array<i32>} : memref<4096xi32, #tpu.memory_space<vmem>>, vector<16xi32>,
        %add3A_256 = arith.constant 48 : i32
        %add3A_257 = arith.addi %mul3A_243, %add3A_256 : i32
        %get3A_258 = arith.index_cast %add3A_257 : i32 to index
        %get3A_259 = tpu.vector_load %arg8[%get3A_258] {strides = array<i32>} : memref<4096xi32, #tpu.memory_space<vmem>>, vector<16xi32>,
        %add3A_260 = arith.constant 64 : i32
        %add3A_261 = arith.addi %mul3A_243, %add3A_260 : i32
        %get3A_262 = arith.index_cast %add3A_261 : i32 to index
        %get3A_263 = tpu.vector_load %arg8[%get3A_262] {strides = array<i32>} : memref<4096xi32, #tpu.memory_space<vmem>>, vector<16xi32>,
        %add3A_264 = arith.constant 80 : i32
        %add3A_265 = arith.addi %mul3A_243, %add3A_264 : i32
        %get3A_266 = arith.index_cast %add3A_265 : i32 to index
        %get3A_267 = tpu.vector_load %arg8[%get3A_266] {strides = array<i32>} : memref<4096xi32, #tpu.memory_space<vmem>>, vector<16xi32>,
        %add3A_268 = arith.constant 96 : i32
        %add3A_269 = arith.addi %mul3A_243, %add3A_268 : i32
        %get3A_270 = arith.index_cast %add3A_269 : i32 to index
        %get3A_271 = tpu.vector_load %arg8[%get3A_270] {strides = array<i32>} : memref<4096xi32, #tpu.memory_space<vmem>>, vector<16xi32>,
        %add3A_272 = arith.constant 112 : i32
        %add3A_273 = arith.addi %mul3A_243, %add3A_272 : i32
        %get3A_274 = arith.index_cast %add3A_273 : i32 to index
        %get3A_275 = tpu.vector_load %arg8[%get3A_274] {strides = array<i32>} : memref<4096xi32, #tpu.memory_space<vmem>>, vector<16xi32>,
        %gather3A = tpu.vector_load_idx %arg6[%get3A_247] : memref<100000xf32, #tpu.memory_space<vmem>>[vector<16xi32>], vector<16xf32>,
        %gather3A_276 = tpu.vector_load_idx %arg6[%get3A_251] : memref<100000xf32, #tpu.memory_space<vmem>>[vector<16xi32>], vector<16xf32>,
        %gather3A_277 = tpu.vector_load_idx %arg6[%get3A_255] : memref<100000xf32, #tpu.memory_space<vmem>>[vector<16xi32>], vector<16xf32>,
        %gather3A_278 = tpu.vector_load_idx %arg6[%get3A_259] : memref<100000xf32, #tpu.memory_space<vmem>>[vector<16xi32>], vector<16xf32>,
        %gather3A_279 = tpu.vector_load_idx %arg6[%get3A_263] : memref<100000xf32, #tpu.memory_space<vmem>>[vector<16xi32>], vector<16xf32>,
        %gather3A_280 = tpu.vector_load_idx %arg6[%get3A_267] : memref<100000xf32, #tpu.memory_space<vmem>>[vector<16xi32>], vector<16xf32>,
        %gather3A_281 = tpu.vector_load_idx %arg6[%get3A_271] : memref<100000xf32, #tpu.memory_space<vmem>>[vector<16xi32>], vector<16xf32>,
        %gather3A_282 = tpu.vector_load_idx %arg6[%get3A_275] : memref<100000xf32, #tpu.memory_space<vmem>>[vector<16xi32>], vector<16xf32>,
        %bitcast3A_283 = vector.bitcast %gather3A : vector<16xf32> to vector<32xbf16>
        %unpack3A = tpu.unpack_subelements %bitcast3A_283, 0 {pack_format = #tpu.pack_format<interleaved>} : vector<32xbf16> -> vector<16xf32>
        %unpack3A_284 = tpu.unpack_subelements %bitcast3A_283, 1 {pack_format = #tpu.pack_format<interleaved>} : vector<32xbf16> -> vector<16xf32>
        %bitcast3A_285 = vector.bitcast %gather3A_276 : vector<16xf32> to vector<32xbf16>
        %unpack3A_286 = tpu.unpack_subelements %bitcast3A_285, 0 {pack_format = #tpu.pack_format<interleaved>} : vector<32xbf16> -> vector<16xf32>
        %unpack3A_287 = tpu.unpack_subelements %bitcast3A_285, 1 {pack_format = #tpu.pack_format<interleaved>} : vector<32xbf16> -> vector<16xf32>
        %bitcast3A_288 = vector.bitcast %gather3A_277 : vector<16xf32> to vector<32xbf16>
        %unpack3A_289 = tpu.unpack_subelements %bitcast3A_288, 0 {pack_format = #tpu.pack_format<interleaved>} : vector<32xbf16> -> vector<16xf32>
        %unpack3A_290 = tpu.unpack_subelements %bitcast3A_288, 1 {pack_format = #tpu.pack_format<interleaved>} : vector<32xbf16> -> vector<16xf32>
        %bitcast3A_291 = vector.bitcast %gather3A_278 : vector<16xf32> to vector<32xbf16>
        %unpack3A_292 = tpu.unpack_subelements %bitcast3A_291, 0 {pack_format = #tpu.pack_format<interleaved>} : vector<32xbf16> -> vector<16xf32>
        %unpack3A_293 = tpu.unpack_subelements %bitcast3A_291, 1 {pack_format = #tpu.pack_format<interleaved>} : vector<32xbf16> -> vector<16xf32>
        %bitcast3A_294 = vector.bitcast %gather3A_279 : vector<16xf32> to vector<32xbf16>
        %unpack3A_295 = tpu.unpack_subelements %bitcast3A_294, 0 {pack_format = #tpu.pack_format<interleaved>} : vector<32xbf16> -> vector<16xf32>
        %unpack3A_296 = tpu.unpack_subelements %bitcast3A_294, 1 {pack_format = #tpu.pack_format<interleaved>} : vector<32xbf16> -> vector<16xf32>
        %bitcast3A_297 = vector.bitcast %gather3A_280 : vector<16xf32> to vector<32xbf16>
        %unpack3A_298 = tpu.unpack_subelements %bitcast3A_297, 0 {pack_format = #tpu.pack_format<interleaved>} : vector<32xbf16> -> vector<16xf32>
        %unpack3A_299 = tpu.unpack_subelements %bitcast3A_297, 1 {pack_format = #tpu.pack_format<interleaved>} : vector<32xbf16> -> vector<16xf32>
        %bitcast3A_300 = vector.bitcast %gather3A_281 : vector<16xf32> to vector<32xbf16>
        %unpack3A_301 = tpu.unpack_subelements %bitcast3A_300, 0 {pack_format = #tpu.pack_format<interleaved>} : vector<32xbf16> -> vector<16xf32>
        %unpack3A_302 = tpu.unpack_subelements %bitcast3A_300, 1 {pack_format = #tpu.pack_format<interleaved>} : vector<32xbf16> -> vector<16xf32>
        %bitcast3A_303 = vector.bitcast %gather3A_282 : vector<16xf32> to vector<32xbf16>
        %unpack3A_304 = tpu.unpack_subelements %bitcast3A_303, 0 {pack_format = #tpu.pack_format<interleaved>} : vector<32xbf16> -> vector<16xf32>
        %unpack3A_305 = tpu.unpack_subelements %bitcast3A_303, 1 {pack_format = #tpu.pack_format<interleaved>} : vector<32xbf16> -> vector<16xf32>
        %add3A_306 = arith.constant 0 : i32
        %add3A_307 = arith.addi %mul3A_243, %add3A_306 : i32
        %swap3A_308 = arith.constant 0 : i32
        %swap3A_309 = arith.constant 0 : i32
        %swap3A_310 = arith.index_cast %swap3A_308 : i32 to index
        %swap3A_311 = arith.index_cast %swap3A_309 : i32 to index
        %swap3A_312 = arith.index_cast %add3A_307 : i32 to index
        %swap3A_313 = tpu.vector_load %arg10[%swap3A_310, %swap3A_311, %swap3A_312] {strides = array<i32>} : memref<1x2x4096xf32, #tpu.memory_space<vmem>>, vector<16xf32>,
        tpu.vector_store %arg10[%swap3A_310, %swap3A_311, %swap3A_312], %unpack3A {strides = array<i32>} : memref<1x2x4096xf32, #tpu.memory_space<vmem>>, vector<16xf32>,
        %add3A_314 = arith.constant 0 : i32
        %add3A_315 = arith.addi %mul3A_243, %add3A_314 : i32
        %swap3A_316 = arith.constant 0 : i32
        %swap3A_317 = arith.constant 1 : i32
        %swap3A_318 = arith.index_cast %swap3A_316 : i32 to index
        %swap3A_319 = arith.index_cast %swap3A_317 : i32 to index
        %swap3A_320 = arith.index_cast %add3A_315 : i32 to index
        %swap3A_321 = tpu.vector_load %arg10[%swap3A_318, %swap3A_319, %swap3A_320] {strides = array<i32>} : memref<1x2x4096xf32, #tpu.memory_space<vmem>>, vector<16xf32>,
        tpu.vector_store %arg10[%swap3A_318, %swap3A_319, %swap3A_320], %unpack3A_284 {strides = array<i32>} : memref<1x2x4096xf32, #tpu.memory_space<vmem>>, vector<16xf32>,
        %add3A_322 = arith.constant 16 : i32
        %add3A_323 = arith.addi %mul3A_243, %add3A_322 : i32
        %swap3A_324 = arith.constant 0 : i32
        %swap3A_325 = arith.constant 0 : i32
        %swap3A_326 = arith.index_cast %swap3A_324 : i32 to index
        %swap3A_327 = arith.index_cast %swap3A_325 : i32 to index
        %swap3A_328 = arith.index_cast %add3A_323 : i32 to index
        %swap3A_329 = tpu.vector_load %arg10[%swap3A_326, %swap3A_327, %swap3A_328] {strides = array<i32>} : memref<1x2x4096xf32, #tpu.memory_space<vmem>>, vector<16xf32>,
        tpu.vector_store %arg10[%swap3A_326, %swap3A_327, %swap3A_328], %unpack3A_286 {strides = array<i32>} : memref<1x2x4096xf32, #tpu.memory_space<vmem>>, vector<16xf32>,
        %add3A_330 = arith.constant 16 : i32
        %add3A_331 = arith.addi %mul3A_243, %add3A_330 : i32
        %swap3A_332 = arith.constant 0 : i32
        %swap3A_333 = arith.constant 1 : i32
        %swap3A_334 = arith.index_cast %swap3A_332 : i32 to index
        %swap3A_335 = arith.index_cast %swap3A_333 : i32 to index
        %swap3A_336 = arith.index_cast %add3A_331 : i32 to index
        %swap3A_337 = tpu.vector_load %arg10[%swap3A_334, %swap3A_335, %swap3A_336] {strides = array<i32>} : memref<1x2x4096xf32, #tpu.memory_space<vmem>>, vector<16xf32>,
        tpu.vector_store %arg10[%swap3A_334, %swap3A_335, %swap3A_336], %unpack3A_287 {strides = array<i32>} : memref<1x2x4096xf32, #tpu.memory_space<vmem>>, vector<16xf32>,
        %add3A_338 = arith.constant 32 : i32
        %add3A_339 = arith.addi %mul3A_243, %add3A_338 : i32
        %swap3A_340 = arith.constant 0 : i32
        %swap3A_341 = arith.constant 0 : i32
        %swap3A_342 = arith.index_cast %swap3A_340 : i32 to index
        %swap3A_343 = arith.index_cast %swap3A_341 : i32 to index
        %swap3A_344 = arith.index_cast %add3A_339 : i32 to index
        %swap3A_345 = tpu.vector_load %arg10[%swap3A_342, %swap3A_343, %swap3A_344] {strides = array<i32>} : memref<1x2x4096xf32, #tpu.memory_space<vmem>>, vector<16xf32>,
        tpu.vector_store %arg10[%swap3A_342, %swap3A_343, %swap3A_344], %unpack3A_289 {strides = array<i32>} : memref<1x2x4096xf32, #tpu.memory_space<vmem>>, vector<16xf32>,
        %add3A_346 = arith.constant 32 : i32
        %add3A_347 = arith.addi %mul3A_243, %add3A_346 : i32
        %swap3A_348 = arith.constant 0 : i32
        %swap3A_349 = arith.constant 1 : i32
        %swap3A_350 = arith.index_cast %swap3A_348 : i32 to index
        %swap3A_351 = arith.index_cast %swap3A_349 : i32 to index
        %swap3A_352 = arith.index_cast %add3A_347 : i32 to index
        %swap3A_353 = tpu.vector_load %arg10[%swap3A_350, %swap3A_351, %swap3A_352] {strides = array<i32>} : memref<1x2x4096xf32, #tpu.memory_space<vmem>>, vector<16xf32>,
        tpu.vector_store %arg10[%swap3A_350, %swap3A_351, %swap3A_352], %unpack3A_290 {strides = array<i32>} : memref<1x2x4096xf32, #tpu.memory_space<vmem>>, vector<16xf32>,
        %add3A_354 = arith.constant 48 : i32
        %add3A_355 = arith.addi %mul3A_243, %add3A_354 : i32
        %swap3A_356 = arith.constant 0 : i32
        %swap3A_357 = arith.constant 0 : i32
        %swap3A_358 = arith.index_cast %swap3A_356 : i32 to index
        %swap3A_359 = arith.index_cast %swap3A_357 : i32 to index
        %swap3A_360 = arith.index_cast %add3A_355 : i32 to index
        %swap3A_361 = tpu.vector_load %arg10[%swap3A_358, %swap3A_359, %swap3A_360] {strides = array<i32>} : memref<1x2x4096xf32, #tpu.memory_space<vmem>>, vector<16xf32>,
        tpu.vector_store %arg10[%swap3A_358, %swap3A_359, %swap3A_360], %unpack3A_292 {strides = array<i32>} : memref<1x2x4096xf32, #tpu.memory_space<vmem>>, vector<16xf32>,
        %add3A_362 = arith.constant 48 : i32
        %add3A_363 = arith.addi %mul3A_243, %add3A_362 : i32
        %swap3A_364 = arith.constant 0 : i32
        %swap3A_365 = arith.constant 1 : i32
        %swap3A_366 = arith.index_cast %swap3A_364 : i32 to index
        %swap3A_367 = arith.index_cast %swap3A_365 : i32 to index
        %swap3A_368 = arith.index_cast %add3A_363 : i32 to index
        %swap3A_369 = tpu.vector_load %arg10[%swap3A_366, %swap3A_367, %swap3A_368] {strides = array<i32>} : memref<1x2x4096xf32, #tpu.memory_space<vmem>>, vector<16xf32>,
        tpu.vector_store %arg10[%swap3A_366, %swap3A_367, %swap3A_368], %unpack3A_293 {strides = array<i32>} : memref<1x2x4096xf32, #tpu.memory_space<vmem>>, vector<16xf32>,
        %add3A_370 = arith.constant 64 : i32
        %add3A_371 = arith.addi %mul3A_243, %add3A_370 : i32
        %swap3A_372 = arith.constant 0 : i32
        %swap3A_373 = arith.constant 0 : i32
        %swap3A_374 = arith.index_cast %swap3A_372 : i32 to index
        %swap3A_375 = arith.index_cast %swap3A_373 : i32 to index
        %swap3A_376 = arith.index_cast %add3A_371 : i32 to index
        %swap3A_377 = tpu.vector_load %arg10[%swap3A_374, %swap3A_375, %swap3A_376] {strides = array<i32>} : memref<1x2x4096xf32, #tpu.memory_space<vmem>>, vector<16xf32>,
        tpu.vector_store %arg10[%swap3A_374, %swap3A_375, %swap3A_376], %unpack3A_295 {strides = array<i32>} : memref<1x2x4096xf32, #tpu.memory_space<vmem>>, vector<16xf32>,
        %add3A_378 = arith.constant 64 : i32
        %add3A_379 = arith.addi %mul3A_243, %add3A_378 : i32
        %swap3A_380 = arith.constant 0 : i32
        %swap3A_381 = arith.constant 1 : i32
        %swap3A_382 = arith.index_cast %swap3A_380 : i32 to index
        %swap3A_383 = arith.index_cast %swap3A_381 : i32 to index
        %swap3A_384 = arith.index_cast %add3A_379 : i32 to index
        %swap3A_385 = tpu.vector_load %arg10[%swap3A_382, %swap3A_383, %swap3A_384] {strides = array<i32>} : memref<1x2x4096xf32, #tpu.memory_space<vmem>>, vector<16xf32>,
        tpu.vector_store %arg10[%swap3A_382, %swap3A_383, %swap3A_384], %unpack3A_296 {strides = array<i32>} : memref<1x2x4096xf32, #tpu.memory_space<vmem>>, vector<16xf32>,
        %add3A_386 = arith.constant 80 : i32
        %add3A_387 = arith.addi %mul3A_243, %add3A_386 : i32
        %swap3A_388 = arith.constant 0 : i32
        %swap3A_389 = arith.constant 0 : i32
        %swap3A_390 = arith.index_cast %swap3A_388 : i32 to index
        %swap3A_391 = arith.index_cast %swap3A_389 : i32 to index
        %swap3A_392 = arith.index_cast %add3A_387 : i32 to index
        %swap3A_393 = tpu.vector_load %arg10[%swap3A_390, %swap3A_391, %swap3A_392] {strides = array<i32>} : memref<1x2x4096xf32, #tpu.memory_space<vmem>>, vector<16xf32>,
        tpu.vector_store %arg10[%swap3A_390, %swap3A_391, %swap3A_392], %unpack3A_298 {strides = array<i32>} : memref<1x2x4096xf32, #tpu.memory_space<vmem>>, vector<16xf32>,
        %add3A_394 = arith.constant 80 : i32
        %add3A_395 = arith.addi %mul3A_243, %add3A_394 : i32
        %swap3A_396 = arith.constant 0 : i32
        %swap3A_397 = arith.constant 1 : i32
        %swap3A_398 = arith.index_cast %swap3A_396 : i32 to index
        %swap3A_399 = arith.index_cast %swap3A_397 : i32 to index
        %swap3A_400 = arith.index_cast %add3A_395 : i32 to index
        %swap3A_401 = tpu.vector_load %arg10[%swap3A_398, %swap3A_399, %swap3A_400] {strides = array<i32>} : memref<1x2x4096xf32, #tpu.memory_space<vmem>>, vector<16xf32>,
        tpu.vector_store %arg10[%swap3A_398, %swap3A_399, %swap3A_400], %unpack3A_299 {strides = array<i32>} : memref<1x2x4096xf32, #tpu.memory_space<vmem>>, vector<16xf32>,
        %add3A_402 = arith.constant 96 : i32
        %add3A_403 = arith.addi %mul3A_243, %add3A_402 : i32
        %swap3A_404 = arith.constant 0 : i32
        %swap3A_405 = arith.constant 0 : i32
        %swap3A_406 = arith.index_cast %swap3A_404 : i32 to index
        %swap3A_407 = arith.index_cast %swap3A_405 : i32 to index
        %swap3A_408 = arith.index_cast %add3A_403 : i32 to index
        %swap3A_409 = tpu.vector_load %arg10[%swap3A_406, %swap3A_407, %swap3A_408] {strides = array<i32>} : memref<1x2x4096xf32, #tpu.memory_space<vmem>>, vector<16xf32>,
        tpu.vector_store %arg10[%swap3A_406, %swap3A_407, %swap3A_408], %unpack3A_301 {strides = array<i32>} : memref<1x2x4096xf32, #tpu.memory_space<vmem>>, vector<16xf32>,
        %add3A_410 = arith.constant 96 : i32
        %add3A_411 = arith.addi %mul3A_243, %add3A_410 : i32
        %swap3A_412 = arith.constant 0 : i32
        %swap3A_413 = arith.constant 1 : i32
        %swap3A_414 = arith.index_cast %swap3A_412 : i32 to index
        %swap3A_415 = arith.index_cast %swap3A_413 : i32 to index
        %swap3A_416 = arith.index_cast %add3A_411 : i32 to index
        %swap3A_417 = tpu.vector_load %arg10[%swap3A_414, %swap3A_415, %swap3A_416] {strides = array<i32>} : memref<1x2x4096xf32, #tpu.memory_space<vmem>>, vector<16xf32>,
        tpu.vector_store %arg10[%swap3A_414, %swap3A_415, %swap3A_416], %unpack3A_302 {strides = array<i32>} : memref<1x2x4096xf32, #tpu.memory_space<vmem>>, vector<16xf32>,
        %add3A_418 = arith.constant 112 : i32
        %add3A_419 = arith.addi %mul3A_243, %add3A_418 : i32
        %swap3A_420 = arith.constant 0 : i32
        %swap3A_421 = arith.constant 0 : i32
        %swap3A_422 = arith.index_cast %swap3A_420 : i32 to index
        %swap3A_423 = arith.index_cast %swap3A_421 : i32 to index
        %swap3A_424 = arith.index_cast %add3A_419 : i32 to index
        %swap3A_425 = tpu.vector_load %arg10[%swap3A_422, %swap3A_423, %swap3A_424] {strides = array<i32>} : memref<1x2x4096xf32, #tpu.memory_space<vmem>>, vector<16xf32>,
        tpu.vector_store %arg10[%swap3A_422, %swap3A_423, %swap3A_424], %unpack3A_304 {strides = array<i32>} : memref<1x2x4096xf32, #tpu.memory_space<vmem>>, vector<16xf32>,
        %add3A_426 = arith.constant 112 : i32
        %add3A_427 = arith.addi %mul3A_243, %add3A_426 : i32
        %swap3A_428 = arith.constant 0 : i32
        %swap3A_429 = arith.constant 1 : i32
        %swap3A_430 = arith.index_cast %swap3A_428 : i32 to index
        %swap3A_431 = arith.index_cast %swap3A_429 : i32 to index
        %swap3A_432 = arith.index_cast %add3A_427 : i32 to index
        %swap3A_433 = tpu.vector_load %arg10[%swap3A_430, %swap3A_431, %swap3A_432] {strides = array<i32>} : memref<1x2x4096xf32, #tpu.memory_space<vmem>>, vector<16xf32>,
        tpu.vector_store %arg10[%swap3A_430, %swap3A_431, %swap3A_432], %unpack3A_305 {strides = array<i32>} : memref<1x2x4096xf32, #tpu.memory_space<vmem>>, vector<16xf32>,
      }
      %scan3A_225 = arith.constant 32 : i32
      %dma_start3A_226 = arith.constant 0 : i32
      %dma_start3A_227 = tpu.memref_slice %arg5[%add3A_209, %mul3A_2, %dma_start3A_226] : memref<50x64x4096xf32, #tpu.memory_space<hbm>> -> memref<1x2x4096xf32, #tpu.memory_space<hbm>>
      %dma_start3A_228 = arith.constant 0 : i32
      %dma_start3A_229 = tpu.memref_slice %arg5[%add3A_209, %mul3A_2, %dma_start3A_228] : memref<50x64x4096xf32, #tpu.memory_space<hbm>> -> memref<1x2x4096xf32, #tpu.memory_space<hbm>>
      tpu.enqueue_dma source(%arg10 : memref<1x2x4096xf32, #tpu.memory_space<vmem>>) target(%dma_start3A_229 : memref<1x2x4096xf32, #tpu.memory_space<hbm>>) target_semaphore(%arg18 : memref<!tpu.dma_semaphore, #tpu.memory_space<semaphore_mem>>)
      %add3A_230 = arith.constant 2 : i32
      %add3A_231 = arith.addi %add3A_209, %add3A_230 : i32
      %lt3A_232 = arith.constant 50 : i32
      %lt3A_233 = arith.cmpi slt, %add3A_231, %lt3A_232 : i32
      %convert_element_type3A_234 = arith.extui %lt3A_233 : i1 to i32
      %cond3A_235 = arith.constant 0 : i32
      %cond3A_236 = arith.cmpi ne, %convert_element_type3A_234, %cond3A_235 : i32
      scf.if %cond3A_236 {
        %add3A_237 = arith.constant 2 : i32
        %add3A_238 = arith.addi %add3A_209, %add3A_237 : i32
        %dma_start3A_239 = arith.constant 0 : i32
        %dma_start3A_240 = tpu.memref_slice %arg3[%add3A_238, %dma_start3A_239] : memref<50x4096xi32, #tpu.memory_space<hbm>> -> memref<1x4096xi32, #tpu.memory_space<hbm>>
        %dma_start3A_241 = tpu.memref_squeeze %dma_start3A_240 : memref<1x4096xi32, #tpu.memory_space<hbm>> -> memref<4096xi32, #tpu.memory_space<hbm>>
        %dma_start3A_242 = arith.constant 0 : i32
        %dma_start3A_243 = tpu.memref_slice %arg3[%add3A_238, %dma_start3A_242] : memref<50x4096xi32, #tpu.memory_space<hbm>> -> memref<1x4096xi32, #tpu.memory_space<hbm>>
        %dma_start3A_244 = tpu.memref_squeeze %dma_start3A_243 : memref<1x4096xi32, #tpu.memory_space<hbm>> -> memref<4096xi32, #tpu.memory_space<hbm>>
        tpu.enqueue_dma source(%dma_start3A_244 : memref<4096xi32, #tpu.memory_space<hbm>>) target(%arg8 : memref<4096xi32, #tpu.memory_space<vmem>>) target_semaphore(%arg16 : memref<!tpu.dma_semaphore, #tpu.memory_space<semaphore_mem>>)
      } else {
      }
    }
    %scan3A_164 = arith.constant 25 : i32
    %dma_wait3A = arith.constant 48 : i32
    %dma_wait3A_165 = arith.constant 0 : i32
    %dma_wait3A_166 = tpu.memref_slice %arg5[%dma_wait3A, %mul3A_2, %dma_wait3A_165] : memref<50x64x4096xf32, #tpu.memory_space<hbm>> -> memref<1x2x4096xf32, #tpu.memory_space<hbm>>
    %dma_wait3A_167 = arith.constant 48 : i32
    %dma_wait3A_168 = arith.constant 0 : i32
    %dma_wait3A_169 = tpu.memref_slice %arg5[%dma_wait3A_167, %mul3A_2, %dma_wait3A_168] : memref<50x64x4096xf32, #tpu.memory_space<hbm>> -> memref<1x2x4096xf32, #tpu.memory_space<hbm>>
    tpu.wait_dma2 semaphore(%arg17 : memref<!tpu.dma_semaphore, #tpu.memory_space<semaphore_mem>>) src(%arg9 : memref<1x2x4096xf32, #tpu.memory_space<vmem>>) dst(%dma_wait3A_169 : memref<1x2x4096xf32, #tpu.memory_space<hbm>>)
    %dma_wait3A_170 = arith.constant 49 : i32
    %dma_wait3A_171 = arith.constant 0 : i32
    %dma_wait3A_172 = tpu.memref_slice %arg5[%dma_wait3A_170, %mul3A_2, %dma_wait3A_171] : memref<50x64x4096xf32, #tpu.memory_space<hbm>> -> memref<1x2x4096xf32, #tpu.memory_space<hbm>>
    %dma_wait3A_173 = arith.constant 49 : i32
    %dma_wait3A_174 = arith.constant 0 : i32
    %dma_wait3A_175 = tpu.memref_slice %arg5[%dma_wait3A_173, %mul3A_2, %dma_wait3A_174] : memref<50x64x4096xf32, #tpu.memory_space<hbm>> -> memref<1x2x4096xf32, #tpu.memory_space<hbm>>
    tpu.wait_dma2 semaphore(%arg18 : memref<!tpu.dma_semaphore, #tpu.memory_space<semaphore_mem>>) src(%arg10 : memref<1x2x4096xf32, #tpu.memory_space<vmem>>) dst(%dma_wait3A_175 : memref<1x2x4096xf32, #tpu.memory_space<hbm>>)
    return
  }
}

</mosaic_0001>

<sc_bundles>
// kernel: kernel.3.cloned.1.call-start
scs
__scs_entry_jumppad:
0x0: {  	(pc) =	sbr.rel $0x88, $3  }
0x1: {  	(tag) =	ssettag $0x0;
	lr =	simm.s32 $0x1  }
0x2: {  	[smem:$0x3F9F] =	sst lr;
	_ =	strace $0xD0000000  }
0x3: {  	_ = 	snop  }
0x4: {  	_ = 	snop  }
0x5: {  	_ = 	snop  }
0x6: {  	_ = 	snop  }
0x7: {  	_ = 	snop  }
__scs_overlays_trampoline_lowered:
0x8: {  	[smem:$0x3FAE] =	sst s0  }
0x9: {  	[smem:$0x3FAF] =	sst s1  }
0xa: {  	[smem:$0x3FB0] =	sst s2  }
0xb: {  	[smem:$0x3FB1] =	sst s3  }
0xc: {  	[smem:$0x3FB2] =	sst s4  }
0xd: {  	[smem:$0x3FB3] =	sst s5  }
0xe: {  	[smem:$0x3FB4] =	sst s6  }
0xf: {  	[smem:$0x3FB5] =	sst s7  }
0x10: {  	[smem:$0x3FB6] =	sst s8  }
0x11: {  	[smem:$0x3FB7] =	sst s9;
	s0 =	simm.s32 @!p0 $0x0  }
0x12: {  	s1 =	sld [smem:$0x3F9D];
	s0 =	simm.s32 @p0 $0x1  }
0x13: {  	[smem:$0x3FB8] =	sst s0;
	s0 =	simm.s32 @!p1 $0x0  }
0x14: {  	s2 =	sld [smem:$0x3F9C];
	s0 =	simm.s32 @p1 $0x1  }
0x15: {  	[smem:$0x3FB9] =	sst s0;
	s0 =	simm.s32 @!p2 $0x0  }
0x16: {  	s3 =	sld [smem:$0x3FDB];
	s0 =	simm.s32 @p2 $0x1  }
0x17: {  	s4 =	simm.s32 $0x1BF5;
	[smem:$0x3FBB] =	sst s0  }
0x18: {  	s0 =	sld [smem:$0x3F9E];
	_ =	swait.ge [sflag:s4], $0x0  }
0x19: {  	s7 =	sld [smem:$0x3F9F]  }
0x1a: {  	s8 =	sadd.s32 $0xFFFFE003, lr  }
0x1b: {  	s9 =	sadd.s32 $0xFFFFFEF7, lr;
	s5 =	simm.s32 $0xFFFFFFFF;
	p2 =	slt.u32 s8, $0xFFFFF086  }
0x1c: {  	p1 =	slt.u32 s9, $0xF7A;
	s5 =	simm.s32 @!p2 $0x0  }
0x1d: {  	s5 =	simm.s32 @p1 $0x1;
	p0 =	seq.s32 s7, s2  }
0x1e: {  	s7 =	smul.u32 @!p0 $0xF7A, s2;
	p2 =	seq.s32 @!p0 s5, $0x0  }
0x1f: {  	s9 =	smul.u32 $0xF7A, s1;
	s8 =	simm.s32 @!p0 $0x1BF5;
	p2 =	por !p2, p0  }
0x20: {  	[sflag:s8] =	ssyncset.s32 @!p0 $0xFFFFF086;
	s6 =	sadd.s32 @!p0 s3, s7;
	s7 =	simm.s32 @!p0 $0x108  }
0x21: {  	s3 =	sadd.s32 s3, s9;
	s6 =	sadd.s32 @!p0 $0x88, s6;
	s7 =	simm.s32 @p2 $0x1082  }
0x22: {  	[simem:s7], [sflag:s8] =	dma.local @!p0 [hbm:s6], $0xF7A  }
0x23: {  	s9 =	sor.u32 $0xD0000000, s2;
	s6 =	simm.s32 $0x108;
	_ =	swait.ge @!p0 [sflag:s8], $0x0  }
0x24: {  	s3 =	sadd.s32 $0x88, s3;
	s6 =	simm.s32 @!p1 $0x1082;
	[sflag:s4] =	ssyncset.s32 $0xFFFFF086  }
0x25: {  	[simem:s6], [sflag:s4] =	dma.local [hbm:s3], $0xF7A  }
0x26: {  	[smem:$0x3F9F] =	sst s1;
	(tag) =	ssettag s2;
	_ =	strace s9  }
0x27: {  	s1 =	sld [smem:$0x3FAF]  }
0x28: {  	s2 =	sld [smem:$0x3FB0]  }
0x29: {  	s4 =	sld [smem:$0x3FB2]  }
0x2a: {  	p0 =	seq.s32 s5, $0x0;
	s5 =	sld [smem:$0x3FB3]  }
0x2b: {  	s6 =	sld [smem:$0x3FB4]  }
0x2c: {  	s7 =	sld [smem:$0x3FB5]  }
0x2d: {  	s3 =	simm.s32 $0x108;
	s8 =	sld [smem:$0x3FB6]  }
0x2e: {  	s3 =	simm.s32 @!p0 $0x1082;
	s9 =	sld [smem:$0x3FB7]  }
0x2f: {  	lr =	sadd.s32 s0, s3;
	s0 =	sld [smem:$0x3FAE]  }
0x30: {  	s3 =	sld [smem:$0x3FB1]  }
0x31: {  	[smem:$0x3FBA] =	sst s10  }
0x32: {  	s10 =	sld [smem:$0x3FB8];
	_ =	sdelay $0x3  }
0x33: {  	p0 =	seq.s32 s10, $0x1;
	s10 =	sld [smem:$0x3FBA];
	_ =	sdelay $0x3  }
0x34: {  	[smem:$0x3FBA] =	sst s10  }
0x35: {  	s10 =	sld [smem:$0x3FB9];
	_ =	sdelay $0x3  }
0x36: {  	p1 =	seq.s32 s10, $0x1;
	s10 =	sld [smem:$0x3FBA];
	_ =	sdelay $0x3  }
0x37: {  	[smem:$0x3FBA] =	sst s10  }
0x38: {  	s10 =	sld [smem:$0x3FBB]  }
0x39: {  	_ = 	snop;
	(pc) =	sbr.ind lr, $3  }
0x3a: {  	_ = 	snop  }
0x3b: {  	_ = 	snop  }
0x3c: {  	p2 =	seq.s32 s10, $0x1;
	s10 =	sld [smem:$0x3FBA]  }
0x3d: {  	_ =	shalt  }
0x3e: {  	_ =	shalt  }
0x3f: {  	_ =	shalt  }
0x40: {  	_ =	shalt  }
0x41: {  	_ =	shalt  }
0x42: {  	_ =	shalt  }
0x43: {  	_ =	shalt  }
0x44: {  	_ =	shalt  }
0x45: {  	_ =	shalt  }
0x46: {  	_ =	shalt  }
0x47: {  	_ =	shalt  }
0x48: {  	_ =	shalt  }
0x49: {  	_ =	shalt  }
0x4a: {  	_ =	shalt  }
0x4b: {  	_ =	shalt  }
0x4c: {  	_ =	shalt  }
0x4d: {  	_ =	shalt  }
0x4e: {  	_ =	shalt  }
0x4f: {  	_ =	shalt  }
0x50: {  	_ =	shalt  }
0x51: {  	_ =	shalt  }
0x52: {  	_ =	shalt  }
0x53: {  	_ =	shalt  }
0x54: {  	_ =	shalt  }
0x55: {  	_ =	shalt  }
0x56: {  	_ =	shalt  }
0x57: {  	_ =	shalt  }
0x58: {  	_ =	shalt  }
0x59: {  	_ =	shalt  }
0x5a: {  	_ =	shalt  }
0x5b: {  	_ =	shalt  }
0x5c: {  	_ =	shalt  }
0x5d: {  	_ =	shalt  }
0x5e: {  	_ =	shalt  }
0x5f: {  	_ =	shalt  }
0x60: {  	_ =	shalt  }
0x61: {  	_ =	shalt  }
0x62: {  	_ =	shalt  }
0x63: {  	_ =	shalt  }
0x64: {  	_ =	shalt  }
0x65: {  	_ =	shalt  }
0x66: {  	_ =	shalt  }
0x67: {  	_ =	shalt  }
0x68: {  	_ =	shalt  }
0x69: {  	_ =	shalt  }
0x6a: {  	_ =	shalt  }
0x6b: {  	_ =	shalt  }
0x6c: {  	_ =	shalt  }
0x6d: {  	_ =	shalt  }
0x6e: {  	_ =	shalt  }
0x6f: {  	_ =	shalt  }
0x70: {  	_ =	shalt  }
0x71: {  	_ =	shalt  }
0x72: {  	_ =	shalt  }
0x73: {  	_ =	shalt  }
0x74: {  	_ =	shalt  }
0x75: {  	_ =	shalt  }
0x76: {  	_ =	shalt  }
0x77: {  	_ =	shalt  }
0x78: {  	_ =	shalt  }
0x79: {  	_ =	shalt  }
0x7a: {  	_ =	shalt  }
0x7b: {  	_ =	shalt  }
0x7c: {  	_ =	shalt  }
0x7d: {  	_ =	shalt  }
0x7e: {  	_ =	shalt  }
0x7f: {  	_ =	shalt  }
0x80: {  	_ =	shalt  }
0x81: {  	_ =	shalt  }
0x82: {  	_ =	shalt  }
0x83: {  	_ =	shalt  }
0x84: {  	_ =	shalt  }
0x85: {  	_ =	shalt  }
0x86: {  	_ =	shalt  }
0x87: {  	_ =	shalt  }
.Lfunc_end0:
.L_simem_size_0:
called_computation_lowered:
.L_overlay_start_0:
0x88: {  	s2 =	sld [smem:$0x3FD9]  }
0x89: {  	s3 =	sld [smem:$0x3FFE];
	_ =	sdelay $0x1  }
0x8a: {  	s1 =	srdreg.scid  }
0x8b: {  	s0 =	sand.u32 $0x1, s1  }
0x8c: {  	s17 =	sshll.u32 s0, $0xA;
	s2 =	sadd.s32 s3, s2  }
0x8d: {  	s2 =	sadd.s32 s2, s17  }
0x8e: {  	[smem:$0x3FC6] =	sst s2  }
0x8f: {  	_ = 	snop  }
0x90: {  	s2 =	sld [smem:$0x3FC9]  }
0x91: {  	s18 =	sld [smem:$0x3FC8]  }
0x92: {  	s4 =	sld [smem:$0x3FD0];
	(tm) =	ssettm $0x1  }
0x93: {  	s5 =	sld [smem:$0x3FFB];
	_ =	sdelay $0x3  }
0x94: {  	_ =	strace s5  }
0x95: {  	s5 =	sld [smem:$0x3FFC];
	_ =	sdelay $0x3  }
0x96: {  	_ =	strace s5  }
0x97: {  	s5 =	sld [smem:$0x3FFD];
	_ =	sdelay $0x3  }
0x98: {  	_ =	strace s5  }
0x99: {  	_ =	strace $0x8FFFFFFF  }
0x9a: {  	s19 =	sld [smem:$0x3FDB];
	_ =	sdelay $0x1  }
0x9b: {  	s6 =	simm.s32 $_scs_section_size  }
0x9c: {  	s7 =	simm.s32 $_size__tile_overlayer_lowered;
	s8 =	simm.s32 $_tile_overlayer_lowered  }
0x9d: {  	s22 =	simm.s32 $0x1BFF;
	s21 =	sshll.u32 s8, $0x1;
	s5 =	sadd.s32 s6, s19  }
0x9e: {  	s9 =	simm.s32 $0x0;
	s20 =	sshll.u32 s7, $0x1;
	s7 =	sadd.s32 s21, s5  }
0x9f: {  	[timem:s9], [sflag:s22] =	dma.local [hbm:s7], s20  }
0xa0: {  	_ =	swait.ge [sflag:s22], s20  }
0xa1: {  	s6 =	ssub.s32 $0x0, s20;
	[sflag:s22] =	ssyncset.done $0x0  }
0xa2: {  	[sflag:s22] =	ssyncadd.s32 s6;
	_ =	sdelay $0x1  }
0xa3: {  	s23 =	simm.s32 $0x1B8B  }
0xa4: {  	_ =	swait.ge [sflag:s23], $0x1  }
0xa5: {  	[sflag:s23] =	ssyncset.done $0x0  }
0xa6: {  	s25 =	simm.s32 $0x1B8E;
	s24 =	sld [smem:$0x3FFE];
	[sflag:s23] =	ssyncadd.s32 $0xFFFFFFFF  }
0xa7: {  	s26 =	simm.s32 $execute0_lowered;
	[smem:$0x3FD2] =	sst s25  }
0xa8: {  	s7 =	sshll.u32 s26, $0x1;
	_ =	strace $0x80000046;
	[dreg:$0x1] =	wrdreg $0xFFFFFFFF  }
0xa9: {  	s28 =	simm.s32 $_size_execute0_lowered;
	s5 =	sadd.s32 s5, s7;
	[dreg:$0x0] =	wrdreg $0x0  }
0xaa: {  	s7 =	sshll.u32 s28, $0x1;
	[dreg:$0x2] =	wrdreg s5  }
0xab: {  	[dreg:$0x3] =	wrdreg s7  }
0xac: {  	[dreg:$0x4] =	wrdreg $0xC0  }
0xad: {  	_ =	task [dreg:s9], $0x5FFFF  }
0xae: {  	[dreg:$0x1] =	wrdreg $0xFFFFFFFF  }
0xaf: {  	[dreg:$0x0] =	wrdreg $0x60  }
0xb0: {  	[dreg:$0x2] =	wrdreg s18  }
0xb1: {  	[dreg:$0x3] =	wrdreg s2  }
0xb2: {  	[dreg:$0x4] =	wrdreg s24  }
0xb3: {  	[dreg:$0x5] =	wrdreg s4  }
0xb4: {  	[dreg:$0x6] =	wrdreg $0x9  }
0xb5: {  	_ =	task.clear_ibuf [dreg:s9], $0x7FFFF;
	_ =	strace $0x90000046  }
0xb6: {  	s29 =	simm.s32 $0x9;
	_ =	strace $0x8000004A  }
0xb7: {  	_ =	swait.ge [sflag:s29], $0x1  }
0xb8: {  	[sflag:s29] =	ssyncadd.s32 $0xFFFFFFFF  }
0xb9: {  	_ =	strace $0x9000004A  }
0xba: {  	_ =	sfence  }
0xbb: {  	s30 =	sld [smem:$0x0];
	_ =	sdelay $0x2  }
0xbc: {  	s31 =	sshll.u32 s1, $0xD;
	s1 =	sshrl.u32 s1, $0x2  }
0xbd: {  	s3 =	sand.u32 $0x4000, s31;
	s1 =	sadd.s32 s1, s30  }
0xbe: {  	s0 =	sor.u32 s3, s0;
	s1 =	sshll.u32 s1, $0x11  }
0xbf: {  	s0 =	sor.u32 s1, s0  }
0xc0: {  	s0 =	sadd.s32 $0x8F2B, s0  }
0xc1: {  	[sflag:s0] =	ssyncadd.remote.s32 $0x1  }
0xc2: {  	_ =	sfence.sel $0xFFFF  }
0xc3: {  	[dreg:$0x0] =	wrdreg $0xFFFFFFFF;
	(pc) =	sbr.abs _section_cstart, $3  }
0xc4: {  	[dreg:$0x1] =	wrdreg $0xFFFFFFFF  }
0xc5: {  	_ =	task.clear_ibuf [dreg:s9], $0x2FFFF;
	_ =	strace $0x9FFFFFFF  }
0xc6: {  	(tm) =	ssettm $0x7FFFFFFF  }
0xc7: {  	_ =	shalt  }
tec
execute0_lowered:
.L_overlay_start_1:
0x0: {  	(tag) =	ssettag $0x1  }
0x1: {  	s1 =	rddreg [dreg:$0x0]  }
0x2: {  	s2 =	rddreg [dreg:$0x1];
	s0 =	srdreg.scid  }
0x3: {  	s7 =	stileid.u32;
	s3 =	rddreg [dreg:$0x2]  }
0x4: {  	s4 =	rddreg [dreg:$0x3];
	s18 =	simm.s32 $0x80;
	s19 =	simm.s32 $0x400  }
0x5: {  	s30 =	simm.s32 $0x1;
	s31 =	simm.s32 $0x100;
	s28 =	simm.s32 $0x1C700  }
0x6: {  	s0 =	sand.u32 $0x1, s0;
	s5 =	sshll.u32 s7, $0x9;
	s7 =	sshrl.u32 s7, $0x1  }
0x7: {  	s22 =	sadd.s32 $0x10, s2;
	s16 =	sadd.s32 $0x8000, s4;
	s6 =	sshll.u32 s0, $0x8  }
0x8: {  	s5 =	sand.u32 $0x200, s5;
	s9 =	sshll.u32 s7, $0xA;
	s0 =	ssub.s32 $0x2, s0  }
0x9: {  	s10 =	smul.u32 $0xC3800, s7;
	s15 =	sshll.u32 s7, $0xF;
	s7 =	simm.s32 $0x0  }
0xa: {  	s5 =	sor.u32 s6, s5;
	s6 =	simm.s32 $0x0;
	s20 =	sshrl.u32 s0, $0x1  }
0xb: {  	s8 =	sor.u32 $0x80, s5;
	[smem:$0x7FF] =	sst s6;
	s0 =	ssub.s32 s0, s20  }
0xc: {  	s21 =	sor.u32 s10, s5;
	s20 =	simm.s32 $0x18700;
	s9 =	sor.u32 s9, s8  }
0xd: {  	_ =	strace $0x80000047;
	s8 =	sor.u32 s10, s8;
	[dreg:$0x5] =	wrdreg s22  }
0xe: {  	s0 =	smax.u32 s0, $0x1;
	s9 =	sshrl.u32 s9, $0x3;
	s23 =	sadd.s32 $0x4000, s8  }
0xf: {  	s24 =	sshrl.u32 s8, $0x3;
	s26 =	sadd.s32 $0xC0000, s8;
	s11 =	sadd.s32 $0x8000, s8  }
0x10: {  	s12 =	sadd.s32 $0xC000, s8;
	[dreg:$0xb] =	wrdreg s0;
	s0 =	simm.s32 $0x2  }
0x11: {  	s3 =	sadd.s32 s9, s3;
	s9 =	sshrl.u32 s21, $0x3;
	s10 =	sshrl.u32 s23, $0x3  }
0x12: {  	s29 =	sshrl.u32 s26, $0x3;
	s21 =	simm.s32 $0x19700;
	s9 =	sadd.s32 s1, s9  }
.Ltmp0:
0x13: {  	s25 =	sadd.s32 s1, s10;
	[dreg:$0x6] =	wrdreg s9;
	(pc) =	sbr.rel .LBB2_1-.Ltmp0, $4  }
0x14: {  	s26 =	simm.s32 $0x6;
	s8 =	sadd.s32 s1, s29;
	[dreg:$0x8] =	wrdreg s25  }
0x15: {  	s23 =	simm.s32 $0x4;
	s3 =	sadd.s32 $0x400, s3;
	[dreg:$0x9] =	wrdreg s8  }
0x16: {  	s9 =	sadd.s32 s1, s24;
	[dreg:$0xa] =	wrdreg s3;
	s24 =	simm.s32 $0x1EF00  }
0x17: {  	s25 =	simm.s32 $0x5;
	s3 =	simm.s32 $0x1A700;
	[dreg:$0x7] =	wrdreg s9  }
.LBB2_21:
0x18: {  	s8 =	simm.s32 $0x3  }
0x19: {  	_ =	swait.ge [sflag:s8], $0x2000  }
0x1a: {  	[sflag:s8] =	ssyncset.done $0x0  }
0x1b: {  	[sflag:s8] =	ssyncadd.s32 $0xFFFFE000  }
0x1c: {  	_ =	swait.ge [sflag:s23], $0x2000  }
0x1d: {  	s7 =	sadd.s32 $0x1, s7;
	s29 =	rddreg [dreg:$0xb]  }
0x1e: {  	p0 =	sne.s32 s7, s29  }
.Ltmp1:
0x1f: {  	_ = 	snop;
	(pc) =	sbr.rel @!p0 .LBB2_22-.Ltmp1, $3  }
0x20: {  	_ =	sdelay $0x1  }
0x21: {  	[sflag:s23] =	ssyncset.done $0x0  }
0x22: {  	[sflag:s23] =	ssyncadd.s32 $0xFFFFE000  }
.LBB2_1:
0x23: {  	[tilespmem:s20], [sflag:$0x1] =	stream.strided.gather [hbm4b:s2+s18], $0x1000, s19, s18, $0x38;
	[tilespmem:$0x1FE00] =	vst v63  }
0x24: {  	s8 =	rddreg [dreg:$0x5]  }
0x25: {  	[tilespmem:s21], [sflag:$0x2] =	stream.strided.gather [hbm4b:s8+s18], $0x1000, s19, s18, $0x38;
	[tilespmem:$0x1FE00] =	vst v63  }
0x26: {  	_ =	strace $0x80000048  }
0x27: {  	s17 =	simm.s32 $0x7;
	s14 =	rddreg [dreg:$0x6]  }
0x28: {  	[tilespmem:s6], [sflag:$0x7] =	stream.strided.gather [hbm4b:s14+s18], $0x18700, s19, s18, $0x200038;
	[tilespmem:$0x1FE00] =	vst v63  }
0x29: {  	_ =	swait.ge [sflag:s17], $0x18700  }
0x2a: {  	[sflag:s17] =	ssyncset.done $0x0  }
0x2b: {  	[sflag:s17] =	ssyncadd.s32 $0xFFFE7900  }
0x2c: {  	_ =	strace $0x90000048  }
0x2d: {  	s9 =	simm.s32 $0x1E700;
	s22 =	rddreg [dreg:$0x7]  }
0x2e: {  	[tilespmem:s9], [sflag:$0x5] =	stream.strided.gather [hbm4b:s22+s18], $0x800, s19, s18, $0x38;
	[tilespmem:$0x1FE00] =	vst v63  }
0x2f: {  	s10 =	simm.s32 $0x0;
	s29 =	rddreg [dreg:$0x8]  }
0x30: {  	[tilespmem:s24], [sflag:$0x6] =	stream.strided.gather [hbm4b:s29+s18], $0x800, s19, s18, $0x38;
	[tilespmem:$0x1FE00] =	vst v63  }
0x31: {  	s8 =	simm.s32 $0x800;
	s9 =	simm.s32 $0x0;
	_ =	strace $0x80000049  }
.LBB2_2:
0x32: {  	_ =	swait.ge [sflag:s25], $0x800  }
0x33: {  	[sflag:s25] =	ssyncset.done $0x0  }
0x34: {  	v0 =	vmov s9;
	s14 =	simm.s32 $0x0;
	[sflag:s25] =	ssyncadd.s32 $0xFFFFF800  }
0x35: {  	v2 =	vld [tilespmem:s14+$0x1E740];
	_ =	sdelay $0x1  }
0x36: {  	v3 =	vld [tilespmem:s14+$0x1E710]  }
0x37: {  	v7 =	vld [tilespmem:s14+$0x1E700]  }
0x38: {  	v5 =	vld.idx.msk [tilespmem:v0+s14+$0x0 ss:$0x1], $0xffff  }
0x39: {  	v6 =	vsub.f32 $0.0e+00, v2  }
0x3a: {  	v4 =	vld.idx.msk [tilespmem:v0+s14+$0x10 ss:$0x1], $0xffff  }
0x3b: {  	v10 =	vld.idx.msk [tilespmem:v0+s14+$0x30 ss:$0x1], $0xffff;
	v6 =	vmin.f32 v2, v6  }
0x3c: {  	v8 =	vld.idx.msk [tilespmem:v0+s14+$0x20 ss:$0x1], $0xffff;
	v9 =	vsub.f32 $0.0e+00, v3;
	v6 =	vmul.f32 $1.442695020e+00, v6  }
0x3d: {  	v13 =	vsub.f32 $0.0e+00, v7;
	v12 =	vsub.f32 $0.0e+00, v5  }
0x3e: {  	v9 =	vmin.f32 v3, v9;
	(erf) = vpow2.f32 v6  }
0x3f: {  	v13 =	vmin.f32 v7, v13;
	v9 =	vmul.f32 $1.442695020e+00, v9;
	v12 =	vmin.f32 v5, v12  }
0x40: {  	v1 =	vld [tilespmem:s14+$0x1E730];
	v15 =	vsub.f32 $0.0e+00, v10;
	v6 =	vsub.f32 $0.0e+00, v4;
	v12 =	vmul.f32 $1.442695020e+00, v12  }
0x41: {  	v14 =	vsub.f32 $0.0e+00, v8;
	v13 =	vmul.f32 $1.442695020e+00, v13;
	(erf) = vpow2.f32 v9  }
0x42: {  	v16 =	vld [tilespmem:s14+$0x1E720];
	v6 =	vmin.f32 v4, v6;
	(erf) = vpow2.f32 v12;
	v12 =	vmin.f32 v10, v15  }
0x43: {  	v9 =	vmin.f32 v8, v14;
	v6 =	vmul.f32 $1.442695020e+00, v6;
	v12 =	vmul.f32 $1.442695020e+00, v12  }
0x44: {  	v9 =	vmul.f32 $1.442695020e+00, v9;
	(erf) = vpow2.f32 v13  }
0x45: {  	v11 =	vsub.f32 $0.0e+00, v1;
	(erf) = vpow2.f32 v6  }
0x46: {  	v19 =	vmax.f32 v7, $0.0e+00;
	v20 =	vmax.f32 v3, $0.0e+00;
	(erf) = vpow2.f32 v9  }
0x47: {  	v11 =	vmin.f32 v1, v11;
	v15 =	vld.idx.msk [tilespmem:v0+s14+$0x40 ss:$0x1], $0xffff;
	v13 =	vsub.f32 $0.0e+00, v16;
	(erf) = vpow2.f32 v12;
	v12 =	vpop (erf)  }
0x48: {  	v1 =	vmax.f32 v1, $0.0e+00;
	v6 =	vmul.f32 $1.442695020e+00, v11;
	v14 =	vmul.f32 $4.155156760e-02, v12  }
0x49: {  	v11 =	vmax.f32 v2, $0.0e+00;
	v2 =	vmin.f32 v16, v13;
	v9 =	vmax.f32 v4, $0.0e+00  }
0x4a: {  	v4 =	vmul.f32 $1.442695020e+00, v2;
	(erf) = vpow2.f32 v6;
	v6 =	vadd.f32 $-1.578400430e-01, v14  }
0x4b: {  	v17 =	vmax.f32 v8, $0.0e+00;
	v5 =	vmax.f32 v5, $0.0e+00;
	v2 =	vmax.f32 v10, $0.0e+00;
	v7 =	vpop (erf)  }
0x4c: {  	v8 =	vsub.f32 $0.0e+00, v15;
	(erf) = vpow2.f32 v4;
	v13 =	vpop (erf);
	v6 =	vmul.f32 v6, v12  }
0x4d: {  	v4 =	vld.idx.msk [tilespmem:v0+s14+$0x50 ss:$0x1], $0xffff;
	v14 =	vmax.f32 v16, $0.0e+00;
	v10 =	vmul.f32 $4.155156760e-02, v13;
	v16 =	vmul.f32 $4.155156760e-02, v7;
	v21 =	vpop (erf)  }
0x4e: {  	v3 =	vmin.f32 v15, v8;
	v8 =	vmul.f32 $4.155156760e-02, v21;
	v18 =	vpop (erf);
	v6 =	vadd.f32 $3.065628410e-01, v6  }
0x4f: {  	v10 =	vadd.f32 $-1.578400430e-01, v10;
	v16 =	vadd.f32 $-1.578400430e-01, v16;
	v23 =	vmul.f32 $4.155156760e-02, v18  }
0x50: {  	v3 =	vmul.f32 $1.442695020e+00, v3;
	v8 =	vadd.f32 $-1.578400430e-01, v8;
	v25 =	vmul.f32 v6, v12  }
0x51: {  	v22 =	vpop (erf);
	v6 =	vmul.f32 v10, v13;
	v10 =	vadd.f32 $-1.578400430e-01, v23;
	v23 =	vmul.f32 v16, v7  }
0x52: {  	v26 =	vsub.f32 $0.0e+00, v4;
	v24 =	vmul.f32 $4.155156760e-02, v22;
	v27 =	vmul.f32 v8, v21  }
0x53: {  	v16 =	vpop (erf);
	v31 =	vadd.f32 $3.065628410e-01, v6;
	v10 =	vmul.f32 v10, v18;
	v6 =	vadd.f32 $3.065628410e-01, v23  }
0x54: {  	v26 =	vmin.f32 v4, v26;
	v24 =	vadd.f32 $-1.578400430e-01, v24;
	v8 =	vpop (erf);
	(erf) = vpow2.f32 v3  }
0x55: {  	v26 =	vmul.f32 $1.442695020e+00, v26;
	v3 =	vld.idx.msk [tilespmem:v0+s14+$0x60 ss:$0x1], $0xffff;
	v28 =	vmul.f32 v6, v7;
	v10 =	vadd.f32 $3.065628410e-01, v10  }
0x56: {  	v23 =	vadd.f32 $3.065628410e-01, v27;
	v27 =	vmul.f32 $4.155156760e-02, v8;
	v29 =	vmul.f32 v24, v22  }
0x57: {  	v28 =	vadd.f32 $-4.970314500e-01, v28;
	v32 =	vmul.f32 v10, v18;
	v10 =	vmul.f32 $4.155156760e-02, v16  }
0x58: {  	v23 =	vmul.f32 v23, v21;
	v27 =	vadd.f32 $-1.578400430e-01, v27;
	v24 =	vpop (erf);
	v33 =	vadd.f32 $3.065628410e-01, v29  }
0x59: {  	v6 =	vld [tilespmem:s14+$0x1E750];
	v29 =	vmul.f32 $4.155156760e-02, v24;
	v28 =	vmul.f32 v28, v7;
	v10 =	vadd.f32 $-1.578400430e-01, v10  }
0x5a: {  	(erf) = vpow2.f32 v26;
	v23 =	vadd.f32 $-4.970314500e-01, v23;
	v26 =	vsub.f32 $0.0e+00, v3  }
0x5b: {  	v35 =	vadd.f32 $-1.578400430e-01, v29;
	v30 =	vadd.f32 $9.999450440e-01, v28;
	v34 =	vmul.f32 v10, v16  }
0x5c: {  	v23 =	vmul.f32 v23, v21;
	v28 =	vmul.f32 v27, v8;
	v27 =	vmin.f32 v3, v26  }
0x5d: {  	v7 =	vmul.f32 v30, v7;
	v30 =	vadd.f32 $-4.970314500e-01, v25;
	v25 =	vpop (erf);
	v26 =	vadd.f32 $3.065628410e-01, v34  }
0x5e: {  	v37 =	vsub.f32 $0.0e+00, v6;
	v10 =	vld [tilespmem:s14+$0x1E760];
	v29 =	vadd.f32 $9.999450440e-01, v23;
	v61 =	vmul.f32 $4.155156760e-02, v25  }
0x5f: {  	v23 =	vadd.f32 v7, v20;
	v7 =	vmul.f32 v35, v24;
	v20 =	vmul.f32 v26, v16  }
0x60: {  	v62 =	vmul.f32 v33, v22;
	v36 =	vadd.f32 $-4.970314500e-01, v32;
	v34 =	vadd.f32 $-1.578400430e-01, v61  }
0x61: {  	v32 =	vmul.f32 v31, v13;
	v37 =	vmin.f32 v6, v37;
	v63 =	vadd.f32 $3.065628410e-01, v7  }
0x62: {  	v26 =	vmul.f32 v36, v18;
	v33 =	vadd.f32 $-4.970314500e-01, v20;
	v34 =	vmul.f32 v34, v25  }
0x63: {  	s13 =	simm.s32 $0x200;
	v35 =	vadd.f32 $-4.970314500e-01, v62;
	v31 =	vsub.f32 $0.0e+00, v10;
	v7 =	vld.idx.msk [tilespmem:v0+s14+$0x70 ss:$0x1], $0xffff;
	v20 =	vpop (erf);
	v36 =	vmul.f32 v63, v24  }
.LBB2_3:
0x64: {  	p0 =	sne.s32 s13, $0x1E00;
	v33 =	vmul.f32 v33, v16;
	v34 =	vadd.f32 $3.065628410e-01, v34;
	v28 =	vadd.f32 $3.065628410e-01, v28;
	s17 =	smov.u32 s13;
	s13 =	sadd.s32 $0x200, s13  }
0x65: {  	v37 =	vmul.f32 $1.442695020e+00, v37;
	v35 =	vmul.f32 v35, v22;
	v36 =	vadd.f32 $-4.970314500e-01, v36  }
0x66: {  	v32 =	vadd.f32 $-4.970314500e-01, v32;
	v30 =	vmul.f32 v30, v12;
	v34 =	vmul.f32 v34, v25  }
0x67: {  	v31 =	vmin.f32 v10, v31;
	v35 =	vadd.f32 $9.999450440e-01, v35;
	v36 =	vmul.f32 v36, v24  }
0x68: {  	v29 =	vmul.f32 v29, v21;
	v28 =	vmul.f32 v28, v8;
	v34 =	vadd.f32 $-4.970314500e-01, v34  }
0x69: {  	v27 =	vmul.f32 $1.442695020e+00, v27;
	v21 =	vld [tilespmem:s14+$0x1E770];
	v22 =	vmul.f32 v35, v22;
	v35 =	vadd.f32 $9.999450440e-01, v36  }
0x6a: {  	v19 =	vadd.f32 v29, v19;
	v29 =	vmul.f32 $1.442695020e+00, v31;
	v34 =	vmul.f32 v34, v25  }
0x6b: {  	v15 =	vmax.f32 v15, $0.0e+00;
	v24 =	vmul.f32 v35, v24;
	(erf) = vpow2.f32 v37  }
0x6c: {  	v31 =	vadd.f32 $9.999450440e-01, v34;
	v34 =	vsub.f32 $0.0e+00, v7;
	(erf) = vpow2.f32 v29  }
0x6d: {  	v30 =	vadd.f32 $9.999450440e-01, v30;
	v29 =	vmul.f32 v32, v13;
	v32 =	vmul.f32 $4.155156760e-02, v20  }
0x6e: {  	v17 =	vadd.f32 v22, v17;
	v22 =	vmul.f32 v31, v25;
	(erf) = vpow2.f32 v27  }
0x6f: {  	v12 =	vmul.f32 v30, v12;
	v25 =	vadd.f32 $-1.578400430e-01, v32;
	v27 =	vsub.f32 $0.0e+00, v21  }
0x70: {  	v26 =	vadd.f32 $9.999450440e-01, v26;
	v15 =	vadd.f32 v22, v15;
	v22 =	vmin.f32 v7, v34  }
0x71: {  	v30 =	vadd.f32 $9.999450440e-01, v33;
	v14 =	vadd.f32 v24, v14;
	v24 =	vmin.f32 v21, v27  }
0x72: {  	v18 =	vmul.f32 v26, v18;
	v27 =	vadd.f32 $9.999450440e-01, v29;
	v24 =	vmul.f32 $1.442695020e+00, v24  }
0x73: {  	v11 =	vadd.f32 v12, v11;
	v12 =	vpack.i.f32.bf16 v14, v17;
	v26 =	vmul.f32 $1.442695020e+00, v22  }
0x74: {  	v14 =	vadd.f32 $-4.970314500e-01, v28;
	v13 =	vmul.f32 v27, v13;
	v17 =	vpop (erf);
	(erf) = vpow2.f32 v24  }
0x75: {  	v9 =	vadd.f32 v18, v9;
	v18 =	vmul.f32 v25, v20;
	(erf) = vpow2.f32 v26;
	v22 =	vpop (erf)  }
0x76: {  	v11 =	vpack.i.f32.bf16 v11, v15;
	v5 =	vadd.f32 v13, v5;
	v13 =	vmul.f32 $4.155156760e-02, v17  }
0x77: {  	v15 =	vmul.f32 v30, v16;
	v16 =	vadd.f32 $3.065628410e-01, v18;
	v18 =	vmul.f32 $4.155156760e-02, v22;
	v24 =	vpop (erf)  }
0x78: {  	v9 =	vpack.i.f32.bf16 v23, v9;
	v5 =	vpack.i.f32.bf16 v19, v5;
	v25 =	vmul.f32 $4.155156760e-02, v24  }
0x79: {  	v16 =	vmul.f32 v16, v20;
	v13 =	vadd.f32 $-1.578400430e-01, v13;
	v18 =	vadd.f32 $-1.578400430e-01, v18;
	[tilespmem:v0+s14+$0x0 ss:$0x1] =	vst.idx.msk $0xffff, v5  }
0x7a: {  	v4 =	vmax.f32 v4, $0.0e+00;
	v14 =	vmul.f32 v14, v8;
	v5 =	vadd.f32 $-1.578400430e-01, v25;
	[tilespmem:v0+s14+$0x10 ss:$0x1] =	vst.idx.msk $0xffff, v9  }
0x7b: {  	v13 =	vmul.f32 v13, v17;
	v9 =	vadd.f32 $-4.970314500e-01, v16;
	v18 =	vmul.f32 v18, v22;
	[tilespmem:v0+s14+$0x20 ss:$0x1] =	vst.idx.msk $0xffff, v12  }
0x7c: {  	v2 =	vadd.f32 v15, v2;
	v12 =	vadd.f32 $9.999450440e-01, v14;
	v5 =	vmul.f32 v5, v24  }
0x7d: {  	v13 =	vadd.f32 $3.065628410e-01, v13;
	v9 =	vmul.f32 v9, v20;
	v14 =	vadd.f32 $3.065628410e-01, v18;
	v15 =	vpop (erf)  }
0x7e: {  	v8 =	vmul.f32 v12, v8;
	v5 =	vadd.f32 $3.065628410e-01, v5;
	v12 =	vmul.f32 $4.155156760e-02, v15;
	v16 =	vpop (erf)  }
0x7f: {  	v13 =	vmul.f32 v13, v17;
	v9 =	vadd.f32 $9.999450440e-01, v9;
	v14 =	vmul.f32 v14, v22  }
0x80: {  	v18 =	vmul.f32 $4.155156760e-02, v16;
	v5 =	vmul.f32 v5, v24;
	v12 =	vadd.f32 $-1.578400430e-01, v12  }
0x81: {  	v1 =	vadd.f32 v8, v1;
	v9 =	vmul.f32 v9, v20;
	v8 =	vadd.f32 $-4.970314500e-01, v14  }
0x82: {  	v6 =	vmax.f32 v6, $0.0e+00;
	v14 =	vadd.f32 $-1.578400430e-01, v18;
	v5 =	vadd.f32 $-4.970314500e-01, v5  }
0x83: {  	v3 =	vmax.f32 v3, $0.0e+00;
	v4 =	vadd.f32 v9, v4;
	v9 =	vmul.f32 v12, v15  }
0x84: {  	v1 =	vpack.i.f32.bf16 v1, v2;
	v12 =	vadd.f32 $-4.970314500e-01, v13;
	v5 =	vmul.f32 v5, v24  }
0x85: {  	v8 =	vmul.f32 v8, v22;
	v2 =	vmul.f32 v14, v16;
	v9 =	vadd.f32 $3.065628410e-01, v9  }
0x86: {  	v12 =	vmul.f32 v12, v17;
	v5 =	vadd.f32 $9.999450440e-01, v5;
	[tilespmem:v0+s14+$0x30 ss:$0x1] =	vst.idx.msk $0xffff, v1  }
0x87: {  	v1 =	vadd.f32 $3.065628410e-01, v2;
	v2 =	vmax.f32 v10, $0.0e+00;
	v9 =	vmul.f32 v9, v15;
	[tilespmem:v0+s14+$0x40 ss:$0x1] =	vst.idx.msk $0xffff, v11  }
0x88: {  	v8 =	vadd.f32 $9.999450440e-01, v8;
	v10 =	vadd.f32 $9.999450440e-01, v12;
	v5 =	vmul.f32 v5, v24  }
0x89: {  	v1 =	vmul.f32 v1, v16;
	v9 =	vadd.f32 $-4.970314500e-01, v9  }
0x8a: {  	v8 =	vmul.f32 v8, v22;
	v3 =	vadd.f32 v5, v3;
	v5 =	vmul.f32 v10, v17  }
0x8b: {  	v1 =	vadd.f32 $-4.970314500e-01, v1;
	v9 =	vmul.f32 v9, v15  }
0x8c: {  	v2 =	vadd.f32 v8, v2;
	v5 =	vadd.f32 v5, v6  }
0x8d: {  	v1 =	vmul.f32 v1, v16;
	v6 =	vadd.f32 $9.999450440e-01, v9  }
0x8e: {  	v7 =	vmax.f32 v7, $0.0e+00;
	v2 =	vpack.i.f32.bf16 v2, v3;
	v4 =	vpack.i.f32.bf16 v5, v4  }
0x8f: {  	v3 =	vmax.f32 v21, $0.0e+00;
	v1 =	vadd.f32 $9.999450440e-01, v1;
	v5 =	vmul.f32 v6, v15;
	[tilespmem:v0+s14+$0x50 ss:$0x1] =	vst.idx.msk $0xffff, v4  }
0x90: {  	[tilespmem:v0+s14+$0x60 ss:$0x1] =	vst.idx.msk $0xffff, v2  }
0x91: {  	v1 =	vmul.f32 v1, v16;
	v2 =	vadd.f32 v5, v3;
	_ =	sdelay $0x1  }
0x92: {  	v1 =	vadd.f32 v1, v7;
	_ =	sdelay $0x1  }
0x93: {  	v1 =	vpack.i.f32.bf16 v2, v1  }
0x94: {  	[tilespmem:v0+s14+$0x70 ss:$0x1] =	vst.idx.msk $0xffff, v1;
	s14 =	sshra.s32 s17, $0x2  }
0x95: {  	v2 =	vld [tilespmem:s14+$0x1E740]  }
0x96: {  	v3 =	vld.idx.msk [tilespmem:v0+s14+$0x20 ss:$0x1], $0xffff  }
0x97: {  	v1 =	vld [tilespmem:s14+$0x1E730]  }
0x98: {  	v6 =	vld [tilespmem:s14+$0x1E710]  }
0x99: {  	v4 =	vld.idx.msk [tilespmem:v0+s14+$0x10 ss:$0x1], $0xffff  }
0x9a: {  	v5 =	vld.idx.msk [tilespmem:v0+s14+$0x0 ss:$0x1], $0xffff;
	v7 =	vsub.f32 $0.0e+00, v2  }
0x9b: {  	v8 =	vld [tilespmem:s14+$0x1E700]  }
0x9c: {  	v9 =	vsub.f32 $0.0e+00, v1;
	v7 =	vmin.f32 v2, v7  }
0x9d: {  	v10 =	vsub.f32 $0.0e+00, v6;
	v7 =	vmul.f32 $1.442695020e+00, v7  }
0x9e: {  	v13 =	vld.idx.msk [tilespmem:v0+s14+$0x30 ss:$0x1], $0xffff;
	v9 =	vmin.f32 v1, v9  }
0x9f: {  	v11 =	vsub.f32 $0.0e+00, v4;
	v10 =	vmin.f32 v6, v10;
	v9 =	vmul.f32 $1.442695020e+00, v9  }
0xa0: {  	v14 =	vsub.f32 $0.0e+00, v3;
	v12 =	vsub.f32 $0.0e+00, v5;
	(erf) = vpow2.f32 v7  }
0xa1: {  	v7 =	vmin.f32 v4, v11;
	v11 =	vsub.f32 $0.0e+00, v8;
	v10 =	vmul.f32 $1.442695020e+00, v10  }
0xa2: {  	v14 =	vmin.f32 v3, v14;
	v12 =	vmin.f32 v5, v12;
	v7 =	vmul.f32 $1.442695020e+00, v7  }
0xa3: {  	v14 =	vmul.f32 $1.442695020e+00, v14;
	v12 =	vmul.f32 $1.442695020e+00, v12;
	v11 =	vmin.f32 v8, v11  }
0xa4: {  	v15 =	vsub.f32 $0.0e+00, v13;
	v11 =	vmul.f32 $1.442695020e+00, v11;
	v16 =	vld [tilespmem:s14+$0x1E720];
	(erf) = vpow2.f32 v10  }
0xa5: {  	(erf) = vpow2.f32 v12  }
0xa6: {  	v10 =	vmin.f32 v13, v15;
	(erf) = vpow2.f32 v11  }
0xa7: {  	v10 =	vmul.f32 $1.442695020e+00, v10;
	(erf) = vpow2.f32 v7  }
0xa8: {  	v15 =	vld.idx.msk [tilespmem:v0+s14+$0x40 ss:$0x1], $0xffff;
	(erf) = vpow2.f32 v14  }
0xa9: {  	v1 =	vmax.f32 v1, $0.0e+00;
	v7 =	vsub.f32 $0.0e+00, v16;
	(erf) = vpow2.f32 v10;
	v12 =	vpop (erf)  }
0xaa: {  	v11 =	vmax.f32 v2, $0.0e+00;
	v10 =	vmul.f32 $4.155156760e-02, v12;
	(erf) = vpow2.f32 v9  }
0xab: {  	v5 =	vmax.f32 v5, $0.0e+00;
	v9 =	vmax.f32 v4, $0.0e+00;
	v2 =	vmin.f32 v16, v7  }
0xac: {  	v17 =	vmax.f32 v3, $0.0e+00;
	v4 =	vld.idx.msk [tilespmem:v0+s14+$0x50 ss:$0x1], $0xffff;
	v3 =	vmul.f32 $1.442695020e+00, v2;
	v7 =	vadd.f32 $-1.578400430e-01, v10  }
0xad: {  	v19 =	vmax.f32 v8, $0.0e+00;
	v14 =	vmax.f32 v16, $0.0e+00;
	v2 =	vmax.f32 v13, $0.0e+00;
	v20 =	vpop (erf)  }
0xae: {  	v8 =	vsub.f32 $0.0e+00, v15;
	v7 =	vmul.f32 v7, v12;
	v13 =	vpop (erf);
	(erf) = vpow2.f32 v3  }
0xaf: {  	v23 =	vmax.f32 v6, $0.0e+00;
	v10 =	vmul.f32 $4.155156760e-02, v20;
	v3 =	vmul.f32 $4.155156760e-02, v13;
	v21 =	vpop (erf)  }
0xb0: {  	v6 =	vmin.f32 v15, v8;
	v27 =	vmul.f32 $4.155156760e-02, v21;
	v7 =	vadd.f32 $3.065628410e-01, v7;
	v18 =	vpop (erf)  }
0xb1: {  	v10 =	vadd.f32 $-1.578400430e-01, v10;
	v3 =	vadd.f32 $-1.578400430e-01, v3;
	v24 =	vmul.f32 $4.155156760e-02, v18;
	v22 =	vpop (erf)  }
0xb2: {  	v25 =	vmul.f32 $4.155156760e-02, v22;
	v26 =	vadd.f32 $-1.578400430e-01, v27;
	v29 =	vmul.f32 v7, v12;
	v16 =	vpop (erf)  }
0xb3: {  	v10 =	vmul.f32 v10, v20;
	v7 =	vmul.f32 v3, v13;
	v24 =	vadd.f32 $-1.578400430e-01, v24;
	v8 =	vpop (erf)  }
0xb4: {  	v6 =	vmul.f32 $1.442695020e+00, v6;
	v27 =	vsub.f32 $0.0e+00, v4;
	v26 =	vmul.f32 v26, v21  }
0xb5: {  	v10 =	vadd.f32 $3.065628410e-01, v10;
	v3 =	vld.idx.msk [tilespmem:v0+s14+$0x60 ss:$0x1], $0xffff;
	v31 =	vadd.f32 $3.065628410e-01, v7;
	v7 =	vmul.f32 v24, v18  }
0xb6: {  	v28 =	vmul.f32 $4.155156760e-02, v8;
	v26 =	vadd.f32 $3.065628410e-01, v26;
	(erf) = vpow2.f32 v6  }
0xb7: {  	v25 =	vadd.f32 $-1.578400430e-01, v25;
	v27 =	vmin.f32 v4, v27;
	v10 =	vmul.f32 v10, v20;
	v24 =	vpop (erf)  }
0xb8: {  	v27 =	vmul.f32 $1.442695020e+00, v27;
	v7 =	vadd.f32 $3.065628410e-01, v7;
	v6 =	vld [tilespmem:s14+$0x1E750];
	v26 =	vmul.f32 v26, v21  }
0xb9: {  	v25 =	vmul.f32 v25, v22;
	v28 =	vadd.f32 $-1.578400430e-01, v28;
	v10 =	vadd.f32 $-4.970314500e-01, v10  }
0xba: {  	v32 =	vmul.f32 v7, v18;
	v7 =	vmul.f32 $4.155156760e-02, v16;
	v26 =	vadd.f32 $-4.970314500e-01, v26  }
0xbb: {  	v33 =	vadd.f32 $3.065628410e-01, v25;
	v10 =	vmul.f32 v10, v20;
	(erf) = vpow2.f32 v27  }
0xbc: {  	v36 =	vsub.f32 $0.0e+00, v3;
	v7 =	vadd.f32 $-1.578400430e-01, v7;
	v27 =	vmul.f32 $4.155156760e-02, v24  }
0xbd: {  	v28 =	vmul.f32 v28, v8;
	v30 =	vadd.f32 $9.999450440e-01, v10;
	v37 =	vsub.f32 $0.0e+00, v6  }
0xbe: {  	v26 =	vmul.f32 v26, v21;
	v34 =	vmul.f32 v7, v16;
	v35 =	vadd.f32 $-1.578400430e-01, v27;
	v10 =	vld [tilespmem:s14+$0x1E760]  }
0xbf: {  	v27 =	vmin.f32 v3, v36;
	v20 =	vmul.f32 v30, v20;
	v30 =	vadd.f32 $-4.970314500e-01, v29;
	v7 =	vld.idx.msk [tilespmem:v0+s14+$0x70 ss:$0x1], $0xffff;
	v25 =	vpop (erf)  }
0xc0: {  	v29 =	vadd.f32 $9.999450440e-01, v26;
	v34 =	vadd.f32 $3.065628410e-01, v34;
	v36 =	vmul.f32 $4.155156760e-02, v25  }
.Ltmp2:
0xc1: {  	v26 =	vadd.f32 $-4.970314500e-01, v32;
	v38 =	vmul.f32 v35, v24;
	v23 =	vadd.f32 v20, v23;
	(pc) =	sbr.rel @p0 .LBB2_3-.Ltmp2, $4  }
0xc2: {  	v35 =	vmul.f32 v33, v22;
	v33 =	vmul.f32 v34, v16;
	v34 =	vadd.f32 $-1.578400430e-01, v36  }
0xc3: {  	v32 =	vmul.f32 v31, v13;
	v26 =	vmul.f32 v26, v18;
	v36 =	vadd.f32 $3.065628410e-01, v38  }
0xc4: {  	v33 =	vadd.f32 $-4.970314500e-01, v33;
	v31 =	vsub.f32 $0.0e+00, v10;
	v34 =	vmul.f32 v34, v25;
	v20 =	vpop (erf)  }
0xc5: {  	v37 =	vmin.f32 v6, v37;
	v35 =	vadd.f32 $-4.970314500e-01, v35;
	v36 =	vmul.f32 v36, v24  }
0xc6: {  	v33 =	vmul.f32 v33, v16;
	v34 =	vadd.f32 $3.065628410e-01, v34;
	v28 =	vadd.f32 $3.065628410e-01, v28  }
0xc7: {  	v37 =	vmul.f32 $1.442695020e+00, v37;
	v32 =	vadd.f32 $-4.970314500e-01, v32;
	v30 =	vmul.f32 v30, v12  }
0xc8: {  	v21 =	vmul.f32 v29, v21;
	v31 =	vmin.f32 v10, v31;
	v27 =	vmul.f32 $1.442695020e+00, v27  }
0xc9: {  	v29 =	vld [tilespmem:s14+$0x1E770];
	v15 =	vmax.f32 v15, $0.0e+00;
	v53 =	vsub.f32 $0.0e+00, v7;
	v54 =	vmul.f32 $4.155156760e-02, v20  }
0xca: {  	v35 =	vmul.f32 v35, v22;
	v36 =	vadd.f32 $-4.970314500e-01, v36;
	v34 =	vmul.f32 v34, v25  }
0xcb: {  	v28 =	vmul.f32 v28, v8;
	v19 =	vadd.f32 v21, v19;
	v21 =	vmul.f32 $1.442695020e+00, v31  }
0xcc: {  	v26 =	vadd.f32 $9.999450440e-01, v26;
	(erf) = vpow2.f32 v37;
	v36 =	vmul.f32 v36, v24  }
0xcd: {  	v32 =	vmul.f32 v32, v13;
	v35 =	vadd.f32 $9.999450440e-01, v35;
	v34 =	vadd.f32 $-4.970314500e-01, v34  }
0xce: {  	(erf) = vpow2.f32 v21;
	v52 =	vadd.f32 $9.999450440e-01, v36;
	v21 =	vsub.f32 $0.0e+00, v29  }
0xcf: {  	v30 =	vadd.f32 $9.999450440e-01, v30;
	v22 =	vmul.f32 v35, v22;
	(erf) = vpow2.f32 v27  }
0xd0: {  	v34 =	vmul.f32 v34, v25;
	v24 =	vmul.f32 v52, v24;
	v21 =	vmin.f32 v29, v21  }
0xd1: {  	v17 =	vadd.f32 v22, v17;
	v22 =	vmin.f32 v7, v53;
	v21 =	vmul.f32 $1.442695020e+00, v21  }
0xd2: {  	v12 =	vmul.f32 v30, v12;
	v31 =	vadd.f32 $9.999450440e-01, v34;
	v22 =	vmul.f32 $1.442695020e+00, v22  }
0xd3: {  	v14 =	vadd.f32 v24, v14;
	(erf) = vpow2.f32 v21;
	v21 =	vadd.f32 $9.999450440e-01, v32  }
0xd4: {  	v25 =	vmul.f32 v31, v25;
	(erf) = vpow2.f32 v22;
	v22 =	vadd.f32 $9.999450440e-01, v33  }
0xd5: {  	v18 =	vmul.f32 v26, v18;
	v27 =	vadd.f32 $-1.578400430e-01, v54;
	v11 =	vadd.f32 v12, v11  }
0xd6: {  	v12 =	vpack.i.f32.bf16 v14, v17;
	v14 =	vadd.f32 $-4.970314500e-01, v28;
	v17 =	vpop (erf);
	v15 =	vadd.f32 v25, v15  }
0xd7: {  	v9 =	vadd.f32 v18, v9;
	v18 =	vmul.f32 v27, v20;
	v13 =	vmul.f32 v21, v13;
	v21 =	vpop (erf)  }
0xd8: {  	v14 =	vmul.f32 v14, v8;
	v11 =	vpack.i.f32.bf16 v11, v15;
	v15 =	vmul.f32 v22, v16;
	v22 =	vpop (erf)  }
0xd9: {  	v5 =	vadd.f32 v13, v5;
	v13 =	vmul.f32 $4.155156760e-02, v17;
	v24 =	vmul.f32 $4.155156760e-02, v22  }
0xda: {  	v4 =	vmax.f32 v4, $0.0e+00;
	v9 =	vpack.i.f32.bf16 v23, v9;
	v16 =	vadd.f32 $3.065628410e-01, v18  }
0xdb: {  	v18 =	vmul.f32 $4.155156760e-02, v21;
	v14 =	vadd.f32 $9.999450440e-01, v14;
	v13 =	vadd.f32 $-1.578400430e-01, v13  }
0xdc: {  	v5 =	vpack.i.f32.bf16 v19, v5;
	v16 =	vmul.f32 v16, v20;
	v2 =	vadd.f32 v15, v2;
	v23 =	vpop (erf)  }
0xdd: {  	v18 =	vadd.f32 $-1.578400430e-01, v18;
	v19 =	vadd.f32 $-1.578400430e-01, v24;
	v13 =	vmul.f32 v13, v17;
	v24 =	vpop (erf)  }
0xde: {  	v16 =	vadd.f32 $-4.970314500e-01, v16;
	v15 =	vmul.f32 $4.155156760e-02, v23;
	v25 =	vmul.f32 $4.155156760e-02, v24  }
0xdf: {  	v18 =	vmul.f32 v18, v21;
	v19 =	vmul.f32 v19, v22;
	v13 =	vadd.f32 $3.065628410e-01, v13  }
0xe0: {  	v16 =	vmul.f32 v16, v20;
	v15 =	vadd.f32 $-1.578400430e-01, v15;
	v25 =	vadd.f32 $-1.578400430e-01, v25  }
0xe1: {  	v8 =	vmul.f32 v14, v8;
	v18 =	vadd.f32 $3.065628410e-01, v18;
	v19 =	vadd.f32 $3.065628410e-01, v19  }
0xe2: {  	v14 =	vadd.f32 $9.999450440e-01, v16;
	v15 =	vmul.f32 v15, v23;
	v16 =	vmul.f32 v25, v24  }
0xe3: {  	v1 =	vadd.f32 v8, v1;
	v18 =	vmul.f32 v18, v21;
	v19 =	vmul.f32 v19, v22  }
0xe4: {  	v8 =	vmul.f32 v13, v17;
	v13 =	vadd.f32 $3.065628410e-01, v15;
	v15 =	vadd.f32 $3.065628410e-01, v16  }
0xe5: {  	v14 =	vmul.f32 v14, v20;
	v16 =	vadd.f32 $-4.970314500e-01, v18;
	v18 =	vadd.f32 $-4.970314500e-01, v19  }
0xe6: {  	v8 =	vadd.f32 $-4.970314500e-01, v8;
	v13 =	vmul.f32 v13, v23;
	v15 =	vmul.f32 v15, v24  }
0xe7: {  	v6 =	vmax.f32 v6, $0.0e+00;
	v4 =	vadd.f32 v14, v4;
	v14 =	vmul.f32 v18, v22  }
0xe8: {  	v8 =	vmul.f32 v8, v17;
	v13 =	vadd.f32 $-4.970314500e-01, v13;
	v15 =	vadd.f32 $-4.970314500e-01, v15  }
0xe9: {  	v3 =	vmax.f32 v3, $0.0e+00;
	v16 =	vmul.f32 v16, v21;
	v14 =	vadd.f32 $9.999450440e-01, v14  }
0xea: {  	[tilespmem:v0+s14+$0x0 ss:$0x1] =	vst.idx.msk $0xffff, v5;
	v5 =	vadd.f32 $9.999450440e-01, v8;
	v8 =	vmul.f32 v13, v23;
	v13 =	vmul.f32 v15, v24  }
0xeb: {  	[tilespmem:v0+s14+$0x10 ss:$0x1] =	vst.idx.msk $0xffff, v9;
	v1 =	vpack.i.f32.bf16 v1, v2;
	v9 =	vadd.f32 $9.999450440e-01, v16;
	v2 =	vmul.f32 v14, v22  }
0xec: {  	[tilespmem:v0+s14+$0x20 ss:$0x1] =	vst.idx.msk $0xffff, v12;
	v5 =	vmul.f32 v5, v17;
	v8 =	vadd.f32 $9.999450440e-01, v8;
	v12 =	vadd.f32 $9.999450440e-01, v13  }
0xed: {  	[tilespmem:v0+s14+$0x30 ss:$0x1] =	vst.idx.msk $0xffff, v1;
	v1 =	vmax.f32 v10, $0.0e+00;
	v2 =	vadd.f32 v2, v3;
	v3 =	vmul.f32 v9, v21  }
0xee: {  	v5 =	vadd.f32 v5, v6;
	v6 =	vmul.f32 v8, v23;
	v8 =	vmul.f32 v12, v24  }
0xef: {  	[tilespmem:v0+s14+$0x40 ss:$0x1] =	vst.idx.msk $0xffff, v11;
	v1 =	vadd.f32 v3, v1;
	v3 =	vmax.f32 v7, $0.0e+00;
	v7 =	vmax.f32 v29, $0.0e+00  }
0xf0: {  	s13 =	sshll.u32 s10, $0xF;
	p0 =	seq.s32 s10, $0x17;
	v4 =	vpack.i.f32.bf16 v5, v4;
	v5 =	vadd.f32 v6, v7;
	v3 =	vadd.f32 v8, v3  }
0xf1: {  	s17 =	sadd.s32 @!p0 s13, s11;
	[tilespmem:v0+s14+$0x50 ss:$0x1] =	vst.idx.msk $0xffff, v4;
	v1 =	vpack.i.f32.bf16 v1, v2  }
0xf2: {  	s29 =	simm.s32 @!p0 $0x400;
	s17 =	sshrl.u32 @!p0 s17, $0x3;
	[tilespmem:v0+s14+$0x60 ss:$0x1] =	vst.idx.msk $0xffff, v1;
	v1 =	vpack.i.f32.bf16 v5, v3  }
0xf3: {  	s22 =	simm.s32 @!p0 $0x1E700;
	s17 =	sadd.s32 @!p0 s1, s17;
	[tilespmem:v0+s14+$0x70 ss:$0x1] =	vst.idx.msk $0xffff, v1;
	s14 =	simm.s32 @!p0 $0x80  }
0xf4: {  	[tilespmem:s22], [sflag:$0x5] =	stream.strided.gather @!p0 [hbm4b:s17+s14], $0x800, s29, s14, $0x200038;
	[tilespmem:$0x1FE00] =	vst v63  }
0xf5: {  	_ =	swait.ge [sflag:s26], $0x800  }
0xf6: {  	v0 =	vmov s8;
	[sflag:s26] =	ssyncset.done $0x0  }
0xf7: {  	s14 =	simm.s32 $0x40;
	[sflag:s26] =	ssyncadd.s32 $0xFFFFF800  }
0xf8: {  	v2 =	vld [tilespmem:s14+$0x1EF00];
	_ =	sdelay $0x1  }
0xf9: {  	v3 =	vld [tilespmem:s14+$0x1EED0]  }
0xfa: {  	v5 =	vld.idx.msk [tilespmem:v0+s14+$0xFFFFFFC0 ss:$0x1], $0xffff  }
0xfb: {  	v7 =	vld [tilespmem:s14+$0x1EEC0]  }
0xfc: {  	v8 =	vld.idx.msk [tilespmem:v0+s14+$0xFFFFFFE0 ss:$0x1], $0xffff;
	v6 =	vsub.f32 $0.0e+00, v2  }
0xfd: {  	v4 =	vld.idx.msk [tilespmem:v0+s14+$0xFFFFFFD0 ss:$0x1], $0xffff  }
0xfe: {  	v10 =	vld.idx.msk [tilespmem:v0+s14+$0xFFFFFFF0 ss:$0x1], $0xffff;
	v6 =	vmin.f32 v2, v6  }
0xff: {  	v9 =	vsub.f32 $0.0e+00, v3;
	v6 =	vmul.f32 $1.442695020e+00, v6  }
0x100: {  	v12 =	vsub.f32 $0.0e+00, v5;
	v13 =	vsub.f32 $0.0e+00, v7  }
0x101: {  	v14 =	vsub.f32 $0.0e+00, v8;
	v9 =	vmin.f32 v3, v9;
	(erf) = vpow2.f32 v6  }
0x102: {  	v1 =	vld [tilespmem:s14+$0x1EEF0];
	v12 =	vmin.f32 v5, v12;
	v9 =	vmul.f32 $1.442695020e+00, v9;
	v6 =	vsub.f32 $0.0e+00, v4  }
0x103: {  	v15 =	vsub.f32 $0.0e+00, v10;
	v13 =	vmin.f32 v7, v13;
	v12 =	vmul.f32 $1.442695020e+00, v12  }
0x104: {  	v16 =	vld [tilespmem:s14+$0x1EEE0];
	v13 =	vmul.f32 $1.442695020e+00, v13;
	(erf) = vpow2.f32 v9;
	v6 =	vmin.f32 v4, v6  }
0x105: {  	(erf) = vpow2.f32 v12;
	v12 =	vmin.f32 v10, v15;
	v6 =	vmul.f32 $1.442695020e+00, v6  }
0x106: {  	v9 =	vmin.f32 v8, v14;
	(erf) = vpow2.f32 v13;
	v12 =	vmul.f32 $1.442695020e+00, v12  }
0x107: {  	v11 =	vsub.f32 $0.0e+00, v1;
	v9 =	vmul.f32 $1.442695020e+00, v9  }
0x108: {  	v15 =	vld.idx.msk [tilespmem:v0+s14+$0x0 ss:$0x1], $0xffff;
	(erf) = vpow2.f32 v6  }
0x109: {  	v11 =	vmin.f32 v1, v11;
	v13 =	vsub.f32 $0.0e+00, v16;
	(erf) = vpow2.f32 v9  }
0x10a: {  	v17 =	vmax.f32 v8, $0.0e+00;
	v6 =	vmul.f32 $1.442695020e+00, v11;
	(erf) = vpow2.f32 v12;
	v12 =	vpop (erf)  }
0x10b: {  	v11 =	vmax.f32 v2, $0.0e+00;
	v2 =	vmin.f32 v16, v13;
	v14 =	vmul.f32 $4.155156760e-02, v12  }
0x10c: {  	v19 =	vmax.f32 v7, $0.0e+00;
	v9 =	vmax.f32 v4, $0.0e+00;
	v4 =	vmul.f32 $1.442695020e+00, v2  }
0x10d: {  	v8 =	vsub.f32 $0.0e+00, v15;
	(erf) = vpow2.f32 v6;
	v7 =	vpop (erf);
	v6 =	vadd.f32 $-1.578400430e-01, v14  }
0x10e: {  	v20 =	vmax.f32 v3, $0.0e+00;
	v2 =	vmax.f32 v10, $0.0e+00;
	(erf) = vpow2.f32 v4;
	v4 =	vld.idx.msk [tilespmem:v0+s14+$0x10 ss:$0x1], $0xffff;
	v13 =	vpop (erf)  }
0x10f: {  	v3 =	vmin.f32 v15, v8;
	v10 =	vmul.f32 $4.155156760e-02, v13;
	v21 =	vpop (erf);
	v6 =	vmul.f32 v6, v12  }
0x110: {  	v14 =	vmax.f32 v16, $0.0e+00;
	v16 =	vmul.f32 $4.155156760e-02, v7;
	v8 =	vmul.f32 $4.155156760e-02, v21  }
0x111: {  	v3 =	vmul.f32 $1.442695020e+00, v3;
	v18 =	vpop (erf);
	v10 =	vadd.f32 $-1.578400430e-01, v10;
	v6 =	vadd.f32 $3.065628410e-01, v6  }
0x112: {  	v16 =	vadd.f32 $-1.578400430e-01, v16;
	v23 =	vmul.f32 $4.155156760e-02, v18;
	v22 =	vpop (erf);
	v8 =	vadd.f32 $-1.578400430e-01, v8  }
0x113: {  	v26 =	vsub.f32 $0.0e+00, v4;
	v24 =	vmul.f32 $4.155156760e-02, v22;
	v25 =	vmul.f32 v6, v12  }
0x114: {  	v6 =	vmul.f32 v10, v13;
	v10 =	vadd.f32 $-1.578400430e-01, v23;
	v23 =	vmul.f32 v16, v7  }
0x115: {  	v27 =	vmul.f32 v8, v21;
	v26 =	vmin.f32 v4, v26;
	v24 =	vadd.f32 $-1.578400430e-01, v24  }
0x116: {  	v16 =	vpop (erf);
	v31 =	vadd.f32 $3.065628410e-01, v6;
	v10 =	vmul.f32 v10, v18;
	v6 =	vadd.f32 $3.065628410e-01, v23  }
0x117: {  	v26 =	vmul.f32 $1.442695020e+00, v26;
	v8 =	vpop (erf);
	(erf) = vpow2.f32 v3;
	v23 =	vadd.f32 $3.065628410e-01, v27  }
0x118: {  	v3 =	vld.idx.msk [tilespmem:v0+s14+$0x20 ss:$0x1], $0xffff;
	v27 =	vmul.f32 $4.155156760e-02, v8;
	v28 =	vmul.f32 v6, v7;
	v10 =	vadd.f32 $3.065628410e-01, v10  }
0x119: {  	v1 =	vmax.f32 v1, $0.0e+00;
	v29 =	vmul.f32 v24, v22;
	v23 =	vmul.f32 v23, v21  }
0x11a: {  	v24 =	vpop (erf);
	v28 =	vadd.f32 $-4.970314500e-01, v28;
	v55 =	vmul.f32 v10, v18;
	v10 =	vmul.f32 $4.155156760e-02, v16  }
0x11b: {  	v27 =	vadd.f32 $-1.578400430e-01, v27;
	v56 =	vadd.f32 $3.065628410e-01, v29;
	v29 =	vmul.f32 $4.155156760e-02, v24  }
0x11c: {  	v23 =	vadd.f32 $-4.970314500e-01, v23;
	v28 =	vmul.f32 v28, v7;
	v10 =	vadd.f32 $-1.578400430e-01, v10  }
0x11d: {  	(erf) = vpow2.f32 v26;
	v26 =	vsub.f32 $0.0e+00, v3;
	v59 =	vadd.f32 $-1.578400430e-01, v29  }
0x11e: {  	v6 =	vld [tilespmem:s14+$0x1EF10];
	v23 =	vmul.f32 v23, v21;
	v30 =	vadd.f32 $9.999450440e-01, v28;
	v58 =	vmul.f32 v10, v16  }
0x11f: {  	v61 =	vadd.f32 $-4.970314500e-01, v55;
	v28 =	vmul.f32 v27, v8;
	v27 =	vmin.f32 v3, v26  }
0x120: {  	v7 =	vmul.f32 v30, v7;
	v30 =	vadd.f32 $-4.970314500e-01, v25;
	v25 =	vpop (erf);
	v26 =	vadd.f32 $3.065628410e-01, v58  }
0x121: {  	v62 =	vmul.f32 v56, v22;
	v10 =	vld [tilespmem:s14+$0x1EF20];
	v29 =	vadd.f32 $9.999450440e-01, v23;
	v60 =	vmul.f32 $4.155156760e-02, v25  }
0x122: {  	v23 =	vadd.f32 v7, v20;
	v7 =	vmul.f32 v59, v24;
	v20 =	vmul.f32 v26, v16  }
0x123: {  	v5 =	vmax.f32 v5, $0.0e+00;
	v57 =	vsub.f32 $0.0e+00, v6;
	v34 =	vadd.f32 $-1.578400430e-01, v60  }
0x124: {  	v32 =	vmul.f32 v31, v13;
	v35 =	vadd.f32 $-4.970314500e-01, v62;
	v63 =	vadd.f32 $3.065628410e-01, v7  }
0x125: {  	v37 =	vmin.f32 v6, v57;
	v33 =	vadd.f32 $-4.970314500e-01, v20;
	v34 =	vmul.f32 v34, v25  }
0x126: {  	s17 =	simm.s32 $0x300;
	v26 =	vmul.f32 v61, v18;
	v31 =	vsub.f32 $0.0e+00, v10;
	v7 =	vld.idx.msk [tilespmem:v0+s14+$0x30 ss:$0x1], $0xffff;
	v20 =	vpop (erf);
	v36 =	vmul.f32 v63, v24  }
.LBB2_5:
0x127: {  	p1 =	sne.s32 s17, $0x1F00;
	v33 =	vmul.f32 v33, v16;
	v34 =	vadd.f32 $3.065628410e-01, v34;
	v28 =	vadd.f32 $3.065628410e-01, v28;
	s29 =	smov.u32 s17;
	s17 =	sadd.s32 $0x200, s17  }
0x128: {  	v37 =	vmul.f32 $1.442695020e+00, v37;
	v35 =	vmul.f32 v35, v22;
	v36 =	vadd.f32 $-4.970314500e-01, v36  }
0x129: {  	v32 =	vadd.f32 $-4.970314500e-01, v32;
	v30 =	vmul.f32 v30, v12;
	v34 =	vmul.f32 v34, v25  }
0x12a: {  	v31 =	vmin.f32 v10, v31;
	v35 =	vadd.f32 $9.999450440e-01, v35;
	v36 =	vmul.f32 v36, v24  }
0x12b: {  	v29 =	vmul.f32 v29, v21;
	v28 =	vmul.f32 v28, v8;
	v34 =	vadd.f32 $-4.970314500e-01, v34  }
0x12c: {  	v27 =	vmul.f32 $1.442695020e+00, v27;
	v21 =	vld [tilespmem:s14+$0x1EF30];
	v22 =	vmul.f32 v35, v22;
	v35 =	vadd.f32 $9.999450440e-01, v36  }
0x12d: {  	v19 =	vadd.f32 v29, v19;
	v29 =	vmul.f32 $1.442695020e+00, v31;
	v34 =	vmul.f32 v34, v25  }
0x12e: {  	v15 =	vmax.f32 v15, $0.0e+00;
	v24 =	vmul.f32 v35, v24;
	(erf) = vpow2.f32 v37  }
0x12f: {  	v31 =	vadd.f32 $9.999450440e-01, v34;
	v34 =	vsub.f32 $0.0e+00, v7;
	(erf) = vpow2.f32 v29  }
0x130: {  	v30 =	vadd.f32 $9.999450440e-01, v30;
	v29 =	vmul.f32 v32, v13;
	v32 =	vmul.f32 $4.155156760e-02, v20  }
0x131: {  	v17 =	vadd.f32 v22, v17;
	v22 =	vmul.f32 v31, v25;
	(erf) = vpow2.f32 v27  }
0x132: {  	v12 =	vmul.f32 v30, v12;
	v25 =	vadd.f32 $-1.578400430e-01, v32;
	v27 =	vsub.f32 $0.0e+00, v21  }
0x133: {  	v26 =	vadd.f32 $9.999450440e-01, v26;
	v15 =	vadd.f32 v22, v15;
	v22 =	vmin.f32 v7, v34  }
0x134: {  	v30 =	vadd.f32 $9.999450440e-01, v33;
	v14 =	vadd.f32 v24, v14;
	v24 =	vmin.f32 v21, v27  }
0x135: {  	v18 =	vmul.f32 v26, v18;
	v27 =	vadd.f32 $9.999450440e-01, v29;
	v24 =	vmul.f32 $1.442695020e+00, v24  }
0x136: {  	v11 =	vadd.f32 v12, v11;
	v12 =	vpack.i.f32.bf16 v14, v17;
	v26 =	vmul.f32 $1.442695020e+00, v22  }
0x137: {  	v14 =	vadd.f32 $-4.970314500e-01, v28;
	v13 =	vmul.f32 v27, v13;
	v17 =	vpop (erf);
	(erf) = vpow2.f32 v24  }
0x138: {  	v9 =	vadd.f32 v18, v9;
	v18 =	vmul.f32 v25, v20;
	(erf) = vpow2.f32 v26;
	v22 =	vpop (erf)  }
0x139: {  	v11 =	vpack.i.f32.bf16 v11, v15;
	v5 =	vadd.f32 v13, v5;
	v13 =	vmul.f32 $4.155156760e-02, v17  }
0x13a: {  	v15 =	vmul.f32 v30, v16;
	v16 =	vadd.f32 $3.065628410e-01, v18;
	v18 =	vmul.f32 $4.155156760e-02, v22;
	v24 =	vpop (erf)  }
0x13b: {  	v9 =	vpack.i.f32.bf16 v23, v9;
	v5 =	vpack.i.f32.bf16 v19, v5;
	v25 =	vmul.f32 $4.155156760e-02, v24  }
0x13c: {  	v16 =	vmul.f32 v16, v20;
	v13 =	vadd.f32 $-1.578400430e-01, v13;
	v18 =	vadd.f32 $-1.578400430e-01, v18;
	[tilespmem:v0+s14+$0xFFFFFFC0 ss:$0x1] =	vst.idx.msk $0xffff, v5  }
0x13d: {  	v4 =	vmax.f32 v4, $0.0e+00;
	v14 =	vmul.f32 v14, v8;
	v5 =	vadd.f32 $-1.578400430e-01, v25;
	[tilespmem:v0+s14+$0xFFFFFFD0 ss:$0x1] =	vst.idx.msk $0xffff, v9  }
0x13e: {  	v13 =	vmul.f32 v13, v17;
	v9 =	vadd.f32 $-4.970314500e-01, v16;
	v18 =	vmul.f32 v18, v22;
	[tilespmem:v0+s14+$0xFFFFFFE0 ss:$0x1] =	vst.idx.msk $0xffff, v12  }
0x13f: {  	v2 =	vadd.f32 v15, v2;
	v12 =	vadd.f32 $9.999450440e-01, v14;
	v5 =	vmul.f32 v5, v24  }
0x140: {  	v13 =	vadd.f32 $3.065628410e-01, v13;
	v9 =	vmul.f32 v9, v20;
	v14 =	vadd.f32 $3.065628410e-01, v18;
	v15 =	vpop (erf)  }
0x141: {  	v8 =	vmul.f32 v12, v8;
	v5 =	vadd.f32 $3.065628410e-01, v5;
	v12 =	vmul.f32 $4.155156760e-02, v15;
	v16 =	vpop (erf)  }
0x142: {  	v13 =	vmul.f32 v13, v17;
	v9 =	vadd.f32 $9.999450440e-01, v9;
	v14 =	vmul.f32 v14, v22  }
0x143: {  	v18 =	vmul.f32 $4.155156760e-02, v16;
	v5 =	vmul.f32 v5, v24;
	v12 =	vadd.f32 $-1.578400430e-01, v12  }
0x144: {  	v1 =	vadd.f32 v8, v1;
	v9 =	vmul.f32 v9, v20;
	v8 =	vadd.f32 $-4.970314500e-01, v14  }
0x145: {  	v6 =	vmax.f32 v6, $0.0e+00;
	v14 =	vadd.f32 $-1.578400430e-01, v18;
	v5 =	vadd.f32 $-4.970314500e-01, v5  }
0x146: {  	v3 =	vmax.f32 v3, $0.0e+00;
	v4 =	vadd.f32 v9, v4;
	v9 =	vmul.f32 v12, v15  }
0x147: {  	v1 =	vpack.i.f32.bf16 v1, v2;
	v12 =	vadd.f32 $-4.970314500e-01, v13;
	v5 =	vmul.f32 v5, v24  }
0x148: {  	v8 =	vmul.f32 v8, v22;
	v2 =	vmul.f32 v14, v16;
	v9 =	vadd.f32 $3.065628410e-01, v9  }
0x149: {  	v12 =	vmul.f32 v12, v17;
	v5 =	vadd.f32 $9.999450440e-01, v5;
	[tilespmem:v0+s14+$0xFFFFFFF0 ss:$0x1] =	vst.idx.msk $0xffff, v1  }
0x14a: {  	v1 =	vadd.f32 $3.065628410e-01, v2;
	v2 =	vmax.f32 v10, $0.0e+00;
	v9 =	vmul.f32 v9, v15;
	[tilespmem:v0+s14+$0x0 ss:$0x1] =	vst.idx.msk $0xffff, v11  }
0x14b: {  	v8 =	vadd.f32 $9.999450440e-01, v8;
	v10 =	vadd.f32 $9.999450440e-01, v12;
	v5 =	vmul.f32 v5, v24  }
0x14c: {  	v1 =	vmul.f32 v1, v16;
	v9 =	vadd.f32 $-4.970314500e-01, v9  }
0x14d: {  	v8 =	vmul.f32 v8, v22;
	v3 =	vadd.f32 v5, v3;
	v5 =	vmul.f32 v10, v17  }
0x14e: {  	v1 =	vadd.f32 $-4.970314500e-01, v1;
	v9 =	vmul.f32 v9, v15  }
0x14f: {  	v2 =	vadd.f32 v8, v2;
	v5 =	vadd.f32 v5, v6  }
0x150: {  	v1 =	vmul.f32 v1, v16;
	v6 =	vadd.f32 $9.999450440e-01, v9  }
0x151: {  	v7 =	vmax.f32 v7, $0.0e+00;
	v2 =	vpack.i.f32.bf16 v2, v3;
	v4 =	vpack.i.f32.bf16 v5, v4  }
0x152: {  	v3 =	vmax.f32 v21, $0.0e+00;
	v1 =	vadd.f32 $9.999450440e-01, v1;
	v5 =	vmul.f32 v6, v15;
	[tilespmem:v0+s14+$0x10 ss:$0x1] =	vst.idx.msk $0xffff, v4  }
0x153: {  	[tilespmem:v0+s14+$0x20 ss:$0x1] =	vst.idx.msk $0xffff, v2  }
0x154: {  	v1 =	vmul.f32 v1, v16;
	v2 =	vadd.f32 v5, v3;
	_ =	sdelay $0x1  }
0x155: {  	v1 =	vadd.f32 v1, v7;
	_ =	sdelay $0x1  }
0x156: {  	v1 =	vpack.i.f32.bf16 v2, v1  }
0x157: {  	[tilespmem:v0+s14+$0x30 ss:$0x1] =	vst.idx.msk $0xffff, v1;
	s14 =	sshra.s32 s29, $0x2  }
0x158: {  	v2 =	vld [tilespmem:s14+$0x1EF00]  }
0x159: {  	v3 =	vld.idx.msk [tilespmem:v0+s14+$0xFFFFFFE0 ss:$0x1], $0xffff  }
0x15a: {  	v1 =	vld [tilespmem:s14+$0x1EEF0]  }
0x15b: {  	v6 =	vld [tilespmem:s14+$0x1EED0]  }
0x15c: {  	v4 =	vld.idx.msk [tilespmem:v0+s14+$0xFFFFFFD0 ss:$0x1], $0xffff  }
0x15d: {  	v5 =	vld.idx.msk [tilespmem:v0+s14+$0xFFFFFFC0 ss:$0x1], $0xffff;
	v7 =	vsub.f32 $0.0e+00, v2  }
0x15e: {  	v8 =	vld [tilespmem:s14+$0x1EEC0]  }
0x15f: {  	v9 =	vsub.f32 $0.0e+00, v1;
	v7 =	vmin.f32 v2, v7  }
0x160: {  	v10 =	vsub.f32 $0.0e+00, v6;
	v7 =	vmul.f32 $1.442695020e+00, v7  }
0x161: {  	v13 =	vld.idx.msk [tilespmem:v0+s14+$0xFFFFFFF0 ss:$0x1], $0xffff;
	v9 =	vmin.f32 v1, v9  }
0x162: {  	v11 =	vsub.f32 $0.0e+00, v4;
	v10 =	vmin.f32 v6, v10;
	v9 =	vmul.f32 $1.442695020e+00, v9  }
0x163: {  	v14 =	vsub.f32 $0.0e+00, v3;
	v12 =	vsub.f32 $0.0e+00, v5;
	(erf) = vpow2.f32 v7  }
0x164: {  	v7 =	vmin.f32 v4, v11;
	v11 =	vsub.f32 $0.0e+00, v8;
	v10 =	vmul.f32 $1.442695020e+00, v10  }
0x165: {  	v14 =	vmin.f32 v3, v14;
	v12 =	vmin.f32 v5, v12;
	v7 =	vmul.f32 $1.442695020e+00, v7  }
0x166: {  	v14 =	vmul.f32 $1.442695020e+00, v14;
	v12 =	vmul.f32 $1.442695020e+00, v12;
	v11 =	vmin.f32 v8, v11  }
0x167: {  	v15 =	vsub.f32 $0.0e+00, v13;
	v11 =	vmul.f32 $1.442695020e+00, v11;
	v16 =	vld [tilespmem:s14+$0x1EEE0];
	(erf) = vpow2.f32 v10  }
0x168: {  	(erf) = vpow2.f32 v12  }
0x169: {  	v10 =	vmin.f32 v13, v15;
	(erf) = vpow2.f32 v11  }
0x16a: {  	v10 =	vmul.f32 $1.442695020e+00, v10;
	(erf) = vpow2.f32 v7  }
0x16b: {  	v15 =	vld.idx.msk [tilespmem:v0+s14+$0x0 ss:$0x1], $0xffff;
	(erf) = vpow2.f32 v14  }
0x16c: {  	v1 =	vmax.f32 v1, $0.0e+00;
	v7 =	vsub.f32 $0.0e+00, v16;
	(erf) = vpow2.f32 v10;
	v12 =	vpop (erf)  }
0x16d: {  	v11 =	vmax.f32 v2, $0.0e+00;
	v10 =	vmul.f32 $4.155156760e-02, v12;
	(erf) = vpow2.f32 v9  }
0x16e: {  	v5 =	vmax.f32 v5, $0.0e+00;
	v9 =	vmax.f32 v4, $0.0e+00;
	v2 =	vmin.f32 v16, v7  }
0x16f: {  	v17 =	vmax.f32 v3, $0.0e+00;
	v4 =	vld.idx.msk [tilespmem:v0+s14+$0x10 ss:$0x1], $0xffff;
	v3 =	vmul.f32 $1.442695020e+00, v2;
	v7 =	vadd.f32 $-1.578400430e-01, v10  }
0x170: {  	v19 =	vmax.f32 v8, $0.0e+00;
	v14 =	vmax.f32 v16, $0.0e+00;
	v2 =	vmax.f32 v13, $0.0e+00;
	v20 =	vpop (erf)  }
0x171: {  	v8 =	vsub.f32 $0.0e+00, v15;
	v7 =	vmul.f32 v7, v12;
	v13 =	vpop (erf);
	(erf) = vpow2.f32 v3  }
0x172: {  	v23 =	vmax.f32 v6, $0.0e+00;
	v10 =	vmul.f32 $4.155156760e-02, v20;
	v3 =	vmul.f32 $4.155156760e-02, v13;
	v21 =	vpop (erf)  }
0x173: {  	v6 =	vmin.f32 v15, v8;
	v27 =	vmul.f32 $4.155156760e-02, v21;
	v7 =	vadd.f32 $3.065628410e-01, v7;
	v18 =	vpop (erf)  }
0x174: {  	v10 =	vadd.f32 $-1.578400430e-01, v10;
	v3 =	vadd.f32 $-1.578400430e-01, v3;
	v24 =	vmul.f32 $4.155156760e-02, v18;
	v22 =	vpop (erf)  }
0x175: {  	v25 =	vmul.f32 $4.155156760e-02, v22;
	v26 =	vadd.f32 $-1.578400430e-01, v27;
	v29 =	vmul.f32 v7, v12;
	v16 =	vpop (erf)  }
0x176: {  	v10 =	vmul.f32 v10, v20;
	v7 =	vmul.f32 v3, v13;
	v24 =	vadd.f32 $-1.578400430e-01, v24;
	v8 =	vpop (erf)  }
0x177: {  	v6 =	vmul.f32 $1.442695020e+00, v6;
	v27 =	vsub.f32 $0.0e+00, v4;
	v26 =	vmul.f32 v26, v21  }
0x178: {  	v10 =	vadd.f32 $3.065628410e-01, v10;
	v3 =	vld.idx.msk [tilespmem:v0+s14+$0x20 ss:$0x1], $0xffff;
	v31 =	vadd.f32 $3.065628410e-01, v7;
	v7 =	vmul.f32 v24, v18  }
0x179: {  	v28 =	vmul.f32 $4.155156760e-02, v8;
	v26 =	vadd.f32 $3.065628410e-01, v26;
	(erf) = vpow2.f32 v6  }
0x17a: {  	v25 =	vadd.f32 $-1.578400430e-01, v25;
	v27 =	vmin.f32 v4, v27;
	v10 =	vmul.f32 v10, v20;
	v24 =	vpop (erf)  }
0x17b: {  	v27 =	vmul.f32 $1.442695020e+00, v27;
	v7 =	vadd.f32 $3.065628410e-01, v7;
	v6 =	vld [tilespmem:s14+$0x1EF10];
	v26 =	vmul.f32 v26, v21  }
0x17c: {  	v25 =	vmul.f32 v25, v22;
	v28 =	vadd.f32 $-1.578400430e-01, v28;
	v10 =	vadd.f32 $-4.970314500e-01, v10  }
0x17d: {  	v32 =	vmul.f32 v7, v18;
	v7 =	vmul.f32 $4.155156760e-02, v16;
	v26 =	vadd.f32 $-4.970314500e-01, v26  }
0x17e: {  	v33 =	vadd.f32 $3.065628410e-01, v25;
	v10 =	vmul.f32 v10, v20;
	(erf) = vpow2.f32 v27  }
0x17f: {  	v36 =	vsub.f32 $0.0e+00, v3;
	v7 =	vadd.f32 $-1.578400430e-01, v7;
	v27 =	vmul.f32 $4.155156760e-02, v24  }
0x180: {  	v28 =	vmul.f32 v28, v8;
	v30 =	vadd.f32 $9.999450440e-01, v10;
	v37 =	vsub.f32 $0.0e+00, v6  }
0x181: {  	v26 =	vmul.f32 v26, v21;
	v34 =	vmul.f32 v7, v16;
	v35 =	vadd.f32 $-1.578400430e-01, v27;
	v10 =	vld [tilespmem:s14+$0x1EF20]  }
0x182: {  	v27 =	vmin.f32 v3, v36;
	v20 =	vmul.f32 v30, v20;
	v30 =	vadd.f32 $-4.970314500e-01, v29;
	v7 =	vld.idx.msk [tilespmem:v0+s14+$0x30 ss:$0x1], $0xffff;
	v25 =	vpop (erf)  }
0x183: {  	v29 =	vadd.f32 $9.999450440e-01, v26;
	v34 =	vadd.f32 $3.065628410e-01, v34;
	v36 =	vmul.f32 $4.155156760e-02, v25  }
.Ltmp3:
0x184: {  	v26 =	vadd.f32 $-4.970314500e-01, v32;
	v38 =	vmul.f32 v35, v24;
	v23 =	vadd.f32 v20, v23;
	(pc) =	sbr.rel @p1 .LBB2_5-.Ltmp3, $4  }
0x185: {  	v35 =	vmul.f32 v33, v22;
	v33 =	vmul.f32 v34, v16;
	v34 =	vadd.f32 $-1.578400430e-01, v36  }
0x186: {  	v32 =	vmul.f32 v31, v13;
	v26 =	vmul.f32 v26, v18;
	v36 =	vadd.f32 $3.065628410e-01, v38  }
0x187: {  	v33 =	vadd.f32 $-4.970314500e-01, v33;
	v31 =	vsub.f32 $0.0e+00, v10;
	v34 =	vmul.f32 v34, v25;
	v20 =	vpop (erf)  }
0x188: {  	v37 =	vmin.f32 v6, v37;
	v35 =	vadd.f32 $-4.970314500e-01, v35;
	v36 =	vmul.f32 v36, v24  }
0x189: {  	v33 =	vmul.f32 v33, v16;
	v34 =	vadd.f32 $3.065628410e-01, v34;
	v28 =	vadd.f32 $3.065628410e-01, v28  }
0x18a: {  	v37 =	vmul.f32 $1.442695020e+00, v37;
	v32 =	vadd.f32 $-4.970314500e-01, v32;
	v30 =	vmul.f32 v30, v12  }
0x18b: {  	v21 =	vmul.f32 v29, v21;
	v31 =	vmin.f32 v10, v31;
	v27 =	vmul.f32 $1.442695020e+00, v27  }
0x18c: {  	v29 =	vld [tilespmem:s14+$0x1EF30];
	v15 =	vmax.f32 v15, $0.0e+00;
	v52 =	vsub.f32 $0.0e+00, v7;
	v53 =	vmul.f32 $4.155156760e-02, v20  }
0x18d: {  	v26 =	vadd.f32 $9.999450440e-01, v26;
	v4 =	vmax.f32 v4, $0.0e+00;
	v6 =	vmax.f32 v6, $0.0e+00  }
0x18e: {  	v3 =	vmax.f32 v3, $0.0e+00;
	v35 =	vmul.f32 v35, v22;
	v48 =	vmul.f32 $1.442695020e+00, v31  }
0x18f: {  	v36 =	vadd.f32 $-4.970314500e-01, v36;
	v34 =	vmul.f32 v34, v25;
	v28 =	vmul.f32 v28, v8  }
0x190: {  	v19 =	vadd.f32 v21, v19;
	(erf) = vpow2.f32 v37;
	v32 =	vmul.f32 v32, v13  }
0x191: {  	v30 =	vadd.f32 $9.999450440e-01, v30;
	v54 =	vmin.f32 v7, v52;
	v51 =	vsub.f32 $0.0e+00, v29  }
0x192: {  	v56 =	vadd.f32 $-1.578400430e-01, v53;
	v18 =	vmul.f32 v26, v18;
	v35 =	vadd.f32 $9.999450440e-01, v35  }
0x193: {  	v36 =	vmul.f32 v36, v24;
	(erf) = vpow2.f32 v48;
	v21 =	vmin.f32 v29, v51  }
0x194: {  	v59 =	vadd.f32 $9.999450440e-01, v33;
	(erf) = vpow2.f32 v27;
	v21 =	vmul.f32 $1.442695020e+00, v21  }
0x195: {  	v34 =	vadd.f32 $-4.970314500e-01, v34;
	v46 =	vmul.f32 v35, v22;
	v22 =	vmul.f32 $1.442695020e+00, v54  }
0x196: {  	v57 =	vmul.f32 v30, v12;
	v58 =	vadd.f32 $9.999450440e-01, v32;
	(erf) = vpow2.f32 v21  }
0x197: {  	v63 =	vadd.f32 $-4.970314500e-01, v28;
	v28 =	vmul.f32 v56, v20;
	(erf) = vpow2.f32 v22  }
0x198: {  	v9 =	vadd.f32 v18, v9;
	v32 =	vmul.f32 v59, v16;
	v47 =	vadd.f32 $9.999450440e-01, v36  }
0x199: {  	v56 =	vmax.f32 v10, $0.0e+00;
	v34 =	vmul.f32 v34, v25;
	v33 =	vadd.f32 $3.065628410e-01, v28  }
0x19a: {  	v11 =	vadd.f32 v57, v11;
	v61 =	vmul.f32 v58, v13;
	v49 =	vmul.f32 v47, v24  }
0x19b: {  	v17 =	vadd.f32 v46, v17;
	v50 =	vadd.f32 $9.999450440e-01, v34;
	v16 =	vmul.f32 v33, v20  }
0x19c: {  	v9 =	vpack.i.f32.bf16 v23, v9;
	v5 =	vadd.f32 v61, v5;
	v14 =	vadd.f32 v49, v14;
	v62 =	vpop (erf)  }
0x19d: {  	v2 =	vadd.f32 v32, v2;
	v55 =	vmul.f32 v50, v25;
	v16 =	vadd.f32 $-4.970314500e-01, v16;
	v30 =	vpop (erf)  }
0x19e: {  	v5 =	vpack.i.f32.bf16 v19, v5;
	v60 =	vpack.i.f32.bf16 v14, v17;
	v17 =	vmul.f32 v63, v8;
	v35 =	vpop (erf)  }
0x19f: {  	v15 =	vadd.f32 v55, v15;
	v31 =	vmul.f32 $4.155156760e-02, v62;
	v16 =	vmul.f32 v16, v20;
	v38 =	vpop (erf)  }
0x1a0: {  	v34 =	vmul.f32 $4.155156760e-02, v30;
	v17 =	vadd.f32 $9.999450440e-01, v17;
	v36 =	vmul.f32 $4.155156760e-02, v35;
	v39 =	vpop (erf)  }
0x1a1: {  	v13 =	vadd.f32 $-1.578400430e-01, v31;
	v40 =	vmul.f32 $4.155156760e-02, v38;
	v41 =	vmul.f32 $4.155156760e-02, v39  }
0x1a2: {  	v11 =	vpack.i.f32.bf16 v11, v15;
	v18 =	vadd.f32 $-1.578400430e-01, v34;
	v37 =	vadd.f32 $-1.578400430e-01, v36  }
0x1a3: {  	v13 =	vmul.f32 v13, v62;
	v15 =	vadd.f32 $-1.578400430e-01, v40;
	v25 =	vadd.f32 $-1.578400430e-01, v41  }
0x1a4: {  	v16 =	vadd.f32 $9.999450440e-01, v16;
	v18 =	vmul.f32 v18, v30;
	v19 =	vmul.f32 v37, v35  }
0x1a5: {  	v13 =	vadd.f32 $3.065628410e-01, v13;
	v15 =	vmul.f32 v15, v38;
	v43 =	vmul.f32 v25, v39  }
0x1a6: {  	v42 =	vmul.f32 v17, v8;
	v18 =	vadd.f32 $3.065628410e-01, v18;
	v19 =	vadd.f32 $3.065628410e-01, v19  }
0x1a7: {  	v44 =	vmul.f32 v13, v62;
	v45 =	vadd.f32 $3.065628410e-01, v15;
	v46 =	vadd.f32 $3.065628410e-01, v43  }
0x1a8: {  	v1 =	vadd.f32 v42, v1;
	v18 =	vmul.f32 v18, v30;
	v19 =	vmul.f32 v19, v35  }
0x1a9: {  	v8 =	vadd.f32 $-4.970314500e-01, v44;
	v13 =	vmul.f32 v45, v38;
	v15 =	vmul.f32 v46, v39  }
0x1aa: {  	v16 =	vmul.f32 v16, v20;
	v47 =	vadd.f32 $-4.970314500e-01, v18;
	v48 =	vadd.f32 $-4.970314500e-01, v19  }
0x1ab: {  	v8 =	vmul.f32 v8, v62;
	v13 =	vadd.f32 $-4.970314500e-01, v13;
	v15 =	vadd.f32 $-4.970314500e-01, v15  }
0x1ac: {  	v4 =	vadd.f32 v16, v4;
	v17 =	vmul.f32 v47, v30;
	v49 =	vmul.f32 v48, v35  }
0x1ad: {  	[tilespmem:v0+s14+$0xFFFFFFC0 ss:$0x1] =	vst.idx.msk $0xffff, v5;
	v50 =	vadd.f32 $9.999450440e-01, v8;
	v51 =	vmul.f32 v13, v38;
	v52 =	vmul.f32 v15, v39  }
0x1ae: {  	[tilespmem:v0+s14+$0xFFFFFFD0 ss:$0x1] =	vst.idx.msk $0xffff, v9;
	v1 =	vpack.i.f32.bf16 v1, v2;
	v54 =	vadd.f32 $9.999450440e-01, v17;
	v16 =	vadd.f32 $9.999450440e-01, v49  }
0x1af: {  	[tilespmem:v0+s14+$0xFFFFFFE0 ss:$0x1] =	vst.idx.msk $0xffff, v60;
	v5 =	vmul.f32 v50, v62;
	v8 =	vadd.f32 $9.999450440e-01, v51;
	v55 =	vadd.f32 $9.999450440e-01, v52  }
0x1b0: {  	v61 =	vmax.f32 v29, $0.0e+00;
	[tilespmem:v0+s14+$0xFFFFFFF0 ss:$0x1] =	vst.idx.msk $0xffff, v1;
	v57 =	vmul.f32 v54, v30;
	v53 =	vmul.f32 v16, v35  }
0x1b1: {  	v5 =	vadd.f32 v5, v6;
	v58 =	vmul.f32 v8, v38;
	v59 =	vmul.f32 v55, v39  }
.Ltmp4:
0x1b2: {  	v60 =	vmax.f32 v7, $0.0e+00;
	[tilespmem:v0+s14+$0x0 ss:$0x1] =	vst.idx.msk $0xffff, v11;
	v1 =	vadd.f32 v57, v56;
	v2 =	vadd.f32 v53, v3;
	(pc) =	sbr.rel @p0 .LBB2_8-.Ltmp4, $4  }
0x1b3: {  	v4 =	vpack.i.f32.bf16 v5, v4;
	v62 =	vadd.f32 v58, v61;
	v3 =	vadd.f32 v59, v60  }
0x1b4: {  	[tilespmem:v0+s14+$0x10 ss:$0x1] =	vst.idx.msk $0xffff, v4;
	v1 =	vpack.i.f32.bf16 v1, v2  }
0x1b5: {  	[tilespmem:v0+s14+$0x20 ss:$0x1] =	vst.idx.msk $0xffff, v1;
	v63 =	vpack.i.f32.bf16 v62, v3  }
0x1b6: {  	[tilespmem:v0+s14+$0x30 ss:$0x1] =	vst.idx.msk $0xffff, v63  }
.Ltmp5:
0x1b7: {  	(pc) =	sbr.rel .LBB2_2-.Ltmp5, $4  }
0x1b8: {  	s13 =	sadd.s32 s13, s12  }
0x1b9: {  	s10 =	sadd.s32 $0x1, s10;
	s13 =	sshrl.u32 s13, $0x3  }
0x1ba: {  	s9 =	sadd.s32 $0x1000, s9;
	s8 =	sadd.s32 $0x1000, s8;
	s13 =	sadd.s32 s1, s13  }
0x1bb: {  	[tilespmem:s24], [sflag:$0x6] =	stream.strided.gather [hbm4b:s13+s18], $0x800, s19, s18, $0x200038;
	[tilespmem:$0x1FE00] =	vst v63  }
.LBB2_8:
0x1bc: {  	s8 =	rddreg [dreg:$0x9];
	s9 =	simm.s32 $0x1F700;
	s29 =	simm.s32 $0x7  }
0x1bd: {  	[tilespmem:s9], [sflag:$0x7] =	stream.strided.gather [hbm4b:s8+s18], $0x680, s19, s18, $0x200038;
	[tilespmem:$0x1FE00] =	vst v63  }
0x1be: {  	_ =	swait.ge [sflag:s29], $0x680  }
0x1bf: {  	[sflag:s29] =	ssyncset.done $0x0  }
0x1c0: {  	s8 =	simm.s32 $0x0;
	[sflag:s29] =	ssyncadd.s32 $0xFFFFF980  }
0x1c1: {  	v1 =	vld [tilespmem:s8+$0x1F750]  }
0x1c2: {  	v2 =	vld [tilespmem:s8+$0x1F760]  }
0x1c3: {  	v6 =	vld [tilespmem:s8+$0x1F770]  }
0x1c4: {  	v11 =	vld [tilespmem:s8+$0x1F720]  }
0x1c5: {  	v5 =	vld [tilespmem:s8+$0x1F740]  }
0x1c6: {  	v7 =	vld [tilespmem:s8+$0x18050]  }
0x1c7: {  	v12 =	vld [tilespmem:s8+$0x18060]  }
0x1c8: {  	v18 =	vld [tilespmem:s8+$0x18030]  }
0x1c9: {  	v20 =	vld [tilespmem:s8+$0x18070]  }
0x1ca: {  	v25 =	vld [tilespmem:s8+$0x1F700];
	v4 =	vsub.f32 $0.0e+00, v1  }
0x1cb: {  	v8 =	vsub.f32 $0.0e+00, v6;
	v10 =	vsub.f32 $0.0e+00, v2  }
0x1cc: {  	v3 =	vld [tilespmem:s8+$0x18040];
	v15 =	vsub.f32 $0.0e+00, v5;
	v17 =	vsub.f32 $0.0e+00, v11  }
0x1cd: {  	v0 =	vmax.f32 v2, $0.0e+00;
	v21 =	vsub.f32 $0.0e+00, v7;
	v23 =	vsub.f32 $0.0e+00, v12  }
0x1ce: {  	v14 =	vld [tilespmem:s8+$0x1F710];
	v13 =	vmax.f32 v1, $0.0e+00;
	v27 =	vsub.f32 $0.0e+00, v18;
	v28 =	vsub.f32 $0.0e+00, v20  }
0x1cf: {  	v29 =	vsub.f32 $0.0e+00, v25;
	v4 =	vmin.f32 v1, v4;
	v8 =	vmin.f32 v6, v8  }
0x1d0: {  	v10 =	vmin.f32 v2, v10;
	v2 =	vmin.f32 v11, v17;
	v8 =	vmul.f32 $1.442695020e+00, v8  }
0x1d1: {  	v16 =	vld [tilespmem:s8+$0x1F730];
	v1 =	vmax.f32 v3, $0.0e+00;
	v15 =	vmin.f32 v5, v15;
	v22 =	vmul.f32 $1.442695020e+00, v2  }
0x1d2: {  	v9 =	vld [tilespmem:s8+$0x18000];
	v17 =	vsub.f32 $0.0e+00, v3;
	v21 =	vmin.f32 v7, v21;
	(erf) = vpow2.f32 v8  }
0x1d3: {  	v19 =	vmul.f32 $1.442695020e+00, v4;
	v4 =	vsub.f32 $0.0e+00, v14;
	v8 =	vld [tilespmem:s8+$0x18010];
	(erf) = vpow2.f32 v22  }
0x1d4: {  	v2 =	vmax.f32 v12, $0.0e+00;
	v21 =	vmul.f32 $1.442695020e+00, v21;
	v12 =	vmin.f32 v12, v23  }
0x1d5: {  	v15 =	vmul.f32 $1.442695020e+00, v15;
	v26 =	vmin.f32 v3, v17;
	v3 =	vmax.f32 v18, $0.0e+00  }
0x1d6: {  	v17 =	vld [tilespmem:s8+$0x18020];
	v18 =	vmin.f32 v18, v27;
	v24 =	vmin.f32 v14, v4;
	v4 =	vsub.f32 $0.0e+00, v16  }
0x1d7: {  	v12 =	vmul.f32 $1.442695020e+00, v12;
	v18 =	vmul.f32 $1.442695020e+00, v18;
	v22 =	vsub.f32 $0.0e+00, v9  }
0x1d8: {  	v27 =	vmin.f32 v16, v4;
	(erf) = vpow2.f32 v21;
	v23 =	vsub.f32 $0.0e+00, v8  }
0x1d9: {  	v4 =	vmax.f32 v16, $0.0e+00;
	v22 =	vmin.f32 v9, v22;
	v27 =	vmul.f32 $1.442695020e+00, v27  }
0x1da: {  	v22 =	vmul.f32 $1.442695020e+00, v22;
	v21 =	vmin.f32 v8, v23;
	v23 =	vmin.f32 v20, v28  }
0x1db: {  	v16 =	vsub.f32 $0.0e+00, v17;
	v23 =	vmul.f32 $1.442695020e+00, v23;
	v28 =	vpop (erf);
	(erf) = vpow2.f32 v18  }
0x1dc: {  	v29 =	vmin.f32 v25, v29;
	v30 =	vmul.f32 $4.155156760e-02, v28;
	(erf) = vpow2.f32 v22;
	v47 =	vpop (erf)  }
0x1dd: {  	v16 =	vmin.f32 v17, v16;
	v22 =	vmul.f32 $1.442695020e+00, v26;
	v26 =	vmul.f32 $4.155156760e-02, v47  }
0x1de: {  	v16 =	vmul.f32 $1.442695020e+00, v16;
	v18 =	vmax.f32 v5, $0.0e+00;
	v5 =	vadd.f32 $-1.578400430e-01, v30  }
0x1df: {  	v21 =	vmul.f32 $1.442695020e+00, v21;
	(erf) = vpow2.f32 v23;
	v26 =	vadd.f32 $-1.578400430e-01, v26  }
0x1e0: {  	v11 =	vmax.f32 v11, $0.0e+00;
	(erf) = vpow2.f32 v22;
	v5 =	vmul.f32 v5, v28  }
0x1e1: {  	v61 =	vmax.f32 v17, $0.0e+00;
	v23 =	vmul.f32 $1.442695020e+00, v29;
	(erf) = vpow2.f32 v21  }
0x1e2: {  	v29 =	vadd.f32 $3.065628410e-01, v5;
	v5 =	vmax.f32 v20, $0.0e+00;
	v20 =	vmul.f32 v26, v47  }
0x1e3: {  	v21 =	vmax.f32 v7, $0.0e+00;
	v7 =	vmul.f32 $1.442695020e+00, v10;
	v26 =	vpop (erf);
	(erf) = vpow2.f32 v23  }
0x1e4: {  	v10 =	vmul.f32 $4.155156760e-02, v26;
	v20 =	vadd.f32 $3.065628410e-01, v20;
	(erf) = vpow2.f32 v27  }
0x1e5: {  	v27 =	vmax.f32 v9, $0.0e+00;
	v9 =	vmul.f32 v29, v28;
	(erf) = vpow2.f32 v7  }
0x1e6: {  	v7 =	vmul.f32 v20, v47;
	v20 =	vmax.f32 v6, $0.0e+00;
	(erf) = vpow2.f32 v19  }
0x1e7: {  	v6 =	vpop (erf);
	v10 =	vadd.f32 $-1.578400430e-01, v10;
	v19 =	vadd.f32 $-4.970314500e-01, v9;
	(erf) = vpow2.f32 v16  }
0x1e8: {  	v23 =	vpop (erf);
	v16 =	vmul.f32 $1.442695020e+00, v24;
	v24 =	vmax.f32 v8, $0.0e+00;
	v29 =	vmul.f32 $4.155156760e-02, v6  }
0x1e9: {  	v9 =	vadd.f32 $-4.970314500e-01, v7;
	(erf) = vpow2.f32 v15;
	v15 =	vmul.f32 $4.155156760e-02, v23  }
0x1ea: {  	v8 =	vpop (erf);
	v7 =	vmax.f32 v25, $0.0e+00;
	v10 =	vmul.f32 v10, v26;
	v19 =	vmul.f32 v19, v28  }
0x1eb: {  	v22 =	vpop (erf);
	(erf) = vpow2.f32 v12;
	v49 =	vmul.f32 $4.155156760e-02, v8;
	v29 =	vadd.f32 $-1.578400430e-01, v29  }
0x1ec: {  	v9 =	vmul.f32 v9, v47;
	v15 =	vadd.f32 $-1.578400430e-01, v15;
	v25 =	vpop (erf);
	v31 =	vmul.f32 $4.155156760e-02, v22  }
0x1ed: {  	v33 =	vadd.f32 $3.065628410e-01, v10;
	v19 =	vadd.f32 $9.999450440e-01, v19;
	v12 =	vmul.f32 $4.155156760e-02, v25  }
0x1ee: {  	v29 =	vmul.f32 v29, v6;
	v32 =	vadd.f32 $9.999450440e-01, v9;
	v15 =	vmul.f32 v15, v23  }
0x1ef: {  	v33 =	vmul.f32 v33, v26;
	v19 =	vmul.f32 v19, v28;
	v12 =	vadd.f32 $-1.578400430e-01, v12  }
0x1f0: {  	v29 =	vadd.f32 $3.065628410e-01, v29;
	v9 =	vpop (erf);
	(erf) = vpow2.f32 v16;
	v16 =	vmul.f32 v32, v47  }
0x1f1: {  	v15 =	vadd.f32 $3.065628410e-01, v15;
	v33 =	vadd.f32 $-4.970314500e-01, v33;
	v34 =	vmul.f32 v12, v25  }
0x1f2: {  	v32 =	vadd.f32 $-1.578400430e-01, v49;
	v10 =	vpop (erf);
	v50 =	vmul.f32 $4.155156760e-02, v9;
	v29 =	vmul.f32 v29, v6  }
0x1f3: {  	v48 =	vmul.f32 $4.155156760e-02, v10;
	v12 =	vadd.f32 v16, v11;
	v15 =	vmul.f32 v15, v23  }
0x1f4: {  	v11 =	vpop (erf);
	v16 =	vadd.f32 $-1.578400430e-01, v31;
	v33 =	vmul.f32 v33, v26;
	v32 =	vmul.f32 v32, v8  }
0x1f5: {  	v34 =	vadd.f32 $3.065628410e-01, v34;
	v37 =	vmul.f32 $4.155156760e-02, v11;
	v31 =	vadd.f32 $-1.578400430e-01, v50  }
0x1f6: {  	v35 =	vpop (erf);
	v29 =	vadd.f32 $-4.970314500e-01, v29;
	v15 =	vadd.f32 $-4.970314500e-01, v15;
	v39 =	vmul.f32 v16, v22  }
0x1f7: {  	v33 =	vadd.f32 $9.999450440e-01, v33;
	v32 =	vadd.f32 $3.065628410e-01, v32;
	v52 =	vmul.f32 $4.155156760e-02, v35  }
0x1f8: {  	v36 =	vpop (erf);
	v30 =	vadd.f32 $-1.578400430e-01, v48;
	v34 =	vmul.f32 v34, v25;
	v31 =	vmul.f32 v31, v9  }
0x1f9: {  	v38 =	vpop (erf);
	v37 =	vadd.f32 $-1.578400430e-01, v37;
	v51 =	vmul.f32 $4.155156760e-02, v36;
	v29 =	vmul.f32 v29, v6  }
0x1fa: {  	v40 =	vmul.f32 $4.155156760e-02, v38;
	v28 =	vmul.f32 v15, v23;
	v15 =	vadd.f32 v19, v20  }
0x1fb: {  	v20 =	vadd.f32 $3.065628410e-01, v39;
	v32 =	vmul.f32 v32, v8;
	v30 =	vmul.f32 v30, v10  }
0x1fc: {  	v16 =	vpop (erf);
	v26 =	vmul.f32 v33, v26;
	v34 =	vadd.f32 $-4.970314500e-01, v34;
	v37 =	vmul.f32 v37, v11  }
0x1fd: {  	v31 =	vadd.f32 $3.065628410e-01, v31;
	v56 =	vmul.f32 $4.155156760e-02, v16;
	v40 =	vadd.f32 $-1.578400430e-01, v40  }
0x1fe: {  	v28 =	vadd.f32 $9.999450440e-01, v28;
	v20 =	vmul.f32 v20, v22;
	v30 =	vadd.f32 $3.065628410e-01, v30  }
0x1ff: {  	v21 =	vadd.f32 v26, v21;
	v19 =	vmul.f32 v34, v25;
	v34 =	vadd.f32 $-1.578400430e-01, v51  }
0x200: {  	v57 =	vadd.f32 $-1.578400430e-01, v56;
	v58 =	vadd.f32 $3.065628410e-01, v37;
	v31 =	vmul.f32 v31, v9  }
0x201: {  	v41 =	vpop (erf);
	v28 =	vmul.f32 v28, v23;
	v23 =	vadd.f32 $-4.970314500e-01, v32;
	v32 =	vadd.f32 $-1.578400430e-01, v52  }
0x202: {  	v42 =	vmul.f32 $4.155156760e-02, v41;
	v55 =	vmul.f32 v40, v38;
	v19 =	vadd.f32 $9.999450440e-01, v19  }
0x203: {  	v33 =	vmul.f32 v57, v16;
	v31 =	vadd.f32 $-4.970314500e-01, v31;
	v54 =	vmul.f32 v32, v35  }
0x204: {  	v42 =	vadd.f32 $-1.578400430e-01, v42;
	v19 =	vmul.f32 v19, v25;
	v25 =	vadd.f32 $-4.970314500e-01, v20  }
0x205: {  	v20 =	vadd.f32 v28, v27;
	v28 =	vmul.f32 v30, v10;
	v30 =	vadd.f32 $3.065628410e-01, v54  }
0x206: {  	v23 =	vmul.f32 v23, v8;
	v32 =	vadd.f32 $3.065628410e-01, v55;
	v53 =	vmul.f32 v42, v41  }
0x207: {  	v19 =	vadd.f32 v19, v24;
	v24 =	vmul.f32 v34, v36;
	v30 =	vmul.f32 v30, v35  }
0x208: {  	v26 =	vadd.f32 $3.065628410e-01, v33;
	v32 =	vmul.f32 v32, v38;
	v27 =	vadd.f32 $3.065628410e-01, v53  }
0x209: {  	v34 =	vmul.f32 v58, v11;
	v24 =	vadd.f32 $3.065628410e-01, v24;
	v30 =	vadd.f32 $-4.970314500e-01, v30  }
0x20a: {  	v17 =	vmul.f32 v25, v22;
	v32 =	vadd.f32 $-4.970314500e-01, v32;
	v27 =	vmul.f32 v27, v41  }
0x20b: {  	v28 =	vadd.f32 $-4.970314500e-01, v28;
	v24 =	vmul.f32 v24, v36;
	v30 =	vmul.f32 v30, v35  }
0x20c: {  	v25 =	vmul.f32 v26, v16;
	v32 =	vmul.f32 v32, v38;
	v27 =	vadd.f32 $-4.970314500e-01, v27  }
0x20d: {  	v28 =	vmul.f32 v28, v10;
	v59 =	vadd.f32 $-4.970314500e-01, v24;
	v30 =	vadd.f32 $9.999450440e-01, v30  }
0x20e: {  	v24 =	vmax.f32 v14, $0.0e+00;
	v14 =	vadd.f32 $9.999450440e-01, v32;
	v27 =	vmul.f32 v27, v41  }
0x20f: {  	v34 =	vadd.f32 $-4.970314500e-01, v34;
	v60 =	vmul.f32 v59, v36;
	v30 =	vmul.f32 v30, v35  }
0x210: {  	v25 =	vadd.f32 $-4.970314500e-01, v25;
	v14 =	vmul.f32 v14, v38;
	v27 =	vadd.f32 $9.999450440e-01, v27  }
0x211: {  	v63 =	vmul.f32 v34, v11;
	v62 =	vadd.f32 $9.999450440e-01, v60;
	v26 =	vadd.f32 v30, v13  }
0x212: {  	v25 =	vmul.f32 v25, v16;
	v14 =	vadd.f32 v14, v18;
	v18 =	vadd.f32 $9.999450440e-01, v28  }
0x213: {  	v28 =	vadd.f32 $9.999450440e-01, v17;
	v21 =	vpack.i.f32.bf16 v26, v21;
	v26 =	vmul.f32 v62, v36  }
0x214: {  	v17 =	vadd.f32 $9.999450440e-01, v29;
	v13 =	vmul.f32 v27, v41;
	v27 =	vmul.f32 v31, v9  }
0x215: {  	s9 =	simm.s32 $0x200;
	[tilespmem:s8+$0x18050] =	vst v21;
	v21 =	vadd.f32 v26, v61;
	v26 =	vmul.f32 v28, v22;
	v22 =	vadd.f32 $9.999450440e-01, v63  }
.LBB2_9:
0x216: {  	s10 =	sshra.s32 s9, $0x2;
	p0 =	sne.s32 s9, $0x1800;
	s9 =	sadd.s32 $0x200, s9;
	v23 =	vadd.f32 $9.999450440e-01, v23;
	v27 =	vadd.f32 $9.999450440e-01, v27;
	v10 =	vmul.f32 v18, v10  }
0x217: {  	v25 =	vadd.f32 $9.999450440e-01, v25;
	v18 =	vld [tilespmem:s10+$0x1F750];
	v1 =	vadd.f32 v26, v1;
	v11 =	vmul.f32 v22, v11  }
0x218: {  	v21 =	vpack.i.f32.bf16 v12, v21;
	v22 =	vld [tilespmem:s10+$0x1F760];
	v23 =	vmul.f32 v23, v8;
	v9 =	vmul.f32 v27, v9  }
0x219: {  	v6 =	vmul.f32 v17, v6;
	v16 =	vmul.f32 v25, v16;
	v8 =	vld [tilespmem:s10+$0x1F770];
	v11 =	vadd.f32 v11, v0  }
0x21a: {  	v4 =	vadd.f32 v10, v4;
	v1 =	vpack.i.f32.bf16 v14, v1;
	v12 =	vld [tilespmem:s10+$0x1F720];
	v0 =	vadd.f32 v9, v7;
	[tilespmem:s8+$0x18020] =	vst v21  }
0x21b: {  	v3 =	vadd.f32 v6, v3;
	v2 =	vadd.f32 v16, v2;
	v7 =	vld [tilespmem:s10+$0x1F740];
	[tilespmem:s8+$0x18040] =	vst v1  }
0x21c: {  	v1 =	vadd.f32 v23, v5;
	v5 =	vadd.f32 v13, v24;
	v6 =	vld [tilespmem:s10+$0x18040];
	v9 =	vpack.i.f32.bf16 v0, v20  }
0x21d: {  	v3 =	vpack.i.f32.bf16 v4, v3;
	v2 =	vpack.i.f32.bf16 v11, v2;
	v13 =	vld [tilespmem:s10+$0x1F710];
	v0 =	vmax.f32 v22, $0.0e+00;
	[tilespmem:s8+$0x18000] =	vst v9  }
0x21e: {  	v4 =	vsub.f32 $0.0e+00, v18;
	v1 =	vpack.i.f32.bf16 v15, v1;
	v9 =	vld [tilespmem:s10+$0x18050];
	v10 =	vsub.f32 $0.0e+00, v8;
	[tilespmem:s8+$0x18060] =	vst v2  }
0x21f: {  	v14 =	vmax.f32 v18, $0.0e+00;
	v5 =	vpack.i.f32.bf16 v5, v19;
	v2 =	vsub.f32 $0.0e+00, v22;
	v11 =	vld [tilespmem:s10+$0x18000];
	[tilespmem:s8+$0x18070] =	vst v1  }
0x220: {  	v4 =	vmin.f32 v18, v4;
	v15 =	vld [tilespmem:s10+$0x18060];
	v16 =	vsub.f32 $0.0e+00, v7;
	v10 =	vmin.f32 v8, v10;
	[tilespmem:s8+$0x18010] =	vst v5  }
0x221: {  	v17 =	vsub.f32 $0.0e+00, v12;
	v5 =	vld [tilespmem:s10+$0x1F730];
	v1 =	vmax.f32 v6, $0.0e+00;
	v10 =	vmul.f32 $1.442695020e+00, v10;
	[tilespmem:s8+$0x18030] =	vst v3;
	s8 =	smov.u32 s10  }
0x222: {  	v19 =	vmul.f32 $1.442695020e+00, v4;
	v20 =	vmin.f32 v22, v2;
	v18 =	vld [tilespmem:s8+$0x18030];
	v16 =	vmin.f32 v7, v16  }
0x223: {  	v2 =	vmin.f32 v12, v17;
	v3 =	vsub.f32 $0.0e+00, v13;
	v21 =	vld [tilespmem:s8+$0x18070];
	(erf) = vpow2.f32 v10  }
0x224: {  	v4 =	vsub.f32 $0.0e+00, v6;
	v22 =	vmul.f32 $1.442695020e+00, v2;
	v17 =	vsub.f32 $0.0e+00, v9;
	v10 =	vld [tilespmem:s8+$0x18010]  }
0x225: {  	v25 =	vmin.f32 v13, v3;
	v23 =	vld [tilespmem:s8+$0x1F700];
	v24 =	vsub.f32 $0.0e+00, v15;
	v2 =	vmax.f32 v15, $0.0e+00  }
0x226: {  	v6 =	vmin.f32 v6, v4;
	v4 =	vsub.f32 $0.0e+00, v5;
	(erf) = vpow2.f32 v22  }
0x227: {  	v26 =	vmin.f32 v9, v17;
	v22 =	vsub.f32 $0.0e+00, v11;
	v3 =	vmax.f32 v18, $0.0e+00  }
0x228: {  	v26 =	vmul.f32 $1.442695020e+00, v26;
	v27 =	vsub.f32 $0.0e+00, v18;
	v28 =	vmin.f32 v15, v24;
	v17 =	vld [tilespmem:s8+$0x18020]  }
0x229: {  	v15 =	vmin.f32 v11, v22;
	v24 =	vsub.f32 $0.0e+00, v21;
	v22 =	vsub.f32 $0.0e+00, v10  }
0x22a: {  	v29 =	vmul.f32 $1.442695020e+00, v15;
	v31 =	vmin.f32 v18, v27;
	v27 =	vmin.f32 v5, v4  }
0x22b: {  	v18 =	vmul.f32 $1.442695020e+00, v31;
	v30 =	vsub.f32 $0.0e+00, v23;
	(erf) = vpow2.f32 v26  }
0x22c: {  	v4 =	vmax.f32 v5, $0.0e+00;
	v24 =	vmin.f32 v21, v24;
	v22 =	vmin.f32 v10, v22;
	v15 =	vpop (erf)  }
0x22d: {  	v5 =	vsub.f32 $0.0e+00, v17;
	v31 =	vmul.f32 $4.155156760e-02, v15;
	(erf) = vpow2.f32 v18  }
0x22e: {  	v16 =	vmul.f32 $1.442695020e+00, v16;
	v24 =	vmul.f32 $1.442695020e+00, v24;
	v18 =	vmax.f32 v7, $0.0e+00  }
0x22f: {  	v7 =	vmul.f32 $1.442695020e+00, v22;
	v22 =	vadd.f32 $-1.578400430e-01, v31;
	(erf) = vpow2.f32 v29;
	v26 =	vpop (erf)  }
0x230: {  	v6 =	vmul.f32 $1.442695020e+00, v6;
	v5 =	vmin.f32 v17, v5;
	v29 =	vmul.f32 $4.155156760e-02, v26  }
0x231: {  	v27 =	vmul.f32 $1.442695020e+00, v27;
	v30 =	vmin.f32 v23, v30;
	v22 =	vmul.f32 v22, v15  }
0x232: {  	v31 =	vmul.f32 $1.442695020e+00, v5;
	v29 =	vadd.f32 $-1.578400430e-01, v29;
	(erf) = vpow2.f32 v24  }
0x233: {  	v30 =	vmul.f32 $1.442695020e+00, v30;
	v22 =	vadd.f32 $3.065628410e-01, v22;
	(erf) = vpow2.f32 v6  }
0x234: {  	v5 =	vmax.f32 v21, $0.0e+00;
	v29 =	vmul.f32 v29, v26;
	(erf) = vpow2.f32 v7;
	v24 =	vpop (erf)  }
0x235: {  	v21 =	vmax.f32 v9, $0.0e+00;
	v7 =	vmul.f32 $1.442695020e+00, v20;
	(erf) = vpow2.f32 v30  }
0x236: {  	v9 =	vmul.f32 $4.155156760e-02, v24;
	v20 =	vadd.f32 $3.065628410e-01, v29;
	v6 =	vpop (erf);
	(erf) = vpow2.f32 v27  }
0x237: {  	v27 =	vmax.f32 v11, $0.0e+00;
	v11 =	vmul.f32 v22, v15;
	(erf) = vpow2.f32 v7  }
0x238: {  	v7 =	vmul.f32 v20, v26;
	v20 =	vmax.f32 v8, $0.0e+00;
	v29 =	vpop (erf);
	(erf) = vpow2.f32 v19  }
0x239: {  	v9 =	vadd.f32 $-1.578400430e-01, v9;
	v19 =	vadd.f32 $-4.970314500e-01, v11;
	(erf) = vpow2.f32 v31  }
0x23a: {  	v11 =	vmul.f32 $1.442695020e+00, v25;
	v25 =	vadd.f32 $-4.970314500e-01, v7;
	(erf) = vpow2.f32 v16  }
0x23b: {  	v30 =	vmax.f32 v10, $0.0e+00;
	v10 =	vmul.f32 $1.442695020e+00, v28;
	v16 =	vmul.f32 $4.155156760e-02, v29;
	v8 =	vpop (erf)  }
0x23c: {  	v28 =	vmul.f32 $4.155156760e-02, v6;
	v7 =	vmax.f32 v23, $0.0e+00;
	v23 =	vmul.f32 v25, v26;
	v22 =	vpop (erf)  }
0x23d: {  	v16 =	vadd.f32 $-1.578400430e-01, v16;
	v25 =	vmul.f32 v9, v24;
	v31 =	vpop (erf);
	(erf) = vpow2.f32 v10  }
0x23e: {  	v33 =	vmul.f32 $4.155156760e-02, v22;
	v32 =	vmul.f32 $4.155156760e-02, v31;
	v23 =	vadd.f32 $9.999450440e-01, v23;
	v9 =	vpop (erf)  }
0x23f: {  	v16 =	vmul.f32 v16, v29;
	v37 =	vadd.f32 $3.065628410e-01, v25;
	(erf) = vpow2.f32 v11;
	v10 =	vpop (erf)  }
0x240: {  	v32 =	vadd.f32 $-1.578400430e-01, v32;
	v23 =	vmul.f32 v23, v26;
	v34 =	vmul.f32 $4.155156760e-02, v10;
	v11 =	vpop (erf)  }
0x241: {  	v12 =	vmax.f32 v12, $0.0e+00;
	v35 =	vmul.f32 $4.155156760e-02, v8;
	v16 =	vadd.f32 $3.065628410e-01, v16;
	v26 =	vpop (erf)  }
0x242: {  	v36 =	vmul.f32 v37, v24;
	v32 =	vmul.f32 v32, v31;
	v12 =	vadd.f32 v23, v12;
	v25 =	vpop (erf)  }
0x243: {  	v40 =	vmul.f32 v16, v29;
	v23 =	vadd.f32 $-1.578400430e-01, v33;
	v33 =	vmul.f32 $4.155156760e-02, v9;
	v37 =	vpop (erf)  }
0x244: {  	v28 =	vadd.f32 $-1.578400430e-01, v28;
	v19 =	vmul.f32 v19, v15;
	v36 =	vadd.f32 $-4.970314500e-01, v36  }
0x245: {  	v35 =	vadd.f32 $-1.578400430e-01, v35;
	v38 =	vmul.f32 $4.155156760e-02, v11;
	v32 =	vadd.f32 $3.065628410e-01, v32  }
0x246: {  	v28 =	vmul.f32 v28, v6;
	v39 =	vadd.f32 $-4.970314500e-01, v40;
	v23 =	vmul.f32 v23, v22;
	v16 =	vpop (erf)  }
0x247: {  	v19 =	vadd.f32 $9.999450440e-01, v19;
	v36 =	vmul.f32 v36, v24;
	v40 =	vmul.f32 $4.155156760e-02, v37  }
0x248: {  	v35 =	vmul.f32 v35, v8;
	v33 =	vadd.f32 $-1.578400430e-01, v33;
	v32 =	vmul.f32 v32, v31;
	v41 =	vpop (erf)  }
0x249: {  	v15 =	vmul.f32 v19, v15;
	v38 =	vadd.f32 $-1.578400430e-01, v38;
	v42 =	vmul.f32 $4.155156760e-02, v41  }
0x24a: {  	v35 =	vadd.f32 $3.065628410e-01, v35;
	v19 =	vmul.f32 v39, v29;
	v36 =	vadd.f32 $9.999450440e-01, v36  }
0x24b: {  	v38 =	vmul.f32 v38, v11;
	v32 =	vadd.f32 $-4.970314500e-01, v32;
	v39 =	vadd.f32 $-1.578400430e-01, v42  }
0x24c: {  	v15 =	vadd.f32 v15, v20;
	v33 =	vmul.f32 v33, v9;
	v40 =	vadd.f32 $-1.578400430e-01, v40  }
0x24d: {  	v23 =	vadd.f32 $3.065628410e-01, v23;
	v20 =	vmul.f32 v32, v31;
	v32 =	vadd.f32 $-1.578400430e-01, v34  }
0x24e: {  	v35 =	vmul.f32 v35, v8;
	v19 =	vadd.f32 $9.999450440e-01, v19;
	v34 =	vmul.f32 $4.155156760e-02, v25  }
0x24f: {  	v23 =	vmul.f32 v23, v22;
	v20 =	vadd.f32 $9.999450440e-01, v20;
	v32 =	vmul.f32 v32, v10  }
0x250: {  	v19 =	vmul.f32 v19, v29;
	v29 =	vadd.f32 $-1.578400430e-01, v34;
	v34 =	vadd.f32 $-4.970314500e-01, v35  }
0x251: {  	v28 =	vadd.f32 $3.065628410e-01, v28;
	v35 =	vmul.f32 $4.155156760e-02, v26;
	v32 =	vadd.f32 $3.065628410e-01, v32  }
0x252: {  	v42 =	vadd.f32 $-4.970314500e-01, v23;
	v39 =	vmul.f32 v39, v41;
	v31 =	vmul.f32 v20, v31  }
0x253: {  	v28 =	vmul.f32 v28, v6;
	v23 =	vmul.f32 v34, v8;
	v34 =	vadd.f32 $-1.578400430e-01, v35  }
0x254: {  	v20 =	vadd.f32 v19, v27;
	v27 =	vadd.f32 $3.065628410e-01, v39;
	v32 =	vmul.f32 v32, v10  }
0x255: {  	v29 =	vmul.f32 v29, v25;
	v19 =	vadd.f32 v31, v30;
	v30 =	vmul.f32 v34, v26  }
0x256: {  	v31 =	vadd.f32 $3.065628410e-01, v33;
	v33 =	vmul.f32 v40, v37;
	v27 =	vmul.f32 v27, v41  }
0x257: {  	v29 =	vadd.f32 $3.065628410e-01, v29;
	v34 =	vmul.f32 $4.155156760e-02, v16;
	v30 =	vadd.f32 $3.065628410e-01, v30  }
0x258: {  	v35 =	vmul.f32 v36, v24;
	v24 =	vadd.f32 $-4.970314500e-01, v27;
	v27 =	vadd.f32 $3.065628410e-01, v33  }
0x259: {  	v28 =	vadd.f32 $-4.970314500e-01, v28;
	v33 =	vadd.f32 $-1.578400430e-01, v34;
	v30 =	vmul.f32 v30, v26  }
0x25a: {  	v34 =	vadd.f32 $3.065628410e-01, v38;
	v24 =	vmul.f32 v24, v41;
	v27 =	vmul.f32 v27, v37  }
0x25b: {  	v29 =	vmul.f32 v29, v25;
	v32 =	vadd.f32 $-4.970314500e-01, v32;
	v30 =	vadd.f32 $-4.970314500e-01, v30  }
0x25c: {  	v33 =	vmul.f32 v33, v16;
	v34 =	vmul.f32 v34, v11;
	v27 =	vadd.f32 $-4.970314500e-01, v27  }
0x25d: {  	v31 =	vmul.f32 v31, v9;
	v36 =	vadd.f32 $9.999450440e-01, v24;
	v24 =	vmul.f32 v30, v26  }
0x25e: {  	v30 =	vmul.f32 v32, v10;
	v32 =	vadd.f32 $-4.970314500e-01, v34;
	v27 =	vmul.f32 v27, v37  }
0x25f: {  	v28 =	vmul.f32 v28, v6;
	v31 =	vadd.f32 $-4.970314500e-01, v31;
	v34 =	vadd.f32 $9.999450440e-01, v24  }
0x260: {  	v29 =	vadd.f32 $-4.970314500e-01, v29;
	v24 =	vmax.f32 v13, $0.0e+00;
	v13 =	vadd.f32 $9.999450440e-01, v27  }
0x261: {  	v21 =	vadd.f32 v35, v21;
	v27 =	vadd.f32 $3.065628410e-01, v33;
	v26 =	vmul.f32 v34, v26  }
0x262: {  	v29 =	vmul.f32 v29, v25;
	v33 =	vmax.f32 v17, $0.0e+00;
	v17 =	vmul.f32 v13, v37  }
0x263: {  	v34 =	vmul.f32 v42, v22;
	v27 =	vmul.f32 v27, v16;
	v26 =	vadd.f32 v26, v14  }
.Ltmp6:
0x264: {  	v29 =	vadd.f32 $9.999450440e-01, v29;
	v13 =	vmul.f32 v36, v41;
	v14 =	vadd.f32 v17, v18;
	(pc) =	sbr.rel @p0 .LBB2_9-.Ltmp6, $4  }
0x265: {  	v27 =	vadd.f32 $-4.970314500e-01, v27;
	v18 =	vadd.f32 $9.999450440e-01, v30;
	v17 =	vpack.i.f32.bf16 v26, v21  }
0x266: {  	v21 =	vmul.f32 v29, v25;
	v26 =	vadd.f32 $9.999450440e-01, v34;
	v29 =	vmul.f32 v32, v11;
	[tilespmem:s8+$0x18050] =	vst v17  }
0x267: {  	v25 =	vmul.f32 v27, v16;
	v27 =	vmul.f32 v31, v9;
	v17 =	vadd.f32 $9.999450440e-01, v28  }
0x268: {  	v21 =	vadd.f32 v21, v33;
	v26 =	vmul.f32 v26, v22;
	v22 =	vadd.f32 $9.999450440e-01, v29  }
0x269: {  	v27 =	vadd.f32 $9.999450440e-01, v27;
	v25 =	vadd.f32 $9.999450440e-01, v25  }
0x26a: {  	v23 =	vadd.f32 $9.999450440e-01, v23;
	v10 =	vmul.f32 v18, v10;
	v6 =	vmul.f32 v17, v6  }
0x26b: {  	v34 =	vadd.f32 v13, v24;
	v1 =	vadd.f32 v26, v1;
	v11 =	vmul.f32 v22, v11  }
0x26c: {  	v12 =	vpack.i.f32.bf16 v12, v21;
	v9 =	vmul.f32 v27, v9;
	v16 =	vmul.f32 v25, v16  }
0x26d: {  	[tilespmem:s8+$0x18020] =	vst v12;
	v35 =	vadd.f32 v10, v4;
	v3 =	vadd.f32 v6, v3;
	v36 =	vpack.i.f32.bf16 v34, v19  }
0x26e: {  	v8 =	vmul.f32 v23, v8;
	v1 =	vpack.i.f32.bf16 v14, v1;
	[tilespmem:s8+$0x18010] =	vst v36;
	v7 =	vadd.f32 v9, v7  }
0x26f: {  	v0 =	vadd.f32 v11, v0;
	v2 =	vadd.f32 v16, v2;
	[tilespmem:s8+$0x18040] =	vst v1;
	v37 =	vpack.i.f32.bf16 v35, v3  }
0x270: {  	v32 =	vadd.f32 v8, v5;
	[tilespmem:s8+$0x18030] =	vst v37;
	v33 =	vpack.i.f32.bf16 v7, v20  }
0x271: {  	v0 =	vpack.i.f32.bf16 v0, v2;
	[tilespmem:s8+$0x18000] =	vst v33  }
0x272: {  	s9 =	rddreg [dreg:$0xa];
	v1 =	vpack.i.f32.bf16 v15, v32;
	[tilespmem:s8+$0x18060] =	vst v0  }
0x273: {  	s10 =	simm.s32 $0x1FD80;
	s29 =	simm.s32 $0x7;
	[tilespmem:s8+$0x18070] =	vst v1;
	s8 =	simm.s32 $0x0  }
0x274: {  	[tilespmem:s10], [sflag:$0x7] =	stream.linear.gather [hbm4b:s9+s8], $0x80, $0x200038;
	[tilespmem:$0x1FE00] =	vst v63  }
0x275: {  	_ =	swait.ge [sflag:s29], $0x80  }
0x276: {  	[sflag:s29] =	ssyncset.done $0x0  }
0x277: {  	[sflag:s29] =	ssyncadd.s32 $0xFFFFFF80  }
0x278: {  	v38 =	vld [tilespmem:$0x18680]  }
0x279: {  	v39 =	vld [tilespmem:$0x1FD80]  }
0x27a: {  	v40 =	vld [tilespmem:$0x18690]  }
0x27b: {  	v41 =	vld [tilespmem:$0x1FD90];
	_ =	sdelay $0x1  }
0x27c: {  	v42 =	vsub.f32 $0.0e+00, v38  }
0x27d: {  	v43 =	vsub.f32 $0.0e+00, v39  }
0x27e: {  	v44 =	vsub.f32 $0.0e+00, v40;
	v4 =	vmin.f32 v38, v42  }
0x27f: {  	v45 =	vsub.f32 $0.0e+00, v41;
	v5 =	vmin.f32 v39, v43;
	v4 =	vmul.f32 $1.442695020e+00, v4  }
0x280: {  	v6 =	vmin.f32 v40, v44;
	v5 =	vmul.f32 $1.442695020e+00, v5  }
0x281: {  	v47 =	vmin.f32 v41, v45;
	v46 =	vmul.f32 $1.442695020e+00, v6;
	(erf) = vpow2.f32 v4  }
0x282: {  	v48 =	vmul.f32 $1.442695020e+00, v47;
	(erf) = vpow2.f32 v5  }
0x283: {  	(erf) = vpow2.f32 v46  }
0x284: {  	(erf) = vpow2.f32 v48;
	_ =	sdelay $0x5  }
0x285: {  	v49 =	vpop (erf)  }
0x286: {  	v50 =	vpop (erf)  }
0x287: {  	v52 =	vpop (erf)  }
0x288: {  	v51 =	vmul.f32 $4.155156760e-02, v49;
	v53 =	vmul.f32 $4.155156760e-02, v50;
	v54 =	vpop (erf)  }
0x289: {  	v55 =	vmul.f32 $4.155156760e-02, v52;
	v56 =	vmul.f32 $4.155156760e-02, v54  }
0x28a: {  	v6 =	vadd.f32 $-1.578400430e-01, v51;
	v8 =	vadd.f32 $-1.578400430e-01, v53  }
0x28b: {  	v10 =	vadd.f32 $-1.578400430e-01, v55;
	v11 =	vadd.f32 $-1.578400430e-01, v56  }
0x28c: {  	v6 =	vmul.f32 v6, v49;
	v8 =	vmul.f32 v8, v50  }
0x28d: {  	v10 =	vmul.f32 v10, v52;
	v11 =	vmul.f32 v11, v54  }
0x28e: {  	v6 =	vadd.f32 $3.065628410e-01, v6;
	v8 =	vadd.f32 $3.065628410e-01, v8  }
0x28f: {  	v10 =	vadd.f32 $3.065628410e-01, v10;
	v11 =	vadd.f32 $3.065628410e-01, v11  }
0x290: {  	v6 =	vmul.f32 v6, v49;
	v8 =	vmul.f32 v8, v50  }
0x291: {  	v10 =	vmul.f32 v10, v52;
	v11 =	vmul.f32 v11, v54  }
0x292: {  	v6 =	vadd.f32 $-4.970314500e-01, v6;
	v8 =	vadd.f32 $-4.970314500e-01, v8  }
0x293: {  	v10 =	vadd.f32 $-4.970314500e-01, v10;
	v11 =	vadd.f32 $-4.970314500e-01, v11  }
0x294: {  	v6 =	vmul.f32 v6, v49;
	v8 =	vmul.f32 v8, v50  }
0x295: {  	v10 =	vmul.f32 v10, v52;
	v11 =	vmul.f32 v11, v54  }
0x296: {  	v6 =	vadd.f32 $9.999450440e-01, v6;
	v57 =	vadd.f32 $9.999450440e-01, v8  }
0x297: {  	v0 =	vmax.f32 v38, $0.0e+00;
	v58 =	vadd.f32 $9.999450440e-01, v10;
	v59 =	vadd.f32 $9.999450440e-01, v11  }
0x298: {  	v1 =	vmax.f32 v39, $0.0e+00;
	v4 =	vmul.f32 v6, v49;
	v60 =	vmul.f32 v57, v50  }
0x299: {  	v2 =	vmax.f32 v40, $0.0e+00;
	v61 =	vmul.f32 v58, v52;
	v62 =	vmul.f32 v59, v54  }
0x29a: {  	v3 =	vmax.f32 v41, $0.0e+00;
	v0 =	vadd.f32 v4, v0;
	v1 =	vadd.f32 v60, v1  }
0x29b: {  	v2 =	vadd.f32 v61, v2;
	v3 =	vadd.f32 v62, v3  }
0x29c: {  	v0 =	vpack.i.f32.bf16 v1, v0  }
0x29d: {  	[tilespmem:$0x18680] =	vst v0;
	v63 =	vpack.i.f32.bf16 v3, v2  }
0x29e: {  	[tilespmem:$0x18690] =	vst v63  }
0x29f: {  	_ =	strace $0x90000049  }
.LBB2_11:
0x2a0: {  	_ =	swait.ge [sflag:s30], $0x1000  }
0x2a1: {  	p0 =	seq.s32 s8, $0x0;
	[sflag:s30] =	ssyncset.done $0x0  }
0x2a2: {  	s9 =	simm.s32 @!p0 $0x3;
	[sflag:s30] =	ssyncadd.s32 $0xFFFFF000  }
0x2a3: {  	_ =	swait.ge @!p0 [sflag:s9], $0x2000  }
0x2a4: {  	[sflag:s9] =	ssyncset.done @!p0 $0x0  }
0x2a5: {  	s29 =	simm.s32 $0x0;
	[sflag:s9] =	ssyncadd.s32 @!p0 $0xFFFFE000  }
0x2a6: {  	v0 =	vld [tilespmem:s29+$0x18770]  }
0x2a7: {  	v1 =	vld [tilespmem:s29+$0x18700]  }
0x2a8: {  	v2 =	vld [tilespmem:s29+$0x18710]  }
0x2a9: {  	v3 =	vld [tilespmem:s29+$0x18720]  }
0x2aa: {  	v4 =	vld [tilespmem:s29+$0x18730]  }
0x2ab: {  	v5 =	vld [tilespmem:s29+$0x18740]  }
0x2ac: {  	v6 =	vld [tilespmem:s29+$0x18750]  }
0x2ad: {  	v7 =	vld [tilespmem:s29+$0x18760]  }
0x2ae: {  	v0 =	vld.idx.msk [tilespmem:v0+s6+$0x0], $0xffff  }
0x2af: {  	v1 =	vld.idx.msk [tilespmem:v1+s6+$0x0], $0xffff  }
0x2b0: {  	v2 =	vld.idx.msk [tilespmem:v2+s6+$0x0], $0xffff  }
0x2b1: {  	v3 =	vld.idx.msk [tilespmem:v3+s6+$0x0], $0xffff  }
0x2b2: {  	v4 =	vld.idx.msk [tilespmem:v4+s6+$0x0], $0xffff  }
0x2b3: {  	v5 =	vld.idx.msk [tilespmem:v5+s6+$0x0], $0xffff  }
0x2b4: {  	s10 =	simm.s32 $0x1A780;
	v6 =	vld.idx.msk [tilespmem:v6+s6+$0x0], $0xffff;
	v8 =	vunpack.i.u.bf16.f32 v0  }
0x2b5: {  	v7 =	vld.idx.msk [tilespmem:v7+s6+$0x0], $0xffff;
	v9 =	vunpack.i.l.bf16.f32 v1;
	[tilespmem:s10+$0x70] =	vst v8  }
0x2b6: {  	v1 =	vunpack.i.u.bf16.f32 v1;
	[tilespmem:s10+$0xFFFFFF80] =	vst v9  }
0x2b7: {  	v52 =	vunpack.i.l.bf16.f32 v2;
	[tilespmem:s10+$0x0] =	vst v1  }
0x2b8: {  	v53 =	vunpack.i.u.bf16.f32 v2;
	[tilespmem:s10+$0xFFFFFF90] =	vst v52  }
0x2b9: {  	v54 =	vunpack.i.l.bf16.f32 v3;
	[tilespmem:s10+$0x10] =	vst v53  }
0x2ba: {  	v55 =	vunpack.i.l.bf16.f32 v5;
	[tilespmem:s10+$0xFFFFFFA0] =	vst v54  }
0x2bb: {  	v56 =	vunpack.i.u.bf16.f32 v5;
	[tilespmem:s10+$0xFFFFFFC0] =	vst v55  }
0x2bc: {  	v57 =	vunpack.i.u.bf16.f32 v4;
	[tilespmem:s10+$0x40] =	vst v56  }
0x2bd: {  	v58 =	vunpack.i.l.bf16.f32 v4;
	[tilespmem:s10+$0x30] =	vst v57  }
0x2be: {  	v59 =	vunpack.i.u.bf16.f32 v3;
	[tilespmem:s10+$0xFFFFFFB0] =	vst v58  }
0x2bf: {  	v0 =	vunpack.i.l.bf16.f32 v0;
	[tilespmem:s10+$0x20] =	vst v59  }
0x2c0: {  	v60 =	vunpack.i.u.bf16.f32 v7;
	[tilespmem:s10+$0xFFFFFFF0] =	vst v0  }
0x2c1: {  	v61 =	vunpack.i.l.bf16.f32 v7;
	[tilespmem:s10+$0x60] =	vst v60  }
0x2c2: {  	v62 =	vunpack.i.u.bf16.f32 v6;
	[tilespmem:s10+$0xFFFFFFE0] =	vst v61  }
0x2c3: {  	v63 =	vunpack.i.l.bf16.f32 v6;
	[tilespmem:s10+$0x50] =	vst v62  }
0x2c4: {  	s14 =	simm.s32 $0x80;
	s13 =	simm.s32 $0x400;
	s9 =	sshll.u32 s8, $0x1;
	[tilespmem:s10+$0xFFFFFFD0] =	vst v63  }
.LBB2_12:
0x2c5: {  	p1 =	sne.s32 s13, $0x3E00;
	v0 =	vld [tilespmem:s14+$0x18770]  }
0x2c6: {  	v1 =	vld [tilespmem:s14+$0x18700]  }
0x2c7: {  	v2 =	vld [tilespmem:s14+$0x18710]  }
0x2c8: {  	v3 =	vld [tilespmem:s14+$0x18720]  }
0x2c9: {  	v4 =	vld [tilespmem:s14+$0x18730]  }
0x2ca: {  	v5 =	vld [tilespmem:s14+$0x18740]  }
0x2cb: {  	v6 =	vld [tilespmem:s14+$0x18750]  }
0x2cc: {  	v7 =	vld [tilespmem:s14+$0x18760]  }
0x2cd: {  	v0 =	vld.idx.msk [tilespmem:v0+s6+$0x0], $0xffff  }
0x2ce: {  	v1 =	vld.idx.msk [tilespmem:v1+s6+$0x0], $0xffff  }
0x2cf: {  	v2 =	vld.idx.msk [tilespmem:v2+s6+$0x0], $0xffff  }
0x2d0: {  	v3 =	vld.idx.msk [tilespmem:v3+s6+$0x0], $0xffff  }
0x2d1: {  	v4 =	vld.idx.msk [tilespmem:v4+s6+$0x0], $0xffff  }
0x2d2: {  	v5 =	vld.idx.msk [tilespmem:v5+s6+$0x0], $0xffff  }
0x2d3: {  	s10 =	sadd.s32 $0x100, s10;
	v8 =	vunpack.i.u.bf16.f32 v0;
	v0 =	vunpack.i.l.bf16.f32 v0;
	v6 =	vld.idx.msk [tilespmem:v6+s6+$0x0], $0xffff  }
0x2d4: {  	v9 =	vunpack.i.u.bf16.f32 v1;
	v1 =	vunpack.i.l.bf16.f32 v1;
	v7 =	vld.idx.msk [tilespmem:v7+s6+$0x0], $0xffff;
	[tilespmem:s10+$0x70] =	vst v8  }
0x2d5: {  	v8 =	vunpack.i.u.bf16.f32 v2;
	v2 =	vunpack.i.l.bf16.f32 v2;
	[tilespmem:s10+$0xFFFFFF80] =	vst v1  }
0x2d6: {  	v1 =	vunpack.i.u.bf16.f32 v3;
	v3 =	vunpack.i.l.bf16.f32 v3;
	[tilespmem:s10+$0x0] =	vst v9  }
0x2d7: {  	v9 =	vunpack.i.u.bf16.f32 v4;
	v4 =	vunpack.i.l.bf16.f32 v4;
	[tilespmem:s10+$0xFFFFFF90] =	vst v2  }
0x2d8: {  	v2 =	vunpack.i.u.bf16.f32 v5;
	v5 =	vunpack.i.l.bf16.f32 v5;
	[tilespmem:s10+$0x10] =	vst v8  }
0x2d9: {  	v8 =	vunpack.i.u.bf16.f32 v6;
	v6 =	vunpack.i.l.bf16.f32 v6;
	[tilespmem:s10+$0xFFFFFFA0] =	vst v3  }
0x2da: {  	v3 =	vunpack.i.u.bf16.f32 v7;
	v7 =	vunpack.i.l.bf16.f32 v7;
	[tilespmem:s10+$0xFFFFFFC0] =	vst v5  }
0x2db: {  	[tilespmem:s10+$0x40] =	vst v2  }
0x2dc: {  	[tilespmem:s10+$0x30] =	vst v9  }
0x2dd: {  	[tilespmem:s10+$0xFFFFFFB0] =	vst v4  }
0x2de: {  	[tilespmem:s10+$0x20] =	vst v1  }
.Ltmp7:
0x2df: {  	[tilespmem:s10+$0xFFFFFFF0] =	vst v0;
	(pc) =	sbr.rel @p1 .LBB2_12-.Ltmp7, $4  }
0x2e0: {  	[tilespmem:s10+$0x60] =	vst v3  }
0x2e1: {  	[tilespmem:s10+$0xFFFFFFE0] =	vst v7  }
0x2e2: {  	[tilespmem:s10+$0x50] =	vst v8  }
0x2e3: {  	s14 =	sshra.s32 s13, $0x2;
	s13 =	sadd.s32 $0x200, s13;
	[tilespmem:s10+$0xFFFFFFD0] =	vst v6  }
0x2e4: {  	v0 =	vld [tilespmem:s14+$0x18770]  }
0x2e5: {  	v1 =	vld [tilespmem:s14+$0x18700]  }
0x2e6: {  	v2 =	vld [tilespmem:s14+$0x18710]  }
0x2e7: {  	v3 =	vld [tilespmem:s14+$0x18720]  }
0x2e8: {  	v4 =	vld [tilespmem:s14+$0x18730]  }
0x2e9: {  	v5 =	vld [tilespmem:s14+$0x18740]  }
0x2ea: {  	v6 =	vld [tilespmem:s14+$0x18750]  }
0x2eb: {  	v7 =	vld [tilespmem:s14+$0x18760]  }
0x2ec: {  	v0 =	vld.idx.msk [tilespmem:v0+s6+$0x0], $0xffff  }
0x2ed: {  	v1 =	vld.idx.msk [tilespmem:v1+s6+$0x0], $0xffff  }
0x2ee: {  	v2 =	vld.idx.msk [tilespmem:v2+s6+$0x0], $0xffff  }
0x2ef: {  	v3 =	vld.idx.msk [tilespmem:v3+s6+$0x0], $0xffff  }
0x2f0: {  	v4 =	vld.idx.msk [tilespmem:v4+s6+$0x0], $0xffff  }
0x2f1: {  	v5 =	vld.idx.msk [tilespmem:v5+s6+$0x0], $0xffff  }
0x2f2: {  	s13 =	sadd.s32 $0x100, s10;
	v6 =	vld.idx.msk [tilespmem:v6+s6+$0x0], $0xffff;
	v8 =	vunpack.i.u.bf16.f32 v0  }
0x2f3: {  	v7 =	vld.idx.msk [tilespmem:v7+s6+$0x0], $0xffff;
	v9 =	vunpack.i.l.bf16.f32 v1;
	[tilespmem:s13+$0x70] =	vst v8  }
0x2f4: {  	v1 =	vunpack.i.u.bf16.f32 v1;
	[tilespmem:s13+$0xFFFFFF80] =	vst v9  }
0x2f5: {  	v52 =	vunpack.i.l.bf16.f32 v2;
	[tilespmem:s13+$0x0] =	vst v1  }
0x2f6: {  	v53 =	vunpack.i.u.bf16.f32 v2;
	[tilespmem:s13+$0xFFFFFF90] =	vst v52  }
0x2f7: {  	v54 =	vunpack.i.l.bf16.f32 v3;
	[tilespmem:s13+$0x10] =	vst v53  }
0x2f8: {  	v55 =	vunpack.i.l.bf16.f32 v5;
	[tilespmem:s13+$0xFFFFFFA0] =	vst v54  }
0x2f9: {  	v56 =	vunpack.i.u.bf16.f32 v5;
	[tilespmem:s13+$0xFFFFFFC0] =	vst v55  }
0x2fa: {  	v57 =	vunpack.i.u.bf16.f32 v4;
	[tilespmem:s13+$0x40] =	vst v56  }
0x2fb: {  	v58 =	vunpack.i.l.bf16.f32 v4;
	[tilespmem:s13+$0x30] =	vst v57  }
0x2fc: {  	v59 =	vunpack.i.u.bf16.f32 v3;
	[tilespmem:s13+$0xFFFFFFB0] =	vst v58  }
0x2fd: {  	v0 =	vunpack.i.l.bf16.f32 v0;
	[tilespmem:s13+$0x20] =	vst v59  }
0x2fe: {  	s22 =	sshll.u32 s8, $0x13;
	p1 =	sne.s32 s8, $0x18;
	v60 =	vunpack.i.u.bf16.f32 v7;
	[tilespmem:s13+$0xFFFFFFF0] =	vst v0  }
.Ltmp8:
0x2ff: {  	s10 =	sor.u32 s22, s15;
	v61 =	vunpack.i.l.bf16.f32 v7;
	[tilespmem:s13+$0x60] =	vst v60;
	(pc) =	sbr.rel @p1 .LBB2_15-.Ltmp8, $4  }
0x300: {  	s10 =	sor.u32 s5, s10;
	v62 =	vunpack.i.u.bf16.f32 v6;
	[tilespmem:s13+$0xFFFFFFE0] =	vst v61  }
0x301: {  	s10 =	sshrl.u32 s10, $0x3;
	v63 =	vunpack.i.l.bf16.f32 v6;
	[tilespmem:s13+$0x50] =	vst v62  }
0x302: {  	s29 =	sadd.s32 s4, s10;
	[tilespmem:s13+$0xFFFFFFD0] =	vst v63  }
0x303: {  	[hbm4b:s29+s31] =	stream.strided.scatter [tilespmem:s3], [sflag:$0x3], $0x2000, s19, s31, $0x38;
	[tilespmem:$0x1FE00] =	vst v63  }
.Ltmp9:
0x304: {  	(pc) =	sbr.rel .LBB2_16-.Ltmp9, $4  }
0x305: {  	_ = 	snop  }
0x306: {  	_ =	swait.ge [sflag:s0], $0x1000  }
0x307: {  	[sflag:s0] =	ssyncset.done $0x0  }
0x308: {  	[sflag:s0] =	ssyncadd.s32 $0xFFFFF000  }
.LBB2_15:
0x309: {  	s13 =	sadd.s32 $0x2, s9  }
0x30a: {  	s14 =	sshll.u32 s13, $0x4  }
0x30b: {  	s13 =	sshll.u32 s13, $0x9;
	s14 =	sand.u32 $0x60, s14  }
0x30c: {  	s13 =	sand.u32 $0xF000, s13;
	s14 =	sadd.s32 s2, s14  }
.Ltmp10:
0x30d: {  	s13 =	sadd.s32 s13, s14;
	(pc) =	sbr.rel @p0 .LBB2_17-.Ltmp10, $4  }
0x30e: {  	[tilespmem:s20], [sflag:$0x1] =	stream.strided.gather [hbm4b:s13+s18], $0x1000, s19, s18, $0x38;
	[tilespmem:$0x1FE00] =	vst v63  }
0x30f: {  	_ =	swait.ge [sflag:s0], $0x1000  }
0x310: {  	[sflag:s0] =	ssyncset.done $0x0  }
0x311: {  	[sflag:s0] =	ssyncadd.s32 $0xFFFFF000  }
.LBB2_16:
0x312: {  	_ =	swait.ge [sflag:s23], $0x2000  }
0x313: {  	[sflag:s23] =	ssyncset.done $0x0  }
0x314: {  	[sflag:s23] =	ssyncadd.s32 $0xFFFFE000  }
.LBB2_17:
0x315: {  	s13 =	simm.s32 $0x0  }
0x316: {  	v0 =	vld [tilespmem:s13+$0x19770]  }
0x317: {  	v1 =	vld [tilespmem:s13+$0x19700]  }
0x318: {  	v2 =	vld [tilespmem:s13+$0x19710]  }
0x319: {  	v3 =	vld [tilespmem:s13+$0x19720]  }
0x31a: {  	v4 =	vld [tilespmem:s13+$0x19730]  }
0x31b: {  	v5 =	vld [tilespmem:s13+$0x19740]  }
0x31c: {  	v6 =	vld [tilespmem:s13+$0x19750]  }
0x31d: {  	v7 =	vld [tilespmem:s13+$0x19760]  }
0x31e: {  	v0 =	vld.idx.msk [tilespmem:v0+s6+$0x0], $0xffff  }
0x31f: {  	v1 =	vld.idx.msk [tilespmem:v1+s6+$0x0], $0xffff  }
0x320: {  	v2 =	vld.idx.msk [tilespmem:v2+s6+$0x0], $0xffff  }
0x321: {  	v3 =	vld.idx.msk [tilespmem:v3+s6+$0x0], $0xffff  }
0x322: {  	v4 =	vld.idx.msk [tilespmem:v4+s6+$0x0], $0xffff  }
0x323: {  	v5 =	vld.idx.msk [tilespmem:v5+s6+$0x0], $0xffff  }
0x324: {  	s13 =	simm.s32 $0x1C780;
	v6 =	vld.idx.msk [tilespmem:v6+s6+$0x0], $0xffff;
	v8 =	vunpack.i.u.bf16.f32 v0  }
0x325: {  	v7 =	vld.idx.msk [tilespmem:v7+s6+$0x0], $0xffff;
	v9 =	vunpack.i.l.bf16.f32 v1;
	[tilespmem:s13+$0x70] =	vst v8  }
0x326: {  	v1 =	vunpack.i.u.bf16.f32 v1;
	[tilespmem:s13+$0xFFFFFF80] =	vst v9  }
0x327: {  	v52 =	vunpack.i.l.bf16.f32 v2;
	[tilespmem:s13+$0x0] =	vst v1  }
0x328: {  	v53 =	vunpack.i.u.bf16.f32 v2;
	[tilespmem:s13+$0xFFFFFF90] =	vst v52  }
0x329: {  	v54 =	vunpack.i.l.bf16.f32 v3;
	[tilespmem:s13+$0x10] =	vst v53  }
0x32a: {  	v55 =	vunpack.i.l.bf16.f32 v5;
	[tilespmem:s13+$0xFFFFFFA0] =	vst v54  }
0x32b: {  	v56 =	vunpack.i.u.bf16.f32 v5;
	[tilespmem:s13+$0xFFFFFFC0] =	vst v55  }
0x32c: {  	v57 =	vunpack.i.u.bf16.f32 v4;
	[tilespmem:s13+$0x40] =	vst v56  }
0x32d: {  	v58 =	vunpack.i.l.bf16.f32 v4;
	[tilespmem:s13+$0x30] =	vst v57  }
0x32e: {  	v59 =	vunpack.i.u.bf16.f32 v3;
	[tilespmem:s13+$0xFFFFFFB0] =	vst v58  }
0x32f: {  	v0 =	vunpack.i.l.bf16.f32 v0;
	[tilespmem:s13+$0x20] =	vst v59  }
0x330: {  	v60 =	vunpack.i.u.bf16.f32 v7;
	[tilespmem:s13+$0xFFFFFFF0] =	vst v0  }
0x331: {  	v61 =	vunpack.i.l.bf16.f32 v7;
	[tilespmem:s13+$0x60] =	vst v60  }
0x332: {  	v62 =	vunpack.i.u.bf16.f32 v6;
	[tilespmem:s13+$0xFFFFFFE0] =	vst v61  }
0x333: {  	v63 =	vunpack.i.l.bf16.f32 v6;
	[tilespmem:s13+$0x50] =	vst v62  }
0x334: {  	s17 =	simm.s32 $0x80;
	s14 =	simm.s32 $0x400;
	[tilespmem:s13+$0xFFFFFFD0] =	vst v63  }
.LBB2_18:
0x335: {  	p0 =	sne.s32 s14, $0x3E00;
	v0 =	vld [tilespmem:s17+$0x19770]  }
0x336: {  	v1 =	vld [tilespmem:s17+$0x19700]  }
0x337: {  	v2 =	vld [tilespmem:s17+$0x19710]  }
0x338: {  	v3 =	vld [tilespmem:s17+$0x19720]  }
0x339: {  	v4 =	vld [tilespmem:s17+$0x19730]  }
0x33a: {  	v5 =	vld [tilespmem:s17+$0x19740]  }
0x33b: {  	v6 =	vld [tilespmem:s17+$0x19750]  }
0x33c: {  	v7 =	vld [tilespmem:s17+$0x19760]  }
0x33d: {  	v0 =	vld.idx.msk [tilespmem:v0+s6+$0x0], $0xffff  }
0x33e: {  	v1 =	vld.idx.msk [tilespmem:v1+s6+$0x0], $0xffff  }
0x33f: {  	v2 =	vld.idx.msk [tilespmem:v2+s6+$0x0], $0xffff  }
0x340: {  	v3 =	vld.idx.msk [tilespmem:v3+s6+$0x0], $0xffff  }
0x341: {  	v4 =	vld.idx.msk [tilespmem:v4+s6+$0x0], $0xffff  }
0x342: {  	v5 =	vld.idx.msk [tilespmem:v5+s6+$0x0], $0xffff  }
0x343: {  	s13 =	sadd.s32 $0x100, s13;
	v8 =	vunpack.i.u.bf16.f32 v0;
	v0 =	vunpack.i.l.bf16.f32 v0;
	v6 =	vld.idx.msk [tilespmem:v6+s6+$0x0], $0xffff  }
0x344: {  	v9 =	vunpack.i.u.bf16.f32 v1;
	v1 =	vunpack.i.l.bf16.f32 v1;
	v7 =	vld.idx.msk [tilespmem:v7+s6+$0x0], $0xffff;
	[tilespmem:s13+$0x70] =	vst v8  }
0x345: {  	v8 =	vunpack.i.u.bf16.f32 v2;
	v2 =	vunpack.i.l.bf16.f32 v2;
	[tilespmem:s13+$0xFFFFFF80] =	vst v1  }
0x346: {  	v1 =	vunpack.i.u.bf16.f32 v3;
	v3 =	vunpack.i.l.bf16.f32 v3;
	[tilespmem:s13+$0x0] =	vst v9  }
0x347: {  	v9 =	vunpack.i.u.bf16.f32 v4;
	v4 =	vunpack.i.l.bf16.f32 v4;
	[tilespmem:s13+$0xFFFFFF90] =	vst v2  }
0x348: {  	v2 =	vunpack.i.u.bf16.f32 v5;
	v5 =	vunpack.i.l.bf16.f32 v5;
	[tilespmem:s13+$0x10] =	vst v8  }
0x349: {  	v8 =	vunpack.i.u.bf16.f32 v6;
	v6 =	vunpack.i.l.bf16.f32 v6;
	[tilespmem:s13+$0xFFFFFFA0] =	vst v3  }
0x34a: {  	v3 =	vunpack.i.u.bf16.f32 v7;
	v7 =	vunpack.i.l.bf16.f32 v7;
	[tilespmem:s13+$0xFFFFFFC0] =	vst v5  }
0x34b: {  	[tilespmem:s13+$0x40] =	vst v2  }
0x34c: {  	[tilespmem:s13+$0x30] =	vst v9  }
0x34d: {  	[tilespmem:s13+$0xFFFFFFB0] =	vst v4  }
0x34e: {  	[tilespmem:s13+$0x20] =	vst v1  }
.Ltmp11:
0x34f: {  	[tilespmem:s13+$0xFFFFFFF0] =	vst v0;
	(pc) =	sbr.rel @p0 .LBB2_18-.Ltmp11, $4  }
0x350: {  	[tilespmem:s13+$0x60] =	vst v3  }
0x351: {  	[tilespmem:s13+$0xFFFFFFE0] =	vst v7  }
0x352: {  	[tilespmem:s13+$0x50] =	vst v8  }
0x353: {  	s17 =	sshra.s32 s14, $0x2;
	s14 =	sadd.s32 $0x200, s14;
	[tilespmem:s13+$0xFFFFFFD0] =	vst v6  }
0x354: {  	v0 =	vld [tilespmem:s17+$0x19770]  }
0x355: {  	v1 =	vld [tilespmem:s17+$0x19700]  }
0x356: {  	v2 =	vld [tilespmem:s17+$0x19710]  }
0x357: {  	v3 =	vld [tilespmem:s17+$0x19720]  }
0x358: {  	v4 =	vld [tilespmem:s17+$0x19730]  }
0x359: {  	v5 =	vld [tilespmem:s17+$0x19740]  }
0x35a: {  	v6 =	vld [tilespmem:s17+$0x19750]  }
0x35b: {  	v7 =	vld [tilespmem:s17+$0x19760]  }
0x35c: {  	v0 =	vld.idx.msk [tilespmem:v0+s6+$0x0], $0xffff  }
0x35d: {  	v1 =	vld.idx.msk [tilespmem:v1+s6+$0x0], $0xffff  }
0x35e: {  	v2 =	vld.idx.msk [tilespmem:v2+s6+$0x0], $0xffff  }
0x35f: {  	v3 =	vld.idx.msk [tilespmem:v3+s6+$0x0], $0xffff  }
0x360: {  	v4 =	vld.idx.msk [tilespmem:v4+s6+$0x0], $0xffff  }
0x361: {  	v5 =	vld.idx.msk [tilespmem:v5+s6+$0x0], $0xffff  }
0x362: {  	s13 =	sadd.s32 $0x100, s13;
	v6 =	vld.idx.msk [tilespmem:v6+s6+$0x0], $0xffff;
	v8 =	vunpack.i.u.bf16.f32 v0  }
0x363: {  	v7 =	vld.idx.msk [tilespmem:v7+s6+$0x0], $0xffff;
	v9 =	vunpack.i.l.bf16.f32 v1;
	[tilespmem:s13+$0x70] =	vst v8  }
0x364: {  	v1 =	vunpack.i.u.bf16.f32 v1;
	[tilespmem:s13+$0xFFFFFF80] =	vst v9  }
0x365: {  	v52 =	vunpack.i.l.bf16.f32 v2;
	[tilespmem:s13+$0x0] =	vst v1  }
0x366: {  	v53 =	vunpack.i.u.bf16.f32 v2;
	[tilespmem:s13+$0xFFFFFF90] =	vst v52  }
0x367: {  	v54 =	vunpack.i.l.bf16.f32 v3;
	[tilespmem:s13+$0x10] =	vst v53  }
0x368: {  	v55 =	vunpack.i.l.bf16.f32 v5;
	[tilespmem:s13+$0xFFFFFFA0] =	vst v54  }
0x369: {  	v56 =	vunpack.i.u.bf16.f32 v5;
	[tilespmem:s13+$0xFFFFFFC0] =	vst v55  }
0x36a: {  	v57 =	vunpack.i.u.bf16.f32 v4;
	[tilespmem:s13+$0x40] =	vst v56  }
0x36b: {  	v58 =	vunpack.i.l.bf16.f32 v4;
	[tilespmem:s13+$0x30] =	vst v57  }
0x36c: {  	v59 =	vunpack.i.u.bf16.f32 v3;
	[tilespmem:s13+$0xFFFFFFB0] =	vst v58  }
0x36d: {  	v0 =	vunpack.i.l.bf16.f32 v0;
	[tilespmem:s13+$0x20] =	vst v59  }
0x36e: {  	p0 =	seq.s32 s8, $0x18;
	v60 =	vunpack.i.u.bf16.f32 v7;
	[tilespmem:s13+$0xFFFFFFF0] =	vst v0  }
.Ltmp12:
0x36f: {  	v61 =	vunpack.i.l.bf16.f32 v7;
	[tilespmem:s13+$0x60] =	vst v60;
	(pc) =	sbr.rel @p0 .LBB2_21-.Ltmp12, $4  }
0x370: {  	v62 =	vunpack.i.u.bf16.f32 v6;
	[tilespmem:s13+$0xFFFFFFE0] =	vst v61  }
0x371: {  	v63 =	vunpack.i.l.bf16.f32 v6;
	[tilespmem:s13+$0x50] =	vst v62  }
0x372: {  	s10 =	sadd.s32 s10, s16;
	[tilespmem:s13+$0xFFFFFFD0] =	vst v63  }
0x373: {  	[hbm4b:s10+s31] =	stream.strided.scatter [tilespmem:s28], [sflag:$0x4], $0x2000, s19, s31, $0x38;
	[tilespmem:$0x1FE00] =	vst v63  }
0x374: {  	s9 =	sadd.s32 $0x3, s9  }
.Ltmp13:
0x375: {  	s10 =	sshll.u32 s9, $0x4;
	(pc) =	sbr.rel .LBB2_11-.Ltmp13, $4  }
0x376: {  	s9 =	sshll.u32 s9, $0x9;
	s10 =	sand.u32 $0x70, s10  }
0x377: {  	s9 =	sand.u32 $0xF000, s9;
	s10 =	sadd.s32 s2, s10  }
0x378: {  	s8 =	sadd.s32 $0x1, s8;
	s9 =	sadd.s32 s9, s10  }
0x379: {  	[tilespmem:s21], [sflag:$0x2] =	stream.strided.gather [hbm4b:s9+s18], $0x1000, s19, s18, $0x38;
	[tilespmem:$0x1FE00] =	vst v63  }
.LBB2_22:
0x37a: {  	_ =	sfence.sel $0x180000  }
0x37b: {  	[bflag:$0x0] =	sbarrier.arrive $0xFFFF  }
0x37c: {  	_ =	strace $0x90000047  }
0x37d: {  	s0 =	stileid.u32;
	[bflag:$0x2] =	sbarrier.arrive $0xFFFF  }
0x37e: {  	p0 =	sne.s32 s0, $0x0;
	s0 =	rddreg [dreg:$0x4]  }
0x37f: {  	s0 =	sadd.s32 @!p0 $0x100000, s0  }
0x380: {  	[sflag:s0] =	ssyncadd.tile.s32 @!p0 $0x1;
	_ =	shalt  }
.Lfunc_end2:
_tile_overlayer_lowered:
.L_overlay_start_2:
0x381: {  	(tag) =	ssettag $0x2  }
0x382: {  	s0 =	rddreg [dreg:$0x0];
	s2 =	stileid.u32  }
0x383: {  	s1 =	rddreg [dreg:$0x1];
	p0 =	sne.s32 s2, $0x0  }
0x384: {  	s3 =	rddreg [dreg:$0x2];
	[bflag:$0x3] =	sbarrier.arrive $0xFFFF;
	s2 =	simm.s32 @!p0 $0x1C07  }
0x385: {  	[timem:s3], [sflag:s2] =	dma.local @!p0 [hbm:s0], s1  }
0x386: {  	s0 =	simm.s32 @!p0 $0x7  }
0x387: {  	_ =	swait.ge @!p0 [sflag:s0], s1  }
0x388: {  	s1 =	ssub.s32 @!p0 $0x0, s1;
	[sflag:s0] =	ssyncset.done @!p0 $0x0  }
0x389: {  	[sflag:s0] =	ssyncadd.s32 @!p0 s1  }
0x38a: {  	[bflag:$0x3] =	sbarrier.arrive $0xFFFF  }
0x38b: {  	_ =	shalt  }

</sc_bundles>
